<compile_context>
chip_gen: v7x
topology: tpu7x:2x2x1
jax: 0.10.2.dev20260603
libtpu: 0.0.44.dev20260713+nightly
codegen_flags: <defaults>
</compile_context>

<pallas_src>
import functools

import jax
import jax.numpy as jnp
from jax import lax
from jax.experimental import pallas as pl
from jax.experimental.pallas import tpu as pltpu
from jax.experimental.pallas import tpu_sc as plsc

N = 10000
F = 128
FH = F // 2
HID = 512
CPAD = 16
N_PAD = 10240
E = 320000
NCORES = 2
NSUB = 16
NTILES = NCORES * NSUB
BATCH = 1024
NBATCH = 10
EPT = NBATCH * BATCH
E_PAD = NTILES * EPT
BATCH2 = 256
NB2 = 80
EPT2 = NB2 * BATCH2
E_PAD2 = NSUB * EPT2
NBUF = 2
NBUF1 = 2
GB = 8
NGRP2 = NB2 // GB
RPT = N_PAD // NSUB
ZROWS = N_PAD - N


def _mesh():
  return plsc.VectorSubcoreMesh(
      core_axis_name="c", subcore_axis_name="s",
      num_cores=NCORES, num_subcores=NSUB)


def _sc_degree(dst_idx):

  @functools.partial(
      pl.kernel,
      out_type=jax.ShapeDtypeStruct((NCORES, N_PAD), jnp.float32),
      mesh=_mesh(),
      compiler_params=pltpu.CompilerParams(use_tc_tiling_on_sc=False),
      scratch_types=[
          pltpu.VMEM((NBATCH, BATCH), jnp.int32),
          pltpu.VMEM((BATCH,), jnp.float32),
          pltpu.VMEM((RPT,), jnp.float32),
          pltpu.VMEM_SHARED((N_PAD,), jnp.float32),
      ],
  )
  def deg_kernel(dst_hbm, out_hbm, dstv, ones_v, zb, acc):
    c = lax.axis_index("c")
    s = lax.axis_index("s")
    w = c * NSUB + s
    pltpu.sync_copy(dst_hbm.at[w], dstv)
    for i in range(BATCH // 16):
      ones_v[pl.ds(i * 16, 16)] = jnp.ones((16,), jnp.float32)
    for i in range(RPT // 16):
      zb[pl.ds(i * 16, 16)] = jnp.zeros((16,), jnp.float32)
    pltpu.sync_copy(zb, acc.at[pl.ds(s * RPT, RPT)])
    plsc.subcore_barrier()

    def step(j, carry):
      pltpu.sync_copy(ones_v, acc.at[dstv.at[j]], add=True)
      return carry

    lax.fori_loop(0, NBATCH, step, None)
    plsc.subcore_barrier()
    pltpu.sync_copy(acc.at[pl.ds(s * RPT, RPT)],
                    out_hbm.at[c, pl.ds(s * RPT, RPT)])

  return deg_kernel(dst_idx)


def _sc_seg_sum_w128(xs2, src_idx, dst_idx):

  @functools.partial(
      pl.kernel,
      out_type=jax.ShapeDtypeStruct((NCORES, N_PAD, FH), jnp.float32),
      mesh=_mesh(),
      compiler_params=pltpu.CompilerParams(use_tc_tiling_on_sc=False),
      scratch_types=[
          pltpu.VMEM((2 * GB, BATCH2), jnp.int32),
          pltpu.VMEM((2 * GB, BATCH2), jnp.int32),
          pltpu.VMEM((NBUF1, BATCH2, FH), jnp.float32),
          pltpu.VMEM_SHARED((N_PAD, FH), jnp.float32),
          pltpu.VMEM_SHARED((N_PAD, FH), jnp.float32),
          pltpu.SemaphoreType.DMA,
          pltpu.SemaphoreType.DMA,
      ],
  )
  def seg_kernel(xs_hbm, src_hbm, dst_hbm, out_hbm, srcg, dstg, rows,
                 xs_sp, acc, *sems):
    c = lax.axis_index("c")
    s = lax.axis_index("s")
    pltpu.sync_copy(dst_hbm.at[s, pl.ds(0, 2 * GB)], dstg)
    pltpu.sync_copy(src_hbm.at[s, pl.ds(0, 2 * GB)], srcg)
    base = s * RPT
    pltpu.sync_copy(xs_hbm.at[c, pl.ds(base, RPT)], xs_sp.at[pl.ds(base, RPT)])
    pltpu.sync_copy(xs_hbm.at[c, pl.ds(N, ZROWS)], acc.at[pl.ds(base, ZROWS)])
    pltpu.sync_copy(xs_hbm.at[c, pl.ds(N, ZROWS)],
                    acc.at[pl.ds(base + ZROWS, ZROWS)])
    pltpu.sync_copy(xs_hbm.at[c, pl.ds(N, RPT - 2 * ZROWS)],
                    acc.at[pl.ds(base + 2 * ZROWS, RPT - 2 * ZROWS)])
    plsc.subcore_barrier()

    for b in range(NBUF1):
      pltpu.async_copy(xs_sp.at[srcg.at[b]], rows.at[b], sems[b])

    def group(g, carry):
      for b in range(GB):
        j = g * GB + b
        buf = b % NBUF1
        pltpu.make_async_copy(xs_hbm.at[c, pl.ds(0, BATCH2)], rows.at[buf],
                              sems[buf]).wait()
        pltpu.sync_copy(rows.at[buf], acc.at[dstg.at[lax.rem(j, 2 * GB)]],
                        add=True)
        jn = j + NBUF1
        jn = jnp.where(jn >= NB2, jn - NB2, jn)
        pltpu.async_copy(xs_sp.at[srcg.at[lax.rem(jn, 2 * GB)]],
                         rows.at[buf], sems[buf])
      gn = lax.rem(g + 2, NGRP2)
      pltpu.sync_copy(src_hbm.at[s, pl.ds(gn * GB, GB)],
                      srcg.at[pl.ds(lax.rem(g, 2) * GB, GB)])
      pltpu.sync_copy(dst_hbm.at[s, pl.ds(gn * GB, GB)],
                      dstg.at[pl.ds(lax.rem(g, 2) * GB, GB)])
      return carry

    lax.fori_loop(0, NGRP2, group, None)
    for b in range(NBUF1):
      pltpu.make_async_copy(xs_hbm.at[c, pl.ds(0, BATCH2)], rows.at[b],
                            sems[b]).wait()
    plsc.subcore_barrier()
    pltpu.sync_copy(acc.at[pl.ds(base, RPT)],
                    out_hbm.at[c, pl.ds(base, RPT)])

  return seg_kernel(xs2, src_idx, dst_idx)


def _sc_seg_sum_w16(ps, src_idx, dst_idx):

  @functools.partial(
      pl.kernel,
      out_type=jax.ShapeDtypeStruct((NCORES, N_PAD, CPAD), jnp.float32),
      mesh=_mesh(),
      compiler_params=pltpu.CompilerParams(use_tc_tiling_on_sc=False),
      scratch_types=[
          pltpu.VMEM((NBATCH, BATCH), jnp.int32),
          pltpu.VMEM((NBATCH, BATCH), jnp.int32),
          pltpu.VMEM((NBUF, BATCH, CPAD), jnp.float32),
          pltpu.VMEM_SHARED((N_PAD, CPAD), jnp.float32),
          pltpu.VMEM_SHARED((N_PAD, CPAD), jnp.float32),
          pltpu.SemaphoreType.DMA,
          pltpu.SemaphoreType.DMA,
      ],
  )
  def seg_kernel(ps_hbm, src_hbm, dst_hbm, out_hbm, srcv, dstv, rows,
                 ps_sp, acc, *sems):
    c = lax.axis_index("c")
    s = lax.axis_index("s")
    w = c * NSUB + s
    pltpu.sync_copy(src_hbm.at[w], srcv)
    pltpu.sync_copy(dst_hbm.at[w], dstv)
    base = s * RPT
    pltpu.sync_copy(ps_hbm.at[pl.ds(base, RPT)], ps_sp.at[pl.ds(base, RPT)])
    pltpu.sync_copy(ps_hbm.at[pl.ds(N, ZROWS)], acc.at[pl.ds(base, ZROWS)])
    pltpu.sync_copy(ps_hbm.at[pl.ds(N, ZROWS)],
                    acc.at[pl.ds(base + ZROWS, ZROWS)])
    pltpu.sync_copy(ps_hbm.at[pl.ds(N, RPT - 2 * ZROWS)],
                    acc.at[pl.ds(base + 2 * ZROWS, RPT - 2 * ZROWS)])
    plsc.subcore_barrier()

    for b in range(NBUF):
      pltpu.async_copy(ps_sp.at[srcv.at[b]], rows.at[b], sems[b])

    def group(g, carry):
      for b in range(NBUF):
        j = g * NBUF + b
        pltpu.make_async_copy(ps_hbm.at[pl.ds(0, BATCH)], rows.at[b],
                              sems[b]).wait()
        pltpu.sync_copy(rows.at[b], acc.at[dstv.at[j]], add=True)
        jn = j + NBUF
        jn = jnp.where(jn >= NBATCH, jn - NBATCH, jn)
        pltpu.async_copy(ps_sp.at[srcv.at[jn]], rows.at[b], sems[b])
      return carry

    lax.fori_loop(0, NBATCH // NBUF, group, None)
    for b in range(NBUF):
      pltpu.make_async_copy(ps_hbm.at[pl.ds(0, BATCH)], rows.at[b],
                            sems[b]).wait()
    plsc.subcore_barrier()
    pltpu.sync_copy(acc.at[pl.ds(base, RPT)],
                    out_hbm.at[c, pl.ds(base, RPT)])

  return seg_kernel(ps, src_idx, dst_idx)


_ROWBLK = 2560
_GRID = N_PAD // _ROWBLK


def _tc_prescale(deg_col, x):

  def body(deg_ref, x_ref, dinv_ref, xs_ref):
    dinv = lax.rsqrt(deg_ref[...])
    dinv_ref[...] = dinv
    xs = x_ref[...] * dinv
    xs_ref[0] = xs[:, :FH]
    xs_ref[1] = xs[:, FH:]

  return pl.pallas_call(
      body,
      grid=(_GRID,),
      in_specs=[
          pl.BlockSpec((_ROWBLK, 1), lambda i: (i, 0)),
          pl.BlockSpec((_ROWBLK, F), lambda i: (i, 0)),
      ],
      out_specs=[
          pl.BlockSpec((_ROWBLK, 1), lambda i: (i, 0)),
          pl.BlockSpec((NCORES, _ROWBLK, FH), lambda i: (0, i, 0)),
      ],
      out_shape=[
          jax.ShapeDtypeStruct((N_PAD, 1), jnp.float32),
          jax.ShapeDtypeStruct((NCORES, N_PAD, FH), jnp.float32),
      ],
  )(deg_col, x)


def _tc_layers(y, xs2, dinv_col, w1, b1, w2p):

  def body(y0_ref, y1_ref, xs0_ref, xs1_ref, dinv_ref, w1_ref, b1_ref,
           w2_ref, ps_ref):
    dinv = dinv_ref[...]
    agg = jnp.concatenate(
        [y0_ref[0] + xs0_ref[0], y1_ref[0] + xs1_ref[0]], axis=1) * dinv
    h = jnp.dot(agg, w1_ref[...], preferred_element_type=jnp.float32)
    h = jnp.maximum(h + b1_ref[...], 0.0)
    p = jnp.dot(h, w2_ref[...], preferred_element_type=jnp.float32)
    rid = lax.broadcasted_iota(jnp.int32, (_ROWBLK, 1), 0)
    rid = rid + pl.program_id(0) * _ROWBLK
    ps_ref[...] = jnp.where(rid < N, p * dinv, 0.0)

  return pl.pallas_call(
      body,
      grid=(_GRID,),
      in_specs=[
          pl.BlockSpec((1, _ROWBLK, FH), lambda i: (0, i, 0)),
          pl.BlockSpec((1, _ROWBLK, FH), lambda i: (1, i, 0)),
          pl.BlockSpec((1, _ROWBLK, FH), lambda i: (0, i, 0)),
          pl.BlockSpec((1, _ROWBLK, FH), lambda i: (1, i, 0)),
          pl.BlockSpec((_ROWBLK, 1), lambda i: (i, 0)),
          pl.BlockSpec((F, HID), lambda i: (0, 0)),
          pl.BlockSpec((1, HID), lambda i: (0, 0)),
          pl.BlockSpec((HID, CPAD), lambda i: (0, 0)),
      ],
      out_specs=pl.BlockSpec((_ROWBLK, CPAD), lambda i: (i, 0)),
      out_shape=jax.ShapeDtypeStruct((N_PAD, CPAD), jnp.float32),
  )(y, y, xs2, xs2, dinv_col, w1, b1, w2p)


def _tc_softmax(y2, ps, dinv_col, b2p):

  def body(y0_ref, y1_ref, ps_ref, dinv_ref, b2_ref, out_ref):
    z = (y0_ref[0] + y1_ref[0] + ps_ref[...]) * dinv_ref[...] + b2_ref[...]
    z0 = z[:, 0:1]
    z1 = z[:, 1:2]
    m = jnp.maximum(z0, z1)
    e0 = jnp.exp(z0 - m)
    e1 = jnp.exp(z1 - m)
    inv = 1.0 / (e0 + e1)
    out_ref[...] = jnp.concatenate([e0 * inv, e1 * inv], axis=1)

  return pl.pallas_call(
      body,
      grid=(_GRID,),
      in_specs=[
          pl.BlockSpec((1, _ROWBLK, CPAD), lambda i: (0, i, 0)),
          pl.BlockSpec((1, _ROWBLK, CPAD), lambda i: (1, i, 0)),
          pl.BlockSpec((_ROWBLK, CPAD), lambda i: (i, 0)),
          pl.BlockSpec((_ROWBLK, 1), lambda i: (i, 0)),
          pl.BlockSpec((1, CPAD), lambda i: (0, 0)),
      ],
      out_specs=pl.BlockSpec((_ROWBLK, 2), lambda i: (i, 0)),
      out_shape=jax.ShapeDtypeStruct((N_PAD, 2), jnp.float32),
  )(y2, y2, ps, dinv_col, b2p)


def kernel(X, edge_index, W1, b1, W2, b2):
  src = edge_index[0].astype(jnp.int32)
  dst = edge_index[1].astype(jnp.int32)
  pad = jnp.full((E_PAD - E,), N, jnp.int32)
  srcp = jnp.concatenate([src, pad]).reshape(NTILES, NBATCH, BATCH)
  dstp = jnp.concatenate([dst, pad]).reshape(NTILES, NBATCH, BATCH)
  pad2 = jnp.full((E_PAD2 - E,), N, jnp.int32)
  srcp2 = jnp.concatenate([src, pad2]).reshape(NSUB, NB2, BATCH2)
  dstp2 = jnp.concatenate([dst, pad2]).reshape(NSUB, NB2, BATCH2)
  xp = jnp.concatenate([X, jnp.zeros((N_PAD - N, F), X.dtype)], axis=0)

  degpart = _sc_degree(dstp)
  deg_col = (degpart[0] + degpart[1] + 1.0)[:, None]
  dinv_col, xs2 = _tc_prescale(deg_col, xp)

  y = _sc_seg_sum_w128(xs2, srcp2, dstp2)

  w2p = jnp.pad(W2, ((0, 0), (0, CPAD - W2.shape[1])))
  b2p = jnp.pad(b2, (0, CPAD - b2.shape[0]))[None, :]
  ps = _tc_layers(y, xs2, dinv_col, W1, b1[None, :], w2p)

  y2 = _sc_seg_sum_w16(ps, srcp, dstp)
  out = _tc_softmax(y2, ps, dinv_col, b2p)
  return out[:N]

# --- scband reference (transcript-rebuilt; emitter-appended) ---
"""Pipeline reference for scband-y-prime-decoder-5583457485495 (READ-ONLY COPY).

The authoritative reference and input builder live on the scoring server;
editing this copy changes nothing except your own understanding.
"""

import jax, jax.numpy as jnp
import numpy as np


def gcn_conv(x, edge_index, W, b):
    # Faithful PyG GCNConv: add self-loops, symmetric normalization,
    # linear transform first, then normalized scatter-add aggregation.
    N = x.shape[0]
    h = x @ W
    loop = jnp.arange(N, dtype=edge_index.dtype)
    src = jnp.concatenate([edge_index[0], loop])
    dst = jnp.concatenate([edge_index[1], loop])
    ones = jnp.ones(src.shape[0], dtype=h.dtype)
    deg = jnp.zeros((N,), dtype=h.dtype).at[dst].add(ones)
    dinv = jnp.where(deg > 0, 1.0 / jnp.sqrt(deg), 0.0)
    norm = dinv[src] * dinv[dst]
    msg = h[src] * norm[:, None]
    out = jnp.zeros((N, h.shape[1]), dtype=h.dtype).at[dst].add(msg)
    return out + b


def setup_inputs(seed: int = 0) -> dict:
    key = jax.random.key(seed)
    k1, k2, k3, k4 = jax.random.split(key, 4)
    N, E, F = 10000, 320000, 128
    X = jax.random.normal(k1, (N, F), dtype=jnp.float32)
    edge_index = jax.random.randint(k2, (2, E), 0, N, dtype=jnp.int32)
    W1 = (jax.random.normal(k3, (F, 512), dtype=jnp.float32) * 0.05)
    b1 = jnp.zeros((512,), dtype=jnp.float32)
    W2 = (jax.random.normal(k4, (512, 2), dtype=jnp.float32) * 0.05)
    b2 = jnp.zeros((2,), dtype=jnp.float32)
    return {"X": X, "edge_index": edge_index, "W1": W1, "b1": b1, "W2": W2, "b2": b2}


def reference(X, edge_index, W1, b1, W2, b2):
    h = jax.nn.relu(gcn_conv(X, edge_index, W1, b1))
    h = gcn_conv(h, edge_index, W2, b2)
    # nn.Softmax() with 2D input resolves to dim=1
    return jax.nn.softmax(h, axis=1)

if __name__ == "__main__":
    import jax
    _d = setup_inputs()
    print(jax.jit(kernel)(*tuple(_d.values())))

</pallas_src>

<mosaic_0001>
#map = affine_map<(d0, d1) -> (0, 0, 0)>
#map1 = affine_map<(d0, d1) -> (0, 0)>
module attributes {stable_mosaic.version = 14 : i64} {
  func.func @deg_kernel(%arg0: i32, %arg1: i32, %arg2: memref<32x10x1024xi32, #tpu.memory_space<hbm>>, %arg3: memref<2x10240xf32, #tpu.memory_space<hbm>>, %arg4: memref<10x1024xi32, #tpu.memory_space<vmem>>, %arg5: memref<1024xf32, #tpu.memory_space<vmem>>, %arg6: memref<640xf32, #tpu.memory_space<vmem>>, %arg7: memref<10240xf32, #tpu.memory_space<vmem_shared>>) attributes {dimension_semantics = [#tpu.dimension_semantics<core_parallel>, #tpu.dimension_semantics<subcore_parallel>], iteration_bounds = array<i64: 2, 16>, scalar_prefetch = 0 : i64, scratch_operands = 4 : i64, tpu.core_type = #tpu.core_type<sc_vector_subcore>, window_params = [{transform_indices = #map}, {transform_indices = #map1}]} {
    %mul3A = arith.constant 16 : i32
    %mul3A_0 = arith.muli %arg0, %mul3A : i32
    %add3A = arith.addi %mul3A_0, %arg1 : i32
    "tpu.region"() ({
      %run_scoped3A = tpu.sem_alloc : memref<!tpu.dma_semaphore, #tpu.memory_space<semaphore_mem>>
      %dma_start3A = arith.constant 0 : i32
      %dma_start3A_634 = arith.constant 0 : i32
      %dma_start3A_635 = tpu.memref_slice %arg2[%add3A, %dma_start3A, %dma_start3A_634] : memref<32x10x1024xi32, #tpu.memory_space<hbm>> -> memref<1x10x1024xi32, #tpu.memory_space<hbm>>
      %dma_start3A_636 = tpu.memref_squeeze %dma_start3A_635 : memref<1x10x1024xi32, #tpu.memory_space<hbm>> -> memref<10x1024xi32, #tpu.memory_space<hbm>>
      %dma_start3A_637 = arith.constant 0 : i32
      %dma_start3A_638 = arith.constant 0 : i32
      %dma_start3A_639 = tpu.memref_slice %arg2[%add3A, %dma_start3A_637, %dma_start3A_638] : memref<32x10x1024xi32, #tpu.memory_space<hbm>> -> memref<1x10x1024xi32, #tpu.memory_space<hbm>>
      %dma_start3A_640 = tpu.memref_squeeze %dma_start3A_639 : memref<1x10x1024xi32, #tpu.memory_space<hbm>> -> memref<10x1024xi32, #tpu.memory_space<hbm>>
      tpu.enqueue_dma source(%dma_start3A_640 : memref<10x1024xi32, #tpu.memory_space<hbm>>) target(%arg4 : memref<10x1024xi32, #tpu.memory_space<vmem>>) target_semaphore(%run_scoped3A : memref<!tpu.dma_semaphore, #tpu.memory_space<semaphore_mem>>)
      %dma_wait3A = arith.constant 0 : i32
      %dma_wait3A_641 = arith.constant 0 : i32
      %dma_wait3A_642 = tpu.memref_slice %arg2[%add3A, %dma_wait3A, %dma_wait3A_641] : memref<32x10x1024xi32, #tpu.memory_space<hbm>> -> memref<1x10x1024xi32, #tpu.memory_space<hbm>>
      %dma_wait3A_643 = tpu.memref_squeeze %dma_wait3A_642 : memref<1x10x1024xi32, #tpu.memory_space<hbm>> -> memref<10x1024xi32, #tpu.memory_space<hbm>>
      %dma_wait3A_644 = arith.constant 0 : i32
      %dma_wait3A_645 = arith.constant 0 : i32
      %dma_wait3A_646 = tpu.memref_slice %arg2[%add3A, %dma_wait3A_644, %dma_wait3A_645] : memref<32x10x1024xi32, #tpu.memory_space<hbm>> -> memref<1x10x1024xi32, #tpu.memory_space<hbm>>
      %dma_wait3A_647 = tpu.memref_squeeze %dma_wait3A_646 : memref<1x10x1024xi32, #tpu.memory_space<hbm>> -> memref<10x1024xi32, #tpu.memory_space<hbm>>
      tpu.wait_dma2 semaphore(%run_scoped3A : memref<!tpu.dma_semaphore, #tpu.memory_space<semaphore_mem>>) src(%dma_wait3A_647 : memref<10x1024xi32, #tpu.memory_space<hbm>>) dst(%arg4 : memref<10x1024xi32, #tpu.memory_space<vmem>>)
      tpu.yield
    }) : () -> ()
    %broadcast_in_dim3A = arith.constant 1.000000e+00 : f32
    %broadcast_in_dim3A_1 = vector.broadcast %broadcast_in_dim3A : f32 to vector<16xf32>
    %swap3A = arith.constant 0 : index
    %swap3A_2 = tpu.vector_load %arg5[%swap3A] {strides = array<i32>} : memref<1024xf32, #tpu.memory_space<vmem>>, vector<16xf32>,
    %swap3A_3 = vector.shape_cast %swap3A_2 : vector<16xf32> to vector<16xf32>
    %swap3A_4 = vector.shape_cast %broadcast_in_dim3A_1 : vector<16xf32> to vector<16xf32>
    tpu.vector_store %arg5[%swap3A], %swap3A_4 {strides = array<i32>} : memref<1024xf32, #tpu.memory_space<vmem>>, vector<16xf32>,
    %broadcast_in_dim3A_5 = arith.constant 1.000000e+00 : f32
    %broadcast_in_dim3A_6 = vector.broadcast %broadcast_in_dim3A_5 : f32 to vector<16xf32>
    %swap3A_7 = arith.constant 16 : index
    %swap3A_8 = tpu.vector_load %arg5[%swap3A_7] {strides = array<i32>} : memref<1024xf32, #tpu.memory_space<vmem>>, vector<16xf32>,
    %swap3A_9 = vector.shape_cast %swap3A_8 : vector<16xf32> to vector<16xf32>
    %swap3A_10 = vector.shape_cast %broadcast_in_dim3A_6 : vector<16xf32> to vector<16xf32>
    tpu.vector_store %arg5[%swap3A_7], %swap3A_10 {strides = array<i32>} : memref<1024xf32, #tpu.memory_space<vmem>>, vector<16xf32>,
    %broadcast_in_dim3A_11 = arith.constant 1.000000e+00 : f32
    %broadcast_in_dim3A_12 = vector.broadcast %broadcast_in_dim3A_11 : f32 to vector<16xf32>
    %swap3A_13 = arith.constant 32 : index
    %swap3A_14 = tpu.vector_load %arg5[%swap3A_13] {strides = array<i32>} : memref<1024xf32, #tpu.memory_space<vmem>>, vector<16xf32>,
    %swap3A_15 = vector.shape_cast %swap3A_14 : vector<16xf32> to vector<16xf32>
    %swap3A_16 = vector.shape_cast %broadcast_in_dim3A_12 : vector<16xf32> to vector<16xf32>
    tpu.vector_store %arg5[%swap3A_13], %swap3A_16 {strides = array<i32>} : memref<1024xf32, #tpu.memory_space<vmem>>, vector<16xf32>,
    %broadcast_in_dim3A_17 = arith.constant 1.000000e+00 : f32
    %broadcast_in_dim3A_18 = vector.broadcast %broadcast_in_dim3A_17 : f32 to vector<16xf32>
    %swap3A_19 = arith.constant 48 : index
    %swap3A_20 = tpu.vector_load %arg5[%swap3A_19] {strides = array<i32>} : memref<1024xf32, #tpu.memory_space<vmem>>, vector<16xf32>,
    %swap3A_21 = vector.shape_cast %swap3A_20 : vector<16xf32> to vector<16xf32>
    %swap3A_22 = vector.shape_cast %broadcast_in_dim3A_18 : vector<16xf32> to vector<16xf32>
    tpu.vector_store %arg5[%swap3A_19], %swap3A_22 {strides = array<i32>} : memref<1024xf32, #tpu.memory_space<vmem>>, vector<16xf32>,
    %broadcast_in_dim3A_23 = arith.constant 1.000000e+00 : f32
    %broadcast_in_dim3A_24 = vector.broadcast %broadcast_in_dim3A_23 : f32 to vector<16xf32>
    %swap3A_25 = arith.constant 64 : index
    %swap3A_26 = tpu.vector_load %arg5[%swap3A_25] {strides = array<i32>} : memref<1024xf32, #tpu.memory_space<vmem>>, vector<16xf32>,
    %swap3A_27 = vector.shape_cast %swap3A_26 : vector<16xf32> to vector<16xf32>
    %swap3A_28 = vector.shape_cast %broadcast_in_dim3A_24 : vector<16xf32> to vector<16xf32>
    tpu.vector_store %arg5[%swap3A_25], %swap3A_28 {strides = array<i32>} : memref<1024xf32, #tpu.memory_space<vmem>>, vector<16xf32>,
    %broadcast_in_dim3A_29 = arith.constant 1.000000e+00 : f32
    %broadcast_in_dim3A_30 = vector.broadcast %broadcast_in_dim3A_29 : f32 to vector<16xf32>
    %swap3A_31 = arith.constant 80 : index
    %swap3A_32 = tpu.vector_load %arg5[%swap3A_31] {strides = array<i32>} : memref<1024xf32, #tpu.memory_space<vmem>>, vector<16xf32>,
    %swap3A_33 = vector.shape_cast %swap3A_32 : vector<16xf32> to vector<16xf32>
    %swap3A_34 = vector.shape_cast %broadcast_in_dim3A_30 : vector<16xf32> to vector<16xf32>
    tpu.vector_store %arg5[%swap3A_31], %swap3A_34 {strides = array<i32>} : memref<1024xf32, #tpu.memory_space<vmem>>, vector<16xf32>,
    %broadcast_in_dim3A_35 = arith.constant 1.000000e+00 : f32
    %broadcast_in_dim3A_36 = vector.broadcast %broadcast_in_dim3A_35 : f32 to vector<16xf32>
    %swap3A_37 = arith.constant 96 : index
    %swap3A_38 = tpu.vector_load %arg5[%swap3A_37] {strides = array<i32>} : memref<1024xf32, #tpu.memory_space<vmem>>, vector<16xf32>,
    %swap3A_39 = vector.shape_cast %swap3A_38 : vector<16xf32> to vector<16xf32>
    %swap3A_40 = vector.shape_cast %broadcast_in_dim3A_36 : vector<16xf32> to vector<16xf32>
    tpu.vector_store %arg5[%swap3A_37], %swap3A_40 {strides = array<i32>} : memref<1024xf32, #tpu.memory_space<vmem>>, vector<16xf32>,
    %broadcast_in_dim3A_41 = arith.constant 1.000000e+00 : f32
    %broadcast_in_dim3A_42 = vector.broadcast %broadcast_in_dim3A_41 : f32 to vector<16xf32>
    %swap3A_43 = arith.constant 112 : index
    %swap3A_44 = tpu.vector_load %arg5[%swap3A_43] {strides = array<i32>} : memref<1024xf32, #tpu.memory_space<vmem>>, vector<16xf32>,
    %swap3A_45 = vector.shape_cast %swap3A_44 : vector<16xf32> to vector<16xf32>
    %swap3A_46 = vector.shape_cast %broadcast_in_dim3A_42 : vector<16xf32> to vector<16xf32>
    tpu.vector_store %arg5[%swap3A_43], %swap3A_46 {strides = array<i32>} : memref<1024xf32, #tpu.memory_space<vmem>>, vector<16xf32>,
    %broadcast_in_dim3A_47 = arith.constant 1.000000e+00 : f32
    %broadcast_in_dim3A_48 = vector.broadcast %broadcast_in_dim3A_47 : f32 to vector<16xf32>
    %swap3A_49 = arith.constant 128 : index
    %swap3A_50 = tpu.vector_load %arg5[%swap3A_49] {strides = array<i32>} : memref<1024xf32, #tpu.memory_space<vmem>>, vector<16xf32>,
    %swap3A_51 = vector.shape_cast %swap3A_50 : vector<16xf32> to vector<16xf32>
    %swap3A_52 = vector.shape_cast %broadcast_in_dim3A_48 : vector<16xf32> to vector<16xf32>
    tpu.vector_store %arg5[%swap3A_49], %swap3A_52 {strides = array<i32>} : memref<1024xf32, #tpu.memory_space<vmem>>, vector<16xf32>,
    %broadcast_in_dim3A_53 = arith.constant 1.000000e+00 : f32
    %broadcast_in_dim3A_54 = vector.broadcast %broadcast_in_dim3A_53 : f32 to vector<16xf32>
    %swap3A_55 = arith.constant 144 : index
    %swap3A_56 = tpu.vector_load %arg5[%swap3A_55] {strides = array<i32>} : memref<1024xf32, #tpu.memory_space<vmem>>, vector<16xf32>,
    %swap3A_57 = vector.shape_cast %swap3A_56 : vector<16xf32> to vector<16xf32>
    %swap3A_58 = vector.shape_cast %broadcast_in_dim3A_54 : vector<16xf32> to vector<16xf32>
    tpu.vector_store %arg5[%swap3A_55], %swap3A_58 {strides = array<i32>} : memref<1024xf32, #tpu.memory_space<vmem>>, vector<16xf32>,
    %broadcast_in_dim3A_59 = arith.constant 1.000000e+00 : f32
    %broadcast_in_dim3A_60 = vector.broadcast %broadcast_in_dim3A_59 : f32 to vector<16xf32>
    %swap3A_61 = arith.constant 160 : index
    %swap3A_62 = tpu.vector_load %arg5[%swap3A_61] {strides = array<i32>} : memref<1024xf32, #tpu.memory_space<vmem>>, vector<16xf32>,
    %swap3A_63 = vector.shape_cast %swap3A_62 : vector<16xf32> to vector<16xf32>
    %swap3A_64 = vector.shape_cast %broadcast_in_dim3A_60 : vector<16xf32> to vector<16xf32>
    tpu.vector_store %arg5[%swap3A_61], %swap3A_64 {strides = array<i32>} : memref<1024xf32, #tpu.memory_space<vmem>>, vector<16xf32>,
    %broadcast_in_dim3A_65 = arith.constant 1.000000e+00 : f32
    %broadcast_in_dim3A_66 = vector.broadcast %broadcast_in_dim3A_65 : f32 to vector<16xf32>
    %swap3A_67 = arith.constant 176 : index
    %swap3A_68 = tpu.vector_load %arg5[%swap3A_67] {strides = array<i32>} : memref<1024xf32, #tpu.memory_space<vmem>>, vector<16xf32>,
    %swap3A_69 = vector.shape_cast %swap3A_68 : vector<16xf32> to vector<16xf32>
    %swap3A_70 = vector.shape_cast %broadcast_in_dim3A_66 : vector<16xf32> to vector<16xf32>
    tpu.vector_store %arg5[%swap3A_67], %swap3A_70 {strides = array<i32>} : memref<1024xf32, #tpu.memory_space<vmem>>, vector<16xf32>,
    %broadcast_in_dim3A_71 = arith.constant 1.000000e+00 : f32
    %broadcast_in_dim3A_72 = vector.broadcast %broadcast_in_dim3A_71 : f32 to vector<16xf32>
    %swap3A_73 = arith.constant 192 : index
    %swap3A_74 = tpu.vector_load %arg5[%swap3A_73] {strides = array<i32>} : memref<1024xf32, #tpu.memory_space<vmem>>, vector<16xf32>,
    %swap3A_75 = vector.shape_cast %swap3A_74 : vector<16xf32> to vector<16xf32>
    %swap3A_76 = vector.shape_cast %broadcast_in_dim3A_72 : vector<16xf32> to vector<16xf32>
    tpu.vector_store %arg5[%swap3A_73], %swap3A_76 {strides = array<i32>} : memref<1024xf32, #tpu.memory_space<vmem>>, vector<16xf32>,
    %broadcast_in_dim3A_77 = arith.constant 1.000000e+00 : f32
    %broadcast_in_dim3A_78 = vector.broadcast %broadcast_in_dim3A_77 : f32 to vector<16xf32>
    %swap3A_79 = arith.constant 208 : index
    %swap3A_80 = tpu.vector_load %arg5[%swap3A_79] {strides = array<i32>} : memref<1024xf32, #tpu.memory_space<vmem>>, vector<16xf32>,
    %swap3A_81 = vector.shape_cast %swap3A_80 : vector<16xf32> to vector<16xf32>
    %swap3A_82 = vector.shape_cast %broadcast_in_dim3A_78 : vector<16xf32> to vector<16xf32>
    tpu.vector_store %arg5[%swap3A_79], %swap3A_82 {strides = array<i32>} : memref<1024xf32, #tpu.memory_space<vmem>>, vector<16xf32>,
    %broadcast_in_dim3A_83 = arith.constant 1.000000e+00 : f32
    %broadcast_in_dim3A_84 = vector.broadcast %broadcast_in_dim3A_83 : f32 to vector<16xf32>
    %swap3A_85 = arith.constant 224 : index
    %swap3A_86 = tpu.vector_load %arg5[%swap3A_85] {strides = array<i32>} : memref<1024xf32, #tpu.memory_space<vmem>>, vector<16xf32>,
    %swap3A_87 = vector.shape_cast %swap3A_86 : vector<16xf32> to vector<16xf32>
    %swap3A_88 = vector.shape_cast %broadcast_in_dim3A_84 : vector<16xf32> to vector<16xf32>
    tpu.vector_store %arg5[%swap3A_85], %swap3A_88 {strides = array<i32>} : memref<1024xf32, #tpu.memory_space<vmem>>, vector<16xf32>,
    %broadcast_in_dim3A_89 = arith.constant 1.000000e+00 : f32
    %broadcast_in_dim3A_90 = vector.broadcast %broadcast_in_dim3A_89 : f32 to vector<16xf32>
    %swap3A_91 = arith.constant 240 : index
    %swap3A_92 = tpu.vector_load %arg5[%swap3A_91] {strides = array<i32>} : memref<1024xf32, #tpu.memory_space<vmem>>, vector<16xf32>,
    %swap3A_93 = vector.shape_cast %swap3A_92 : vector<16xf32> to vector<16xf32>
    %swap3A_94 = vector.shape_cast %broadcast_in_dim3A_90 : vector<16xf32> to vector<16xf32>
    tpu.vector_store %arg5[%swap3A_91], %swap3A_94 {strides = array<i32>} : memref<1024xf32, #tpu.memory_space<vmem>>, vector<16xf32>,
    %broadcast_in_dim3A_95 = arith.constant 1.000000e+00 : f32
    %broadcast_in_dim3A_96 = vector.broadcast %broadcast_in_dim3A_95 : f32 to vector<16xf32>
    %swap3A_97 = arith.constant 256 : index
    %swap3A_98 = tpu.vector_load %arg5[%swap3A_97] {strides = array<i32>} : memref<1024xf32, #tpu.memory_space<vmem>>, vector<16xf32>,
    %swap3A_99 = vector.shape_cast %swap3A_98 : vector<16xf32> to vector<16xf32>
    %swap3A_100 = vector.shape_cast %broadcast_in_dim3A_96 : vector<16xf32> to vector<16xf32>
    tpu.vector_store %arg5[%swap3A_97], %swap3A_100 {strides = array<i32>} : memref<1024xf32, #tpu.memory_space<vmem>>, vector<16xf32>,
    %broadcast_in_dim3A_101 = arith.constant 1.000000e+00 : f32
    %broadcast_in_dim3A_102 = vector.broadcast %broadcast_in_dim3A_101 : f32 to vector<16xf32>
    %swap3A_103 = arith.constant 272 : index
    %swap3A_104 = tpu.vector_load %arg5[%swap3A_103] {strides = array<i32>} : memref<1024xf32, #tpu.memory_space<vmem>>, vector<16xf32>,
    %swap3A_105 = vector.shape_cast %swap3A_104 : vector<16xf32> to vector<16xf32>
    %swap3A_106 = vector.shape_cast %broadcast_in_dim3A_102 : vector<16xf32> to vector<16xf32>
    tpu.vector_store %arg5[%swap3A_103], %swap3A_106 {strides = array<i32>} : memref<1024xf32, #tpu.memory_space<vmem>>, vector<16xf32>,
    %broadcast_in_dim3A_107 = arith.constant 1.000000e+00 : f32
    %broadcast_in_dim3A_108 = vector.broadcast %broadcast_in_dim3A_107 : f32 to vector<16xf32>
    %swap3A_109 = arith.constant 288 : index
    %swap3A_110 = tpu.vector_load %arg5[%swap3A_109] {strides = array<i32>} : memref<1024xf32, #tpu.memory_space<vmem>>, vector<16xf32>,
    %swap3A_111 = vector.shape_cast %swap3A_110 : vector<16xf32> to vector<16xf32>
    %swap3A_112 = vector.shape_cast %broadcast_in_dim3A_108 : vector<16xf32> to vector<16xf32>
    tpu.vector_store %arg5[%swap3A_109], %swap3A_112 {strides = array<i32>} : memref<1024xf32, #tpu.memory_space<vmem>>, vector<16xf32>,
    %broadcast_in_dim3A_113 = arith.constant 1.000000e+00 : f32
    %broadcast_in_dim3A_114 = vector.broadcast %broadcast_in_dim3A_113 : f32 to vector<16xf32>
    %swap3A_115 = arith.constant 304 : index
    %swap3A_116 = tpu.vector_load %arg5[%swap3A_115] {strides = array<i32>} : memref<1024xf32, #tpu.memory_space<vmem>>, vector<16xf32>,
    %swap3A_117 = vector.shape_cast %swap3A_116 : vector<16xf32> to vector<16xf32>
    %swap3A_118 = vector.shape_cast %broadcast_in_dim3A_114 : vector<16xf32> to vector<16xf32>
    tpu.vector_store %arg5[%swap3A_115], %swap3A_118 {strides = array<i32>} : memref<1024xf32, #tpu.memory_space<vmem>>, vector<16xf32>,
    %broadcast_in_dim3A_119 = arith.constant 1.000000e+00 : f32
    %broadcast_in_dim3A_120 = vector.broadcast %broadcast_in_dim3A_119 : f32 to vector<16xf32>
    %swap3A_121 = arith.constant 320 : index
    %swap3A_122 = tpu.vector_load %arg5[%swap3A_121] {strides = array<i32>} : memref<1024xf32, #tpu.memory_space<vmem>>, vector<16xf32>,
    %swap3A_123 = vector.shape_cast %swap3A_122 : vector<16xf32> to vector<16xf32>
    %swap3A_124 = vector.shape_cast %broadcast_in_dim3A_120 : vector<16xf32> to vector<16xf32>
    tpu.vector_store %arg5[%swap3A_121], %swap3A_124 {strides = array<i32>} : memref<1024xf32, #tpu.memory_space<vmem>>, vector<16xf32>,
    %broadcast_in_dim3A_125 = arith.constant 1.000000e+00 : f32
    %broadcast_in_dim3A_126 = vector.broadcast %broadcast_in_dim3A_125 : f32 to vector<16xf32>
    %swap3A_127 = arith.constant 336 : index
    %swap3A_128 = tpu.vector_load %arg5[%swap3A_127] {strides = array<i32>} : memref<1024xf32, #tpu.memory_space<vmem>>, vector<16xf32>,
    %swap3A_129 = vector.shape_cast %swap3A_128 : vector<16xf32> to vector<16xf32>
    %swap3A_130 = vector.shape_cast %broadcast_in_dim3A_126 : vector<16xf32> to vector<16xf32>
    tpu.vector_store %arg5[%swap3A_127], %swap3A_130 {strides = array<i32>} : memref<1024xf32, #tpu.memory_space<vmem>>, vector<16xf32>,
    %broadcast_in_dim3A_131 = arith.constant 1.000000e+00 : f32
    %broadcast_in_dim3A_132 = vector.broadcast %broadcast_in_dim3A_131 : f32 to vector<16xf32>
    %swap3A_133 = arith.constant 352 : index
    %swap3A_134 = tpu.vector_load %arg5[%swap3A_133] {strides = array<i32>} : memref<1024xf32, #tpu.memory_space<vmem>>, vector<16xf32>,
    %swap3A_135 = vector.shape_cast %swap3A_134 : vector<16xf32> to vector<16xf32>
    %swap3A_136 = vector.shape_cast %broadcast_in_dim3A_132 : vector<16xf32> to vector<16xf32>
    tpu.vector_store %arg5[%swap3A_133], %swap3A_136 {strides = array<i32>} : memref<1024xf32, #tpu.memory_space<vmem>>, vector<16xf32>,
    %broadcast_in_dim3A_137 = arith.constant 1.000000e+00 : f32
    %broadcast_in_dim3A_138 = vector.broadcast %broadcast_in_dim3A_137 : f32 to vector<16xf32>
    %swap3A_139 = arith.constant 368 : index
    %swap3A_140 = tpu.vector_load %arg5[%swap3A_139] {strides = array<i32>} : memref<1024xf32, #tpu.memory_space<vmem>>, vector<16xf32>,
    %swap3A_141 = vector.shape_cast %swap3A_140 : vector<16xf32> to vector<16xf32>
    %swap3A_142 = vector.shape_cast %broadcast_in_dim3A_138 : vector<16xf32> to vector<16xf32>
    tpu.vector_store %arg5[%swap3A_139], %swap3A_142 {strides = array<i32>} : memref<1024xf32, #tpu.memory_space<vmem>>, vector<16xf32>,
    %broadcast_in_dim3A_143 = arith.constant 1.000000e+00 : f32
    %broadcast_in_dim3A_144 = vector.broadcast %broadcast_in_dim3A_143 : f32 to vector<16xf32>
    %swap3A_145 = arith.constant 384 : index
    %swap3A_146 = tpu.vector_load %arg5[%swap3A_145] {strides = array<i32>} : memref<1024xf32, #tpu.memory_space<vmem>>, vector<16xf32>,
    %swap3A_147 = vector.shape_cast %swap3A_146 : vector<16xf32> to vector<16xf32>
    %swap3A_148 = vector.shape_cast %broadcast_in_dim3A_144 : vector<16xf32> to vector<16xf32>
    tpu.vector_store %arg5[%swap3A_145], %swap3A_148 {strides = array<i32>} : memref<1024xf32, #tpu.memory_space<vmem>>, vector<16xf32>,
    %broadcast_in_dim3A_149 = arith.constant 1.000000e+00 : f32
    %broadcast_in_dim3A_150 = vector.broadcast %broadcast_in_dim3A_149 : f32 to vector<16xf32>
    %swap3A_151 = arith.constant 400 : index
    %swap3A_152 = tpu.vector_load %arg5[%swap3A_151] {strides = array<i32>} : memref<1024xf32, #tpu.memory_space<vmem>>, vector<16xf32>,
    %swap3A_153 = vector.shape_cast %swap3A_152 : vector<16xf32> to vector<16xf32>
    %swap3A_154 = vector.shape_cast %broadcast_in_dim3A_150 : vector<16xf32> to vector<16xf32>
    tpu.vector_store %arg5[%swap3A_151], %swap3A_154 {strides = array<i32>} : memref<1024xf32, #tpu.memory_space<vmem>>, vector<16xf32>,
    %broadcast_in_dim3A_155 = arith.constant 1.000000e+00 : f32
    %broadcast_in_dim3A_156 = vector.broadcast %broadcast_in_dim3A_155 : f32 to vector<16xf32>
    %swap3A_157 = arith.constant 416 : index
    %swap3A_158 = tpu.vector_load %arg5[%swap3A_157] {strides = array<i32>} : memref<1024xf32, #tpu.memory_space<vmem>>, vector<16xf32>,
    %swap3A_159 = vector.shape_cast %swap3A_158 : vector<16xf32> to vector<16xf32>
    %swap3A_160 = vector.shape_cast %broadcast_in_dim3A_156 : vector<16xf32> to vector<16xf32>
    tpu.vector_store %arg5[%swap3A_157], %swap3A_160 {strides = array<i32>} : memref<1024xf32, #tpu.memory_space<vmem>>, vector<16xf32>,
    %broadcast_in_dim3A_161 = arith.constant 1.000000e+00 : f32
    %broadcast_in_dim3A_162 = vector.broadcast %broadcast_in_dim3A_161 : f32 to vector<16xf32>
    %swap3A_163 = arith.constant 432 : index
    %swap3A_164 = tpu.vector_load %arg5[%swap3A_163] {strides = array<i32>} : memref<1024xf32, #tpu.memory_space<vmem>>, vector<16xf32>,
    %swap3A_165 = vector.shape_cast %swap3A_164 : vector<16xf32> to vector<16xf32>
    %swap3A_166 = vector.shape_cast %broadcast_in_dim3A_162 : vector<16xf32> to vector<16xf32>
    tpu.vector_store %arg5[%swap3A_163], %swap3A_166 {strides = array<i32>} : memref<1024xf32, #tpu.memory_space<vmem>>, vector<16xf32>,
    %broadcast_in_dim3A_167 = arith.constant 1.000000e+00 : f32
    %broadcast_in_dim3A_168 = vector.broadcast %broadcast_in_dim3A_167 : f32 to vector<16xf32>
    %swap3A_169 = arith.constant 448 : index
    %swap3A_170 = tpu.vector_load %arg5[%swap3A_169] {strides = array<i32>} : memref<1024xf32, #tpu.memory_space<vmem>>, vector<16xf32>,
    %swap3A_171 = vector.shape_cast %swap3A_170 : vector<16xf32> to vector<16xf32>
    %swap3A_172 = vector.shape_cast %broadcast_in_dim3A_168 : vector<16xf32> to vector<16xf32>
    tpu.vector_store %arg5[%swap3A_169], %swap3A_172 {strides = array<i32>} : memref<1024xf32, #tpu.memory_space<vmem>>, vector<16xf32>,
    %broadcast_in_dim3A_173 = arith.constant 1.000000e+00 : f32
    %broadcast_in_dim3A_174 = vector.broadcast %broadcast_in_dim3A_173 : f32 to vector<16xf32>
    %swap3A_175 = arith.constant 464 : index
    %swap3A_176 = tpu.vector_load %arg5[%swap3A_175] {strides = array<i32>} : memref<1024xf32, #tpu.memory_space<vmem>>, vector<16xf32>,
    %swap3A_177 = vector.shape_cast %swap3A_176 : vector<16xf32> to vector<16xf32>
    %swap3A_178 = vector.shape_cast %broadcast_in_dim3A_174 : vector<16xf32> to vector<16xf32>
    tpu.vector_store %arg5[%swap3A_175], %swap3A_178 {strides = array<i32>} : memref<1024xf32, #tpu.memory_space<vmem>>, vector<16xf32>,
    %broadcast_in_dim3A_179 = arith.constant 1.000000e+00 : f32
    %broadcast_in_dim3A_180 = vector.broadcast %broadcast_in_dim3A_179 : f32 to vector<16xf32>
    %swap3A_181 = arith.constant 480 : index
    %swap3A_182 = tpu.vector_load %arg5[%swap3A_181] {strides = array<i32>} : memref<1024xf32, #tpu.memory_space<vmem>>, vector<16xf32>,
    %swap3A_183 = vector.shape_cast %swap3A_182 : vector<16xf32> to vector<16xf32>
    %swap3A_184 = vector.shape_cast %broadcast_in_dim3A_180 : vector<16xf32> to vector<16xf32>
    tpu.vector_store %arg5[%swap3A_181], %swap3A_184 {strides = array<i32>} : memref<1024xf32, #tpu.memory_space<vmem>>, vector<16xf32>,
    %broadcast_in_dim3A_185 = arith.constant 1.000000e+00 : f32
    %broadcast_in_dim3A_186 = vector.broadcast %broadcast_in_dim3A_185 : f32 to vector<16xf32>
    %swap3A_187 = arith.constant 496 : index
    %swap3A_188 = tpu.vector_load %arg5[%swap3A_187] {strides = array<i32>} : memref<1024xf32, #tpu.memory_space<vmem>>, vector<16xf32>,
    %swap3A_189 = vector.shape_cast %swap3A_188 : vector<16xf32> to vector<16xf32>
    %swap3A_190 = vector.shape_cast %broadcast_in_dim3A_186 : vector<16xf32> to vector<16xf32>
    tpu.vector_store %arg5[%swap3A_187], %swap3A_190 {strides = array<i32>} : memref<1024xf32, #tpu.memory_space<vmem>>, vector<16xf32>,
    %broadcast_in_dim3A_191 = arith.constant 1.000000e+00 : f32
    %broadcast_in_dim3A_192 = vector.broadcast %broadcast_in_dim3A_191 : f32 to vector<16xf32>
    %swap3A_193 = arith.constant 512 : index
    %swap3A_194 = tpu.vector_load %arg5[%swap3A_193] {strides = array<i32>} : memref<1024xf32, #tpu.memory_space<vmem>>, vector<16xf32>,
    %swap3A_195 = vector.shape_cast %swap3A_194 : vector<16xf32> to vector<16xf32>
    %swap3A_196 = vector.shape_cast %broadcast_in_dim3A_192 : vector<16xf32> to vector<16xf32>
    tpu.vector_store %arg5[%swap3A_193], %swap3A_196 {strides = array<i32>} : memref<1024xf32, #tpu.memory_space<vmem>>, vector<16xf32>,
    %broadcast_in_dim3A_197 = arith.constant 1.000000e+00 : f32
    %broadcast_in_dim3A_198 = vector.broadcast %broadcast_in_dim3A_197 : f32 to vector<16xf32>
    %swap3A_199 = arith.constant 528 : index
    %swap3A_200 = tpu.vector_load %arg5[%swap3A_199] {strides = array<i32>} : memref<1024xf32, #tpu.memory_space<vmem>>, vector<16xf32>,
    %swap3A_201 = vector.shape_cast %swap3A_200 : vector<16xf32> to vector<16xf32>
    %swap3A_202 = vector.shape_cast %broadcast_in_dim3A_198 : vector<16xf32> to vector<16xf32>
    tpu.vector_store %arg5[%swap3A_199], %swap3A_202 {strides = array<i32>} : memref<1024xf32, #tpu.memory_space<vmem>>, vector<16xf32>,
    %broadcast_in_dim3A_203 = arith.constant 1.000000e+00 : f32
    %broadcast_in_dim3A_204 = vector.broadcast %broadcast_in_dim3A_203 : f32 to vector<16xf32>
    %swap3A_205 = arith.constant 544 : index
    %swap3A_206 = tpu.vector_load %arg5[%swap3A_205] {strides = array<i32>} : memref<1024xf32, #tpu.memory_space<vmem>>, vector<16xf32>,
    %swap3A_207 = vector.shape_cast %swap3A_206 : vector<16xf32> to vector<16xf32>
    %swap3A_208 = vector.shape_cast %broadcast_in_dim3A_204 : vector<16xf32> to vector<16xf32>
    tpu.vector_store %arg5[%swap3A_205], %swap3A_208 {strides = array<i32>} : memref<1024xf32, #tpu.memory_space<vmem>>, vector<16xf32>,
    %broadcast_in_dim3A_209 = arith.constant 1.000000e+00 : f32
    %broadcast_in_dim3A_210 = vector.broadcast %broadcast_in_dim3A_209 : f32 to vector<16xf32>
    %swap3A_211 = arith.constant 560 : index
    %swap3A_212 = tpu.vector_load %arg5[%swap3A_211] {strides = array<i32>} : memref<1024xf32, #tpu.memory_space<vmem>>, vector<16xf32>,
    %swap3A_213 = vector.shape_cast %swap3A_212 : vector<16xf32> to vector<16xf32>
    %swap3A_214 = vector.shape_cast %broadcast_in_dim3A_210 : vector<16xf32> to vector<16xf32>
    tpu.vector_store %arg5[%swap3A_211], %swap3A_214 {strides = array<i32>} : memref<1024xf32, #tpu.memory_space<vmem>>, vector<16xf32>,
    %broadcast_in_dim3A_215 = arith.constant 1.000000e+00 : f32
    %broadcast_in_dim3A_216 = vector.broadcast %broadcast_in_dim3A_215 : f32 to vector<16xf32>
    %swap3A_217 = arith.constant 576 : index
    %swap3A_218 = tpu.vector_load %arg5[%swap3A_217] {strides = array<i32>} : memref<1024xf32, #tpu.memory_space<vmem>>, vector<16xf32>,
    %swap3A_219 = vector.shape_cast %swap3A_218 : vector<16xf32> to vector<16xf32>
    %swap3A_220 = vector.shape_cast %broadcast_in_dim3A_216 : vector<16xf32> to vector<16xf32>
    tpu.vector_store %arg5[%swap3A_217], %swap3A_220 {strides = array<i32>} : memref<1024xf32, #tpu.memory_space<vmem>>, vector<16xf32>,
    %broadcast_in_dim3A_221 = arith.constant 1.000000e+00 : f32
    %broadcast_in_dim3A_222 = vector.broadcast %broadcast_in_dim3A_221 : f32 to vector<16xf32>
    %swap3A_223 = arith.constant 592 : index
    %swap3A_224 = tpu.vector_load %arg5[%swap3A_223] {strides = array<i32>} : memref<1024xf32, #tpu.memory_space<vmem>>, vector<16xf32>,
    %swap3A_225 = vector.shape_cast %swap3A_224 : vector<16xf32> to vector<16xf32>
    %swap3A_226 = vector.shape_cast %broadcast_in_dim3A_222 : vector<16xf32> to vector<16xf32>
    tpu.vector_store %arg5[%swap3A_223], %swap3A_226 {strides = array<i32>} : memref<1024xf32, #tpu.memory_space<vmem>>, vector<16xf32>,
    %broadcast_in_dim3A_227 = arith.constant 1.000000e+00 : f32
    %broadcast_in_dim3A_228 = vector.broadcast %broadcast_in_dim3A_227 : f32 to vector<16xf32>
    %swap3A_229 = arith.constant 608 : index
    %swap3A_230 = tpu.vector_load %arg5[%swap3A_229] {strides = array<i32>} : memref<1024xf32, #tpu.memory_space<vmem>>, vector<16xf32>,
    %swap3A_231 = vector.shape_cast %swap3A_230 : vector<16xf32> to vector<16xf32>
    %swap3A_232 = vector.shape_cast %broadcast_in_dim3A_228 : vector<16xf32> to vector<16xf32>
    tpu.vector_store %arg5[%swap3A_229], %swap3A_232 {strides = array<i32>} : memref<1024xf32, #tpu.memory_space<vmem>>, vector<16xf32>,
    %broadcast_in_dim3A_233 = arith.constant 1.000000e+00 : f32
    %broadcast_in_dim3A_234 = vector.broadcast %broadcast_in_dim3A_233 : f32 to vector<16xf32>
    %swap3A_235 = arith.constant 624 : index
    %swap3A_236 = tpu.vector_load %arg5[%swap3A_235] {strides = array<i32>} : memref<1024xf32, #tpu.memory_space<vmem>>, vector<16xf32>,
    %swap3A_237 = vector.shape_cast %swap3A_236 : vector<16xf32> to vector<16xf32>
    %swap3A_238 = vector.shape_cast %broadcast_in_dim3A_234 : vector<16xf32> to vector<16xf32>
    tpu.vector_store %arg5[%swap3A_235], %swap3A_238 {strides = array<i32>} : memref<1024xf32, #tpu.memory_space<vmem>>, vector<16xf32>,
    %broadcast_in_dim3A_239 = arith.constant 1.000000e+00 : f32
    %broadcast_in_dim3A_240 = vector.broadcast %broadcast_in_dim3A_239 : f32 to vector<16xf32>
    %swap3A_241 = arith.constant 640 : index
    %swap3A_242 = tpu.vector_load %arg5[%swap3A_241] {strides = array<i32>} : memref<1024xf32, #tpu.memory_space<vmem>>, vector<16xf32>,
    %swap3A_243 = vector.shape_cast %swap3A_242 : vector<16xf32> to vector<16xf32>
    %swap3A_244 = vector.shape_cast %broadcast_in_dim3A_240 : vector<16xf32> to vector<16xf32>
    tpu.vector_store %arg5[%swap3A_241], %swap3A_244 {strides = array<i32>} : memref<1024xf32, #tpu.memory_space<vmem>>, vector<16xf32>,
    %broadcast_in_dim3A_245 = arith.constant 1.000000e+00 : f32
    %broadcast_in_dim3A_246 = vector.broadcast %broadcast_in_dim3A_245 : f32 to vector<16xf32>
    %swap3A_247 = arith.constant 656 : index
    %swap3A_248 = tpu.vector_load %arg5[%swap3A_247] {strides = array<i32>} : memref<1024xf32, #tpu.memory_space<vmem>>, vector<16xf32>,
    %swap3A_249 = vector.shape_cast %swap3A_248 : vector<16xf32> to vector<16xf32>
    %swap3A_250 = vector.shape_cast %broadcast_in_dim3A_246 : vector<16xf32> to vector<16xf32>
    tpu.vector_store %arg5[%swap3A_247], %swap3A_250 {strides = array<i32>} : memref<1024xf32, #tpu.memory_space<vmem>>, vector<16xf32>,
    %broadcast_in_dim3A_251 = arith.constant 1.000000e+00 : f32
    %broadcast_in_dim3A_252 = vector.broadcast %broadcast_in_dim3A_251 : f32 to vector<16xf32>
    %swap3A_253 = arith.constant 672 : index
    %swap3A_254 = tpu.vector_load %arg5[%swap3A_253] {strides = array<i32>} : memref<1024xf32, #tpu.memory_space<vmem>>, vector<16xf32>,
    %swap3A_255 = vector.shape_cast %swap3A_254 : vector<16xf32> to vector<16xf32>
    %swap3A_256 = vector.shape_cast %broadcast_in_dim3A_252 : vector<16xf32> to vector<16xf32>
    tpu.vector_store %arg5[%swap3A_253], %swap3A_256 {strides = array<i32>} : memref<1024xf32, #tpu.memory_space<vmem>>, vector<16xf32>,
    %broadcast_in_dim3A_257 = arith.constant 1.000000e+00 : f32
    %broadcast_in_dim3A_258 = vector.broadcast %broadcast_in_dim3A_257 : f32 to vector<16xf32>
    %swap3A_259 = arith.constant 688 : index
    %swap3A_260 = tpu.vector_load %arg5[%swap3A_259] {strides = array<i32>} : memref<1024xf32, #tpu.memory_space<vmem>>, vector<16xf32>,
    %swap3A_261 = vector.shape_cast %swap3A_260 : vector<16xf32> to vector<16xf32>
    %swap3A_262 = vector.shape_cast %broadcast_in_dim3A_258 : vector<16xf32> to vector<16xf32>
    tpu.vector_store %arg5[%swap3A_259], %swap3A_262 {strides = array<i32>} : memref<1024xf32, #tpu.memory_space<vmem>>, vector<16xf32>,
    %broadcast_in_dim3A_263 = arith.constant 1.000000e+00 : f32
    %broadcast_in_dim3A_264 = vector.broadcast %broadcast_in_dim3A_263 : f32 to vector<16xf32>
    %swap3A_265 = arith.constant 704 : index
    %swap3A_266 = tpu.vector_load %arg5[%swap3A_265] {strides = array<i32>} : memref<1024xf32, #tpu.memory_space<vmem>>, vector<16xf32>,
    %swap3A_267 = vector.shape_cast %swap3A_266 : vector<16xf32> to vector<16xf32>
    %swap3A_268 = vector.shape_cast %broadcast_in_dim3A_264 : vector<16xf32> to vector<16xf32>
    tpu.vector_store %arg5[%swap3A_265], %swap3A_268 {strides = array<i32>} : memref<1024xf32, #tpu.memory_space<vmem>>, vector<16xf32>,
    %broadcast_in_dim3A_269 = arith.constant 1.000000e+00 : f32
    %broadcast_in_dim3A_270 = vector.broadcast %broadcast_in_dim3A_269 : f32 to vector<16xf32>
    %swap3A_271 = arith.constant 720 : index
    %swap3A_272 = tpu.vector_load %arg5[%swap3A_271] {strides = array<i32>} : memref<1024xf32, #tpu.memory_space<vmem>>, vector<16xf32>,
    %swap3A_273 = vector.shape_cast %swap3A_272 : vector<16xf32> to vector<16xf32>
    %swap3A_274 = vector.shape_cast %broadcast_in_dim3A_270 : vector<16xf32> to vector<16xf32>
    tpu.vector_store %arg5[%swap3A_271], %swap3A_274 {strides = array<i32>} : memref<1024xf32, #tpu.memory_space<vmem>>, vector<16xf32>,
    %broadcast_in_dim3A_275 = arith.constant 1.000000e+00 : f32
    %broadcast_in_dim3A_276 = vector.broadcast %broadcast_in_dim3A_275 : f32 to vector<16xf32>
    %swap3A_277 = arith.constant 736 : index
    %swap3A_278 = tpu.vector_load %arg5[%swap3A_277] {strides = array<i32>} : memref<1024xf32, #tpu.memory_space<vmem>>, vector<16xf32>,
    %swap3A_279 = vector.shape_cast %swap3A_278 : vector<16xf32> to vector<16xf32>
    %swap3A_280 = vector.shape_cast %broadcast_in_dim3A_276 : vector<16xf32> to vector<16xf32>
    tpu.vector_store %arg5[%swap3A_277], %swap3A_280 {strides = array<i32>} : memref<1024xf32, #tpu.memory_space<vmem>>, vector<16xf32>,
    %broadcast_in_dim3A_281 = arith.constant 1.000000e+00 : f32
    %broadcast_in_dim3A_282 = vector.broadcast %broadcast_in_dim3A_281 : f32 to vector<16xf32>
    %swap3A_283 = arith.constant 752 : index
    %swap3A_284 = tpu.vector_load %arg5[%swap3A_283] {strides = array<i32>} : memref<1024xf32, #tpu.memory_space<vmem>>, vector<16xf32>,
    %swap3A_285 = vector.shape_cast %swap3A_284 : vector<16xf32> to vector<16xf32>
    %swap3A_286 = vector.shape_cast %broadcast_in_dim3A_282 : vector<16xf32> to vector<16xf32>
    tpu.vector_store %arg5[%swap3A_283], %swap3A_286 {strides = array<i32>} : memref<1024xf32, #tpu.memory_space<vmem>>, vector<16xf32>,
    %broadcast_in_dim3A_287 = arith.constant 1.000000e+00 : f32
    %broadcast_in_dim3A_288 = vector.broadcast %broadcast_in_dim3A_287 : f32 to vector<16xf32>
    %swap3A_289 = arith.constant 768 : index
    %swap3A_290 = tpu.vector_load %arg5[%swap3A_289] {strides = array<i32>} : memref<1024xf32, #tpu.memory_space<vmem>>, vector<16xf32>,
    %swap3A_291 = vector.shape_cast %swap3A_290 : vector<16xf32> to vector<16xf32>
    %swap3A_292 = vector.shape_cast %broadcast_in_dim3A_288 : vector<16xf32> to vector<16xf32>
    tpu.vector_store %arg5[%swap3A_289], %swap3A_292 {strides = array<i32>} : memref<1024xf32, #tpu.memory_space<vmem>>, vector<16xf32>,
    %broadcast_in_dim3A_293 = arith.constant 1.000000e+00 : f32
    %broadcast_in_dim3A_294 = vector.broadcast %broadcast_in_dim3A_293 : f32 to vector<16xf32>
    %swap3A_295 = arith.constant 784 : index
    %swap3A_296 = tpu.vector_load %arg5[%swap3A_295] {strides = array<i32>} : memref<1024xf32, #tpu.memory_space<vmem>>, vector<16xf32>,
    %swap3A_297 = vector.shape_cast %swap3A_296 : vector<16xf32> to vector<16xf32>
    %swap3A_298 = vector.shape_cast %broadcast_in_dim3A_294 : vector<16xf32> to vector<16xf32>
    tpu.vector_store %arg5[%swap3A_295], %swap3A_298 {strides = array<i32>} : memref<1024xf32, #tpu.memory_space<vmem>>, vector<16xf32>,
    %broadcast_in_dim3A_299 = arith.constant 1.000000e+00 : f32
    %broadcast_in_dim3A_300 = vector.broadcast %broadcast_in_dim3A_299 : f32 to vector<16xf32>
    %swap3A_301 = arith.constant 800 : index
    %swap3A_302 = tpu.vector_load %arg5[%swap3A_301] {strides = array<i32>} : memref<1024xf32, #tpu.memory_space<vmem>>, vector<16xf32>,
    %swap3A_303 = vector.shape_cast %swap3A_302 : vector<16xf32> to vector<16xf32>
    %swap3A_304 = vector.shape_cast %broadcast_in_dim3A_300 : vector<16xf32> to vector<16xf32>
    tpu.vector_store %arg5[%swap3A_301], %swap3A_304 {strides = array<i32>} : memref<1024xf32, #tpu.memory_space<vmem>>, vector<16xf32>,
    %broadcast_in_dim3A_305 = arith.constant 1.000000e+00 : f32
    %broadcast_in_dim3A_306 = vector.broadcast %broadcast_in_dim3A_305 : f32 to vector<16xf32>
    %swap3A_307 = arith.constant 816 : index
    %swap3A_308 = tpu.vector_load %arg5[%swap3A_307] {strides = array<i32>} : memref<1024xf32, #tpu.memory_space<vmem>>, vector<16xf32>,
    %swap3A_309 = vector.shape_cast %swap3A_308 : vector<16xf32> to vector<16xf32>
    %swap3A_310 = vector.shape_cast %broadcast_in_dim3A_306 : vector<16xf32> to vector<16xf32>
    tpu.vector_store %arg5[%swap3A_307], %swap3A_310 {strides = array<i32>} : memref<1024xf32, #tpu.memory_space<vmem>>, vector<16xf32>,
    %broadcast_in_dim3A_311 = arith.constant 1.000000e+00 : f32
    %broadcast_in_dim3A_312 = vector.broadcast %broadcast_in_dim3A_311 : f32 to vector<16xf32>
    %swap3A_313 = arith.constant 832 : index
    %swap3A_314 = tpu.vector_load %arg5[%swap3A_313] {strides = array<i32>} : memref<1024xf32, #tpu.memory_space<vmem>>, vector<16xf32>,
    %swap3A_315 = vector.shape_cast %swap3A_314 : vector<16xf32> to vector<16xf32>
    %swap3A_316 = vector.shape_cast %broadcast_in_dim3A_312 : vector<16xf32> to vector<16xf32>
    tpu.vector_store %arg5[%swap3A_313], %swap3A_316 {strides = array<i32>} : memref<1024xf32, #tpu.memory_space<vmem>>, vector<16xf32>,
    %broadcast_in_dim3A_317 = arith.constant 1.000000e+00 : f32
    %broadcast_in_dim3A_318 = vector.broadcast %broadcast_in_dim3A_317 : f32 to vector<16xf32>
    %swap3A_319 = arith.constant 848 : index
    %swap3A_320 = tpu.vector_load %arg5[%swap3A_319] {strides = array<i32>} : memref<1024xf32, #tpu.memory_space<vmem>>, vector<16xf32>,
    %swap3A_321 = vector.shape_cast %swap3A_320 : vector<16xf32> to vector<16xf32>
    %swap3A_322 = vector.shape_cast %broadcast_in_dim3A_318 : vector<16xf32> to vector<16xf32>
    tpu.vector_store %arg5[%swap3A_319], %swap3A_322 {strides = array<i32>} : memref<1024xf32, #tpu.memory_space<vmem>>, vector<16xf32>,
    %broadcast_in_dim3A_323 = arith.constant 1.000000e+00 : f32
    %broadcast_in_dim3A_324 = vector.broadcast %broadcast_in_dim3A_323 : f32 to vector<16xf32>
    %swap3A_325 = arith.constant 864 : index
    %swap3A_326 = tpu.vector_load %arg5[%swap3A_325] {strides = array<i32>} : memref<1024xf32, #tpu.memory_space<vmem>>, vector<16xf32>,
    %swap3A_327 = vector.shape_cast %swap3A_326 : vector<16xf32> to vector<16xf32>
    %swap3A_328 = vector.shape_cast %broadcast_in_dim3A_324 : vector<16xf32> to vector<16xf32>
    tpu.vector_store %arg5[%swap3A_325], %swap3A_328 {strides = array<i32>} : memref<1024xf32, #tpu.memory_space<vmem>>, vector<16xf32>,
    %broadcast_in_dim3A_329 = arith.constant 1.000000e+00 : f32
    %broadcast_in_dim3A_330 = vector.broadcast %broadcast_in_dim3A_329 : f32 to vector<16xf32>
    %swap3A_331 = arith.constant 880 : index
    %swap3A_332 = tpu.vector_load %arg5[%swap3A_331] {strides = array<i32>} : memref<1024xf32, #tpu.memory_space<vmem>>, vector<16xf32>,
    %swap3A_333 = vector.shape_cast %swap3A_332 : vector<16xf32> to vector<16xf32>
    %swap3A_334 = vector.shape_cast %broadcast_in_dim3A_330 : vector<16xf32> to vector<16xf32>
    tpu.vector_store %arg5[%swap3A_331], %swap3A_334 {strides = array<i32>} : memref<1024xf32, #tpu.memory_space<vmem>>, vector<16xf32>,
    %broadcast_in_dim3A_335 = arith.constant 1.000000e+00 : f32
    %broadcast_in_dim3A_336 = vector.broadcast %broadcast_in_dim3A_335 : f32 to vector<16xf32>
    %swap3A_337 = arith.constant 896 : index
    %swap3A_338 = tpu.vector_load %arg5[%swap3A_337] {strides = array<i32>} : memref<1024xf32, #tpu.memory_space<vmem>>, vector<16xf32>,
    %swap3A_339 = vector.shape_cast %swap3A_338 : vector<16xf32> to vector<16xf32>
    %swap3A_340 = vector.shape_cast %broadcast_in_dim3A_336 : vector<16xf32> to vector<16xf32>
    tpu.vector_store %arg5[%swap3A_337], %swap3A_340 {strides = array<i32>} : memref<1024xf32, #tpu.memory_space<vmem>>, vector<16xf32>,
    %broadcast_in_dim3A_341 = arith.constant 1.000000e+00 : f32
    %broadcast_in_dim3A_342 = vector.broadcast %broadcast_in_dim3A_341 : f32 to vector<16xf32>
    %swap3A_343 = arith.constant 912 : index
    %swap3A_344 = tpu.vector_load %arg5[%swap3A_343] {strides = array<i32>} : memref<1024xf32, #tpu.memory_space<vmem>>, vector<16xf32>,
    %swap3A_345 = vector.shape_cast %swap3A_344 : vector<16xf32> to vector<16xf32>
    %swap3A_346 = vector.shape_cast %broadcast_in_dim3A_342 : vector<16xf32> to vector<16xf32>
    tpu.vector_store %arg5[%swap3A_343], %swap3A_346 {strides = array<i32>} : memref<1024xf32, #tpu.memory_space<vmem>>, vector<16xf32>,
    %broadcast_in_dim3A_347 = arith.constant 1.000000e+00 : f32
    %broadcast_in_dim3A_348 = vector.broadcast %broadcast_in_dim3A_347 : f32 to vector<16xf32>
    %swap3A_349 = arith.constant 928 : index
    %swap3A_350 = tpu.vector_load %arg5[%swap3A_349] {strides = array<i32>} : memref<1024xf32, #tpu.memory_space<vmem>>, vector<16xf32>,
    %swap3A_351 = vector.shape_cast %swap3A_350 : vector<16xf32> to vector<16xf32>
    %swap3A_352 = vector.shape_cast %broadcast_in_dim3A_348 : vector<16xf32> to vector<16xf32>
    tpu.vector_store %arg5[%swap3A_349], %swap3A_352 {strides = array<i32>} : memref<1024xf32, #tpu.memory_space<vmem>>, vector<16xf32>,
    %broadcast_in_dim3A_353 = arith.constant 1.000000e+00 : f32
    %broadcast_in_dim3A_354 = vector.broadcast %broadcast_in_dim3A_353 : f32 to vector<16xf32>
    %swap3A_355 = arith.constant 944 : index
    %swap3A_356 = tpu.vector_load %arg5[%swap3A_355] {strides = array<i32>} : memref<1024xf32, #tpu.memory_space<vmem>>, vector<16xf32>,
    %swap3A_357 = vector.shape_cast %swap3A_356 : vector<16xf32> to vector<16xf32>
    %swap3A_358 = vector.shape_cast %broadcast_in_dim3A_354 : vector<16xf32> to vector<16xf32>
    tpu.vector_store %arg5[%swap3A_355], %swap3A_358 {strides = array<i32>} : memref<1024xf32, #tpu.memory_space<vmem>>, vector<16xf32>,
    %broadcast_in_dim3A_359 = arith.constant 1.000000e+00 : f32
    %broadcast_in_dim3A_360 = vector.broadcast %broadcast_in_dim3A_359 : f32 to vector<16xf32>
    %swap3A_361 = arith.constant 960 : index
    %swap3A_362 = tpu.vector_load %arg5[%swap3A_361] {strides = array<i32>} : memref<1024xf32, #tpu.memory_space<vmem>>, vector<16xf32>,
    %swap3A_363 = vector.shape_cast %swap3A_362 : vector<16xf32> to vector<16xf32>
    %swap3A_364 = vector.shape_cast %broadcast_in_dim3A_360 : vector<16xf32> to vector<16xf32>
    tpu.vector_store %arg5[%swap3A_361], %swap3A_364 {strides = array<i32>} : memref<1024xf32, #tpu.memory_space<vmem>>, vector<16xf32>,
    %broadcast_in_dim3A_365 = arith.constant 1.000000e+00 : f32
    %broadcast_in_dim3A_366 = vector.broadcast %broadcast_in_dim3A_365 : f32 to vector<16xf32>
    %swap3A_367 = arith.constant 976 : index
    %swap3A_368 = tpu.vector_load %arg5[%swap3A_367] {strides = array<i32>} : memref<1024xf32, #tpu.memory_space<vmem>>, vector<16xf32>,
    %swap3A_369 = vector.shape_cast %swap3A_368 : vector<16xf32> to vector<16xf32>
    %swap3A_370 = vector.shape_cast %broadcast_in_dim3A_366 : vector<16xf32> to vector<16xf32>
    tpu.vector_store %arg5[%swap3A_367], %swap3A_370 {strides = array<i32>} : memref<1024xf32, #tpu.memory_space<vmem>>, vector<16xf32>,
    %broadcast_in_dim3A_371 = arith.constant 1.000000e+00 : f32
    %broadcast_in_dim3A_372 = vector.broadcast %broadcast_in_dim3A_371 : f32 to vector<16xf32>
    %swap3A_373 = arith.constant 992 : index
    %swap3A_374 = tpu.vector_load %arg5[%swap3A_373] {strides = array<i32>} : memref<1024xf32, #tpu.memory_space<vmem>>, vector<16xf32>,
    %swap3A_375 = vector.shape_cast %swap3A_374 : vector<16xf32> to vector<16xf32>
    %swap3A_376 = vector.shape_cast %broadcast_in_dim3A_372 : vector<16xf32> to vector<16xf32>
    tpu.vector_store %arg5[%swap3A_373], %swap3A_376 {strides = array<i32>} : memref<1024xf32, #tpu.memory_space<vmem>>, vector<16xf32>,
    %broadcast_in_dim3A_377 = arith.constant 1.000000e+00 : f32
    %broadcast_in_dim3A_378 = vector.broadcast %broadcast_in_dim3A_377 : f32 to vector<16xf32>
    %swap3A_379 = arith.constant 1008 : index
    %swap3A_380 = tpu.vector_load %arg5[%swap3A_379] {strides = array<i32>} : memref<1024xf32, #tpu.memory_space<vmem>>, vector<16xf32>,
    %swap3A_381 = vector.shape_cast %swap3A_380 : vector<16xf32> to vector<16xf32>
    %swap3A_382 = vector.shape_cast %broadcast_in_dim3A_378 : vector<16xf32> to vector<16xf32>
    tpu.vector_store %arg5[%swap3A_379], %swap3A_382 {strides = array<i32>} : memref<1024xf32, #tpu.memory_space<vmem>>, vector<16xf32>,
    %broadcast_in_dim3A_383 = arith.constant 0.000000e+00 : f32
    %broadcast_in_dim3A_384 = vector.broadcast %broadcast_in_dim3A_383 : f32 to vector<16xf32>
    %swap3A_385 = arith.constant 0 : index
    %swap3A_386 = tpu.vector_load %arg6[%swap3A_385] {strides = array<i32>} : memref<640xf32, #tpu.memory_space<vmem>>, vector<16xf32>,
    %swap3A_387 = vector.shape_cast %swap3A_386 : vector<16xf32> to vector<16xf32>
    %swap3A_388 = vector.shape_cast %broadcast_in_dim3A_384 : vector<16xf32> to vector<16xf32>
    tpu.vector_store %arg6[%swap3A_385], %swap3A_388 {strides = array<i32>} : memref<640xf32, #tpu.memory_space<vmem>>, vector<16xf32>,
    %broadcast_in_dim3A_389 = arith.constant 0.000000e+00 : f32
    %broadcast_in_dim3A_390 = vector.broadcast %broadcast_in_dim3A_389 : f32 to vector<16xf32>
    %swap3A_391 = arith.constant 16 : index
    %swap3A_392 = tpu.vector_load %arg6[%swap3A_391] {strides = array<i32>} : memref<640xf32, #tpu.memory_space<vmem>>, vector<16xf32>,
    %swap3A_393 = vector.shape_cast %swap3A_392 : vector<16xf32> to vector<16xf32>
    %swap3A_394 = vector.shape_cast %broadcast_in_dim3A_390 : vector<16xf32> to vector<16xf32>
    tpu.vector_store %arg6[%swap3A_391], %swap3A_394 {strides = array<i32>} : memref<640xf32, #tpu.memory_space<vmem>>, vector<16xf32>,
    %broadcast_in_dim3A_395 = arith.constant 0.000000e+00 : f32
    %broadcast_in_dim3A_396 = vector.broadcast %broadcast_in_dim3A_395 : f32 to vector<16xf32>
    %swap3A_397 = arith.constant 32 : index
    %swap3A_398 = tpu.vector_load %arg6[%swap3A_397] {strides = array<i32>} : memref<640xf32, #tpu.memory_space<vmem>>, vector<16xf32>,
    %swap3A_399 = vector.shape_cast %swap3A_398 : vector<16xf32> to vector<16xf32>
    %swap3A_400 = vector.shape_cast %broadcast_in_dim3A_396 : vector<16xf32> to vector<16xf32>
    tpu.vector_store %arg6[%swap3A_397], %swap3A_400 {strides = array<i32>} : memref<640xf32, #tpu.memory_space<vmem>>, vector<16xf32>,
    %broadcast_in_dim3A_401 = arith.constant 0.000000e+00 : f32
    %broadcast_in_dim3A_402 = vector.broadcast %broadcast_in_dim3A_401 : f32 to vector<16xf32>
    %swap3A_403 = arith.constant 48 : index
    %swap3A_404 = tpu.vector_load %arg6[%swap3A_403] {strides = array<i32>} : memref<640xf32, #tpu.memory_space<vmem>>, vector<16xf32>,
    %swap3A_405 = vector.shape_cast %swap3A_404 : vector<16xf32> to vector<16xf32>
    %swap3A_406 = vector.shape_cast %broadcast_in_dim3A_402 : vector<16xf32> to vector<16xf32>
    tpu.vector_store %arg6[%swap3A_403], %swap3A_406 {strides = array<i32>} : memref<640xf32, #tpu.memory_space<vmem>>, vector<16xf32>,
    %broadcast_in_dim3A_407 = arith.constant 0.000000e+00 : f32
    %broadcast_in_dim3A_408 = vector.broadcast %broadcast_in_dim3A_407 : f32 to vector<16xf32>
    %swap3A_409 = arith.constant 64 : index
    %swap3A_410 = tpu.vector_load %arg6[%swap3A_409] {strides = array<i32>} : memref<640xf32, #tpu.memory_space<vmem>>, vector<16xf32>,
    %swap3A_411 = vector.shape_cast %swap3A_410 : vector<16xf32> to vector<16xf32>
    %swap3A_412 = vector.shape_cast %broadcast_in_dim3A_408 : vector<16xf32> to vector<16xf32>
    tpu.vector_store %arg6[%swap3A_409], %swap3A_412 {strides = array<i32>} : memref<640xf32, #tpu.memory_space<vmem>>, vector<16xf32>,
    %broadcast_in_dim3A_413 = arith.constant 0.000000e+00 : f32
    %broadcast_in_dim3A_414 = vector.broadcast %broadcast_in_dim3A_413 : f32 to vector<16xf32>
    %swap3A_415 = arith.constant 80 : index
    %swap3A_416 = tpu.vector_load %arg6[%swap3A_415] {strides = array<i32>} : memref<640xf32, #tpu.memory_space<vmem>>, vector<16xf32>,
    %swap3A_417 = vector.shape_cast %swap3A_416 : vector<16xf32> to vector<16xf32>
    %swap3A_418 = vector.shape_cast %broadcast_in_dim3A_414 : vector<16xf32> to vector<16xf32>
    tpu.vector_store %arg6[%swap3A_415], %swap3A_418 {strides = array<i32>} : memref<640xf32, #tpu.memory_space<vmem>>, vector<16xf32>,
    %broadcast_in_dim3A_419 = arith.constant 0.000000e+00 : f32
    %broadcast_in_dim3A_420 = vector.broadcast %broadcast_in_dim3A_419 : f32 to vector<16xf32>
    %swap3A_421 = arith.constant 96 : index
    %swap3A_422 = tpu.vector_load %arg6[%swap3A_421] {strides = array<i32>} : memref<640xf32, #tpu.memory_space<vmem>>, vector<16xf32>,
    %swap3A_423 = vector.shape_cast %swap3A_422 : vector<16xf32> to vector<16xf32>
    %swap3A_424 = vector.shape_cast %broadcast_in_dim3A_420 : vector<16xf32> to vector<16xf32>
    tpu.vector_store %arg6[%swap3A_421], %swap3A_424 {strides = array<i32>} : memref<640xf32, #tpu.memory_space<vmem>>, vector<16xf32>,
    %broadcast_in_dim3A_425 = arith.constant 0.000000e+00 : f32
    %broadcast_in_dim3A_426 = vector.broadcast %broadcast_in_dim3A_425 : f32 to vector<16xf32>
    %swap3A_427 = arith.constant 112 : index
    %swap3A_428 = tpu.vector_load %arg6[%swap3A_427] {strides = array<i32>} : memref<640xf32, #tpu.memory_space<vmem>>, vector<16xf32>,
    %swap3A_429 = vector.shape_cast %swap3A_428 : vector<16xf32> to vector<16xf32>
    %swap3A_430 = vector.shape_cast %broadcast_in_dim3A_426 : vector<16xf32> to vector<16xf32>
    tpu.vector_store %arg6[%swap3A_427], %swap3A_430 {strides = array<i32>} : memref<640xf32, #tpu.memory_space<vmem>>, vector<16xf32>,
    %broadcast_in_dim3A_431 = arith.constant 0.000000e+00 : f32
    %broadcast_in_dim3A_432 = vector.broadcast %broadcast_in_dim3A_431 : f32 to vector<16xf32>
    %swap3A_433 = arith.constant 128 : index
    %swap3A_434 = tpu.vector_load %arg6[%swap3A_433] {strides = array<i32>} : memref<640xf32, #tpu.memory_space<vmem>>, vector<16xf32>,
    %swap3A_435 = vector.shape_cast %swap3A_434 : vector<16xf32> to vector<16xf32>
    %swap3A_436 = vector.shape_cast %broadcast_in_dim3A_432 : vector<16xf32> to vector<16xf32>
    tpu.vector_store %arg6[%swap3A_433], %swap3A_436 {strides = array<i32>} : memref<640xf32, #tpu.memory_space<vmem>>, vector<16xf32>,
    %broadcast_in_dim3A_437 = arith.constant 0.000000e+00 : f32
    %broadcast_in_dim3A_438 = vector.broadcast %broadcast_in_dim3A_437 : f32 to vector<16xf32>
    %swap3A_439 = arith.constant 144 : index
    %swap3A_440 = tpu.vector_load %arg6[%swap3A_439] {strides = array<i32>} : memref<640xf32, #tpu.memory_space<vmem>>, vector<16xf32>,
    %swap3A_441 = vector.shape_cast %swap3A_440 : vector<16xf32> to vector<16xf32>
    %swap3A_442 = vector.shape_cast %broadcast_in_dim3A_438 : vector<16xf32> to vector<16xf32>
    tpu.vector_store %arg6[%swap3A_439], %swap3A_442 {strides = array<i32>} : memref<640xf32, #tpu.memory_space<vmem>>, vector<16xf32>,
    %broadcast_in_dim3A_443 = arith.constant 0.000000e+00 : f32
    %broadcast_in_dim3A_444 = vector.broadcast %broadcast_in_dim3A_443 : f32 to vector<16xf32>
    %swap3A_445 = arith.constant 160 : index
    %swap3A_446 = tpu.vector_load %arg6[%swap3A_445] {strides = array<i32>} : memref<640xf32, #tpu.memory_space<vmem>>, vector<16xf32>,
    %swap3A_447 = vector.shape_cast %swap3A_446 : vector<16xf32> to vector<16xf32>
    %swap3A_448 = vector.shape_cast %broadcast_in_dim3A_444 : vector<16xf32> to vector<16xf32>
    tpu.vector_store %arg6[%swap3A_445], %swap3A_448 {strides = array<i32>} : memref<640xf32, #tpu.memory_space<vmem>>, vector<16xf32>,
    %broadcast_in_dim3A_449 = arith.constant 0.000000e+00 : f32
    %broadcast_in_dim3A_450 = vector.broadcast %broadcast_in_dim3A_449 : f32 to vector<16xf32>
    %swap3A_451 = arith.constant 176 : index
    %swap3A_452 = tpu.vector_load %arg6[%swap3A_451] {strides = array<i32>} : memref<640xf32, #tpu.memory_space<vmem>>, vector<16xf32>,
    %swap3A_453 = vector.shape_cast %swap3A_452 : vector<16xf32> to vector<16xf32>
    %swap3A_454 = vector.shape_cast %broadcast_in_dim3A_450 : vector<16xf32> to vector<16xf32>
    tpu.vector_store %arg6[%swap3A_451], %swap3A_454 {strides = array<i32>} : memref<640xf32, #tpu.memory_space<vmem>>, vector<16xf32>,
    %broadcast_in_dim3A_455 = arith.constant 0.000000e+00 : f32
    %broadcast_in_dim3A_456 = vector.broadcast %broadcast_in_dim3A_455 : f32 to vector<16xf32>
    %swap3A_457 = arith.constant 192 : index
    %swap3A_458 = tpu.vector_load %arg6[%swap3A_457] {strides = array<i32>} : memref<640xf32, #tpu.memory_space<vmem>>, vector<16xf32>,
    %swap3A_459 = vector.shape_cast %swap3A_458 : vector<16xf32> to vector<16xf32>
    %swap3A_460 = vector.shape_cast %broadcast_in_dim3A_456 : vector<16xf32> to vector<16xf32>
    tpu.vector_store %arg6[%swap3A_457], %swap3A_460 {strides = array<i32>} : memref<640xf32, #tpu.memory_space<vmem>>, vector<16xf32>,
    %broadcast_in_dim3A_461 = arith.constant 0.000000e+00 : f32
    %broadcast_in_dim3A_462 = vector.broadcast %broadcast_in_dim3A_461 : f32 to vector<16xf32>
    %swap3A_463 = arith.constant 208 : index
    %swap3A_464 = tpu.vector_load %arg6[%swap3A_463] {strides = array<i32>} : memref<640xf32, #tpu.memory_space<vmem>>, vector<16xf32>,
    %swap3A_465 = vector.shape_cast %swap3A_464 : vector<16xf32> to vector<16xf32>
    %swap3A_466 = vector.shape_cast %broadcast_in_dim3A_462 : vector<16xf32> to vector<16xf32>
    tpu.vector_store %arg6[%swap3A_463], %swap3A_466 {strides = array<i32>} : memref<640xf32, #tpu.memory_space<vmem>>, vector<16xf32>,
    %broadcast_in_dim3A_467 = arith.constant 0.000000e+00 : f32
    %broadcast_in_dim3A_468 = vector.broadcast %broadcast_in_dim3A_467 : f32 to vector<16xf32>
    %swap3A_469 = arith.constant 224 : index
    %swap3A_470 = tpu.vector_load %arg6[%swap3A_469] {strides = array<i32>} : memref<640xf32, #tpu.memory_space<vmem>>, vector<16xf32>,
    %swap3A_471 = vector.shape_cast %swap3A_470 : vector<16xf32> to vector<16xf32>
    %swap3A_472 = vector.shape_cast %broadcast_in_dim3A_468 : vector<16xf32> to vector<16xf32>
    tpu.vector_store %arg6[%swap3A_469], %swap3A_472 {strides = array<i32>} : memref<640xf32, #tpu.memory_space<vmem>>, vector<16xf32>,
    %broadcast_in_dim3A_473 = arith.constant 0.000000e+00 : f32
    %broadcast_in_dim3A_474 = vector.broadcast %broadcast_in_dim3A_473 : f32 to vector<16xf32>
    %swap3A_475 = arith.constant 240 : index
    %swap3A_476 = tpu.vector_load %arg6[%swap3A_475] {strides = array<i32>} : memref<640xf32, #tpu.memory_space<vmem>>, vector<16xf32>,
    %swap3A_477 = vector.shape_cast %swap3A_476 : vector<16xf32> to vector<16xf32>
    %swap3A_478 = vector.shape_cast %broadcast_in_dim3A_474 : vector<16xf32> to vector<16xf32>
    tpu.vector_store %arg6[%swap3A_475], %swap3A_478 {strides = array<i32>} : memref<640xf32, #tpu.memory_space<vmem>>, vector<16xf32>,
    %broadcast_in_dim3A_479 = arith.constant 0.000000e+00 : f32
    %broadcast_in_dim3A_480 = vector.broadcast %broadcast_in_dim3A_479 : f32 to vector<16xf32>
    %swap3A_481 = arith.constant 256 : index
    %swap3A_482 = tpu.vector_load %arg6[%swap3A_481] {strides = array<i32>} : memref<640xf32, #tpu.memory_space<vmem>>, vector<16xf32>,
    %swap3A_483 = vector.shape_cast %swap3A_482 : vector<16xf32> to vector<16xf32>
    %swap3A_484 = vector.shape_cast %broadcast_in_dim3A_480 : vector<16xf32> to vector<16xf32>
    tpu.vector_store %arg6[%swap3A_481], %swap3A_484 {strides = array<i32>} : memref<640xf32, #tpu.memory_space<vmem>>, vector<16xf32>,
    %broadcast_in_dim3A_485 = arith.constant 0.000000e+00 : f32
    %broadcast_in_dim3A_486 = vector.broadcast %broadcast_in_dim3A_485 : f32 to vector<16xf32>
    %swap3A_487 = arith.constant 272 : index
    %swap3A_488 = tpu.vector_load %arg6[%swap3A_487] {strides = array<i32>} : memref<640xf32, #tpu.memory_space<vmem>>, vector<16xf32>,
    %swap3A_489 = vector.shape_cast %swap3A_488 : vector<16xf32> to vector<16xf32>
    %swap3A_490 = vector.shape_cast %broadcast_in_dim3A_486 : vector<16xf32> to vector<16xf32>
    tpu.vector_store %arg6[%swap3A_487], %swap3A_490 {strides = array<i32>} : memref<640xf32, #tpu.memory_space<vmem>>, vector<16xf32>,
    %broadcast_in_dim3A_491 = arith.constant 0.000000e+00 : f32
    %broadcast_in_dim3A_492 = vector.broadcast %broadcast_in_dim3A_491 : f32 to vector<16xf32>
    %swap3A_493 = arith.constant 288 : index
    %swap3A_494 = tpu.vector_load %arg6[%swap3A_493] {strides = array<i32>} : memref<640xf32, #tpu.memory_space<vmem>>, vector<16xf32>,
    %swap3A_495 = vector.shape_cast %swap3A_494 : vector<16xf32> to vector<16xf32>
    %swap3A_496 = vector.shape_cast %broadcast_in_dim3A_492 : vector<16xf32> to vector<16xf32>
    tpu.vector_store %arg6[%swap3A_493], %swap3A_496 {strides = array<i32>} : memref<640xf32, #tpu.memory_space<vmem>>, vector<16xf32>,
    %broadcast_in_dim3A_497 = arith.constant 0.000000e+00 : f32
    %broadcast_in_dim3A_498 = vector.broadcast %broadcast_in_dim3A_497 : f32 to vector<16xf32>
    %swap3A_499 = arith.constant 304 : index
    %swap3A_500 = tpu.vector_load %arg6[%swap3A_499] {strides = array<i32>} : memref<640xf32, #tpu.memory_space<vmem>>, vector<16xf32>,
    %swap3A_501 = vector.shape_cast %swap3A_500 : vector<16xf32> to vector<16xf32>
    %swap3A_502 = vector.shape_cast %broadcast_in_dim3A_498 : vector<16xf32> to vector<16xf32>
    tpu.vector_store %arg6[%swap3A_499], %swap3A_502 {strides = array<i32>} : memref<640xf32, #tpu.memory_space<vmem>>, vector<16xf32>,
    %broadcast_in_dim3A_503 = arith.constant 0.000000e+00 : f32
    %broadcast_in_dim3A_504 = vector.broadcast %broadcast_in_dim3A_503 : f32 to vector<16xf32>
    %swap3A_505 = arith.constant 320 : index
    %swap3A_506 = tpu.vector_load %arg6[%swap3A_505] {strides = array<i32>} : memref<640xf32, #tpu.memory_space<vmem>>, vector<16xf32>,
    %swap3A_507 = vector.shape_cast %swap3A_506 : vector<16xf32> to vector<16xf32>
    %swap3A_508 = vector.shape_cast %broadcast_in_dim3A_504 : vector<16xf32> to vector<16xf32>
    tpu.vector_store %arg6[%swap3A_505], %swap3A_508 {strides = array<i32>} : memref<640xf32, #tpu.memory_space<vmem>>, vector<16xf32>,
    %broadcast_in_dim3A_509 = arith.constant 0.000000e+00 : f32
    %broadcast_in_dim3A_510 = vector.broadcast %broadcast_in_dim3A_509 : f32 to vector<16xf32>
    %swap3A_511 = arith.constant 336 : index
    %swap3A_512 = tpu.vector_load %arg6[%swap3A_511] {strides = array<i32>} : memref<640xf32, #tpu.memory_space<vmem>>, vector<16xf32>,
    %swap3A_513 = vector.shape_cast %swap3A_512 : vector<16xf32> to vector<16xf32>
    %swap3A_514 = vector.shape_cast %broadcast_in_dim3A_510 : vector<16xf32> to vector<16xf32>
    tpu.vector_store %arg6[%swap3A_511], %swap3A_514 {strides = array<i32>} : memref<640xf32, #tpu.memory_space<vmem>>, vector<16xf32>,
    %broadcast_in_dim3A_515 = arith.constant 0.000000e+00 : f32
    %broadcast_in_dim3A_516 = vector.broadcast %broadcast_in_dim3A_515 : f32 to vector<16xf32>
    %swap3A_517 = arith.constant 352 : index
    %swap3A_518 = tpu.vector_load %arg6[%swap3A_517] {strides = array<i32>} : memref<640xf32, #tpu.memory_space<vmem>>, vector<16xf32>,
    %swap3A_519 = vector.shape_cast %swap3A_518 : vector<16xf32> to vector<16xf32>
    %swap3A_520 = vector.shape_cast %broadcast_in_dim3A_516 : vector<16xf32> to vector<16xf32>
    tpu.vector_store %arg6[%swap3A_517], %swap3A_520 {strides = array<i32>} : memref<640xf32, #tpu.memory_space<vmem>>, vector<16xf32>,
    %broadcast_in_dim3A_521 = arith.constant 0.000000e+00 : f32
    %broadcast_in_dim3A_522 = vector.broadcast %broadcast_in_dim3A_521 : f32 to vector<16xf32>
    %swap3A_523 = arith.constant 368 : index
    %swap3A_524 = tpu.vector_load %arg6[%swap3A_523] {strides = array<i32>} : memref<640xf32, #tpu.memory_space<vmem>>, vector<16xf32>,
    %swap3A_525 = vector.shape_cast %swap3A_524 : vector<16xf32> to vector<16xf32>
    %swap3A_526 = vector.shape_cast %broadcast_in_dim3A_522 : vector<16xf32> to vector<16xf32>
    tpu.vector_store %arg6[%swap3A_523], %swap3A_526 {strides = array<i32>} : memref<640xf32, #tpu.memory_space<vmem>>, vector<16xf32>,
    %broadcast_in_dim3A_527 = arith.constant 0.000000e+00 : f32
    %broadcast_in_dim3A_528 = vector.broadcast %broadcast_in_dim3A_527 : f32 to vector<16xf32>
    %swap3A_529 = arith.constant 384 : index
    %swap3A_530 = tpu.vector_load %arg6[%swap3A_529] {strides = array<i32>} : memref<640xf32, #tpu.memory_space<vmem>>, vector<16xf32>,
    %swap3A_531 = vector.shape_cast %swap3A_530 : vector<16xf32> to vector<16xf32>
    %swap3A_532 = vector.shape_cast %broadcast_in_dim3A_528 : vector<16xf32> to vector<16xf32>
    tpu.vector_store %arg6[%swap3A_529], %swap3A_532 {strides = array<i32>} : memref<640xf32, #tpu.memory_space<vmem>>, vector<16xf32>,
    %broadcast_in_dim3A_533 = arith.constant 0.000000e+00 : f32
    %broadcast_in_dim3A_534 = vector.broadcast %broadcast_in_dim3A_533 : f32 to vector<16xf32>
    %swap3A_535 = arith.constant 400 : index
    %swap3A_536 = tpu.vector_load %arg6[%swap3A_535] {strides = array<i32>} : memref<640xf32, #tpu.memory_space<vmem>>, vector<16xf32>,
    %swap3A_537 = vector.shape_cast %swap3A_536 : vector<16xf32> to vector<16xf32>
    %swap3A_538 = vector.shape_cast %broadcast_in_dim3A_534 : vector<16xf32> to vector<16xf32>
    tpu.vector_store %arg6[%swap3A_535], %swap3A_538 {strides = array<i32>} : memref<640xf32, #tpu.memory_space<vmem>>, vector<16xf32>,
    %broadcast_in_dim3A_539 = arith.constant 0.000000e+00 : f32
    %broadcast_in_dim3A_540 = vector.broadcast %broadcast_in_dim3A_539 : f32 to vector<16xf32>
    %swap3A_541 = arith.constant 416 : index
    %swap3A_542 = tpu.vector_load %arg6[%swap3A_541] {strides = array<i32>} : memref<640xf32, #tpu.memory_space<vmem>>, vector<16xf32>,
    %swap3A_543 = vector.shape_cast %swap3A_542 : vector<16xf32> to vector<16xf32>
    %swap3A_544 = vector.shape_cast %broadcast_in_dim3A_540 : vector<16xf32> to vector<16xf32>
    tpu.vector_store %arg6[%swap3A_541], %swap3A_544 {strides = array<i32>} : memref<640xf32, #tpu.memory_space<vmem>>, vector<16xf32>,
    %broadcast_in_dim3A_545 = arith.constant 0.000000e+00 : f32
    %broadcast_in_dim3A_546 = vector.broadcast %broadcast_in_dim3A_545 : f32 to vector<16xf32>
    %swap3A_547 = arith.constant 432 : index
    %swap3A_548 = tpu.vector_load %arg6[%swap3A_547] {strides = array<i32>} : memref<640xf32, #tpu.memory_space<vmem>>, vector<16xf32>,
    %swap3A_549 = vector.shape_cast %swap3A_548 : vector<16xf32> to vector<16xf32>
    %swap3A_550 = vector.shape_cast %broadcast_in_dim3A_546 : vector<16xf32> to vector<16xf32>
    tpu.vector_store %arg6[%swap3A_547], %swap3A_550 {strides = array<i32>} : memref<640xf32, #tpu.memory_space<vmem>>, vector<16xf32>,
    %broadcast_in_dim3A_551 = arith.constant 0.000000e+00 : f32
    %broadcast_in_dim3A_552 = vector.broadcast %broadcast_in_dim3A_551 : f32 to vector<16xf32>
    %swap3A_553 = arith.constant 448 : index
    %swap3A_554 = tpu.vector_load %arg6[%swap3A_553] {strides = array<i32>} : memref<640xf32, #tpu.memory_space<vmem>>, vector<16xf32>,
    %swap3A_555 = vector.shape_cast %swap3A_554 : vector<16xf32> to vector<16xf32>
    %swap3A_556 = vector.shape_cast %broadcast_in_dim3A_552 : vector<16xf32> to vector<16xf32>
    tpu.vector_store %arg6[%swap3A_553], %swap3A_556 {strides = array<i32>} : memref<640xf32, #tpu.memory_space<vmem>>, vector<16xf32>,
    %broadcast_in_dim3A_557 = arith.constant 0.000000e+00 : f32
    %broadcast_in_dim3A_558 = vector.broadcast %broadcast_in_dim3A_557 : f32 to vector<16xf32>
    %swap3A_559 = arith.constant 464 : index
    %swap3A_560 = tpu.vector_load %arg6[%swap3A_559] {strides = array<i32>} : memref<640xf32, #tpu.memory_space<vmem>>, vector<16xf32>,
    %swap3A_561 = vector.shape_cast %swap3A_560 : vector<16xf32> to vector<16xf32>
    %swap3A_562 = vector.shape_cast %broadcast_in_dim3A_558 : vector<16xf32> to vector<16xf32>
    tpu.vector_store %arg6[%swap3A_559], %swap3A_562 {strides = array<i32>} : memref<640xf32, #tpu.memory_space<vmem>>, vector<16xf32>,
    %broadcast_in_dim3A_563 = arith.constant 0.000000e+00 : f32
    %broadcast_in_dim3A_564 = vector.broadcast %broadcast_in_dim3A_563 : f32 to vector<16xf32>
    %swap3A_565 = arith.constant 480 : index
    %swap3A_566 = tpu.vector_load %arg6[%swap3A_565] {strides = array<i32>} : memref<640xf32, #tpu.memory_space<vmem>>, vector<16xf32>,
    %swap3A_567 = vector.shape_cast %swap3A_566 : vector<16xf32> to vector<16xf32>
    %swap3A_568 = vector.shape_cast %broadcast_in_dim3A_564 : vector<16xf32> to vector<16xf32>
    tpu.vector_store %arg6[%swap3A_565], %swap3A_568 {strides = array<i32>} : memref<640xf32, #tpu.memory_space<vmem>>, vector<16xf32>,
    %broadcast_in_dim3A_569 = arith.constant 0.000000e+00 : f32
    %broadcast_in_dim3A_570 = vector.broadcast %broadcast_in_dim3A_569 : f32 to vector<16xf32>
    %swap3A_571 = arith.constant 496 : index
    %swap3A_572 = tpu.vector_load %arg6[%swap3A_571] {strides = array<i32>} : memref<640xf32, #tpu.memory_space<vmem>>, vector<16xf32>,
    %swap3A_573 = vector.shape_cast %swap3A_572 : vector<16xf32> to vector<16xf32>
    %swap3A_574 = vector.shape_cast %broadcast_in_dim3A_570 : vector<16xf32> to vector<16xf32>
    tpu.vector_store %arg6[%swap3A_571], %swap3A_574 {strides = array<i32>} : memref<640xf32, #tpu.memory_space<vmem>>, vector<16xf32>,
    %broadcast_in_dim3A_575 = arith.constant 0.000000e+00 : f32
    %broadcast_in_dim3A_576 = vector.broadcast %broadcast_in_dim3A_575 : f32 to vector<16xf32>
    %swap3A_577 = arith.constant 512 : index
    %swap3A_578 = tpu.vector_load %arg6[%swap3A_577] {strides = array<i32>} : memref<640xf32, #tpu.memory_space<vmem>>, vector<16xf32>,
    %swap3A_579 = vector.shape_cast %swap3A_578 : vector<16xf32> to vector<16xf32>
    %swap3A_580 = vector.shape_cast %broadcast_in_dim3A_576 : vector<16xf32> to vector<16xf32>
    tpu.vector_store %arg6[%swap3A_577], %swap3A_580 {strides = array<i32>} : memref<640xf32, #tpu.memory_space<vmem>>, vector<16xf32>,
    %broadcast_in_dim3A_581 = arith.constant 0.000000e+00 : f32
    %broadcast_in_dim3A_582 = vector.broadcast %broadcast_in_dim3A_581 : f32 to vector<16xf32>
    %swap3A_583 = arith.constant 528 : index
    %swap3A_584 = tpu.vector_load %arg6[%swap3A_583] {strides = array<i32>} : memref<640xf32, #tpu.memory_space<vmem>>, vector<16xf32>,
    %swap3A_585 = vector.shape_cast %swap3A_584 : vector<16xf32> to vector<16xf32>
    %swap3A_586 = vector.shape_cast %broadcast_in_dim3A_582 : vector<16xf32> to vector<16xf32>
    tpu.vector_store %arg6[%swap3A_583], %swap3A_586 {strides = array<i32>} : memref<640xf32, #tpu.memory_space<vmem>>, vector<16xf32>,
    %broadcast_in_dim3A_587 = arith.constant 0.000000e+00 : f32
    %broadcast_in_dim3A_588 = vector.broadcast %broadcast_in_dim3A_587 : f32 to vector<16xf32>
    %swap3A_589 = arith.constant 544 : index
    %swap3A_590 = tpu.vector_load %arg6[%swap3A_589] {strides = array<i32>} : memref<640xf32, #tpu.memory_space<vmem>>, vector<16xf32>,
    %swap3A_591 = vector.shape_cast %swap3A_590 : vector<16xf32> to vector<16xf32>
    %swap3A_592 = vector.shape_cast %broadcast_in_dim3A_588 : vector<16xf32> to vector<16xf32>
    tpu.vector_store %arg6[%swap3A_589], %swap3A_592 {strides = array<i32>} : memref<640xf32, #tpu.memory_space<vmem>>, vector<16xf32>,
    %broadcast_in_dim3A_593 = arith.constant 0.000000e+00 : f32
    %broadcast_in_dim3A_594 = vector.broadcast %broadcast_in_dim3A_593 : f32 to vector<16xf32>
    %swap3A_595 = arith.constant 560 : index
    %swap3A_596 = tpu.vector_load %arg6[%swap3A_595] {strides = array<i32>} : memref<640xf32, #tpu.memory_space<vmem>>, vector<16xf32>,
    %swap3A_597 = vector.shape_cast %swap3A_596 : vector<16xf32> to vector<16xf32>
    %swap3A_598 = vector.shape_cast %broadcast_in_dim3A_594 : vector<16xf32> to vector<16xf32>
    tpu.vector_store %arg6[%swap3A_595], %swap3A_598 {strides = array<i32>} : memref<640xf32, #tpu.memory_space<vmem>>, vector<16xf32>,
    %broadcast_in_dim3A_599 = arith.constant 0.000000e+00 : f32
    %broadcast_in_dim3A_600 = vector.broadcast %broadcast_in_dim3A_599 : f32 to vector<16xf32>
    %swap3A_601 = arith.constant 576 : index
    %swap3A_602 = tpu.vector_load %arg6[%swap3A_601] {strides = array<i32>} : memref<640xf32, #tpu.memory_space<vmem>>, vector<16xf32>,
    %swap3A_603 = vector.shape_cast %swap3A_602 : vector<16xf32> to vector<16xf32>
    %swap3A_604 = vector.shape_cast %broadcast_in_dim3A_600 : vector<16xf32> to vector<16xf32>
    tpu.vector_store %arg6[%swap3A_601], %swap3A_604 {strides = array<i32>} : memref<640xf32, #tpu.memory_space<vmem>>, vector<16xf32>,
    %broadcast_in_dim3A_605 = arith.constant 0.000000e+00 : f32
    %broadcast_in_dim3A_606 = vector.broadcast %broadcast_in_dim3A_605 : f32 to vector<16xf32>
    %swap3A_607 = arith.constant 592 : index
    %swap3A_608 = tpu.vector_load %arg6[%swap3A_607] {strides = array<i32>} : memref<640xf32, #tpu.memory_space<vmem>>, vector<16xf32>,
    %swap3A_609 = vector.shape_cast %swap3A_608 : vector<16xf32> to vector<16xf32>
    %swap3A_610 = vector.shape_cast %broadcast_in_dim3A_606 : vector<16xf32> to vector<16xf32>
    tpu.vector_store %arg6[%swap3A_607], %swap3A_610 {strides = array<i32>} : memref<640xf32, #tpu.memory_space<vmem>>, vector<16xf32>,
    %broadcast_in_dim3A_611 = arith.constant 0.000000e+00 : f32
    %broadcast_in_dim3A_612 = vector.broadcast %broadcast_in_dim3A_611 : f32 to vector<16xf32>
    %swap3A_613 = arith.constant 608 : index
    %swap3A_614 = tpu.vector_load %arg6[%swap3A_613] {strides = array<i32>} : memref<640xf32, #tpu.memory_space<vmem>>, vector<16xf32>,
    %swap3A_615 = vector.shape_cast %swap3A_614 : vector<16xf32> to vector<16xf32>
    %swap3A_616 = vector.shape_cast %broadcast_in_dim3A_612 : vector<16xf32> to vector<16xf32>
    tpu.vector_store %arg6[%swap3A_613], %swap3A_616 {strides = array<i32>} : memref<640xf32, #tpu.memory_space<vmem>>, vector<16xf32>,
    %broadcast_in_dim3A_617 = arith.constant 0.000000e+00 : f32
    %broadcast_in_dim3A_618 = vector.broadcast %broadcast_in_dim3A_617 : f32 to vector<16xf32>
    %swap3A_619 = arith.constant 624 : index
    %swap3A_620 = tpu.vector_load %arg6[%swap3A_619] {strides = array<i32>} : memref<640xf32, #tpu.memory_space<vmem>>, vector<16xf32>,
    %swap3A_621 = vector.shape_cast %swap3A_620 : vector<16xf32> to vector<16xf32>
    %swap3A_622 = vector.shape_cast %broadcast_in_dim3A_618 : vector<16xf32> to vector<16xf32>
    tpu.vector_store %arg6[%swap3A_619], %swap3A_622 {strides = array<i32>} : memref<640xf32, #tpu.memory_space<vmem>>, vector<16xf32>,
    %mul3A_623 = arith.constant 640 : i32
    %mul3A_624 = arith.muli %arg1, %mul3A_623 : i32
    "tpu.region"() ({
      %run_scoped3A = tpu.sem_alloc : memref<!tpu.dma_semaphore, #tpu.memory_space<semaphore_mem>>
      %dma_start3A = tpu.memref_slice %arg7[%mul3A_624] : memref<10240xf32, #tpu.memory_space<vmem_shared>> -> memref<640xf32, #tpu.memory_space<vmem_shared>>
      %dma_start3A_634 = tpu.memref_slice %arg7[%mul3A_624] : memref<10240xf32, #tpu.memory_space<vmem_shared>> -> memref<640xf32, #tpu.memory_space<vmem_shared>>
      tpu.enqueue_dma source(%arg6 : memref<640xf32, #tpu.memory_space<vmem>>) target(%dma_start3A_634 : memref<640xf32, #tpu.memory_space<vmem_shared>>) target_semaphore(%run_scoped3A : memref<!tpu.dma_semaphore, #tpu.memory_space<semaphore_mem>>)
      %dma_wait3A = tpu.memref_slice %arg7[%mul3A_624] : memref<10240xf32, #tpu.memory_space<vmem_shared>> -> memref<640xf32, #tpu.memory_space<vmem_shared>>
      %dma_wait3A_635 = tpu.memref_slice %arg7[%mul3A_624] : memref<10240xf32, #tpu.memory_space<vmem_shared>> -> memref<640xf32, #tpu.memory_space<vmem_shared>>
      tpu.wait_dma2 semaphore(%run_scoped3A : memref<!tpu.dma_semaphore, #tpu.memory_space<semaphore_mem>>) src(%arg6 : memref<640xf32, #tpu.memory_space<vmem>>) dst(%dma_wait3A_635 : memref<640xf32, #tpu.memory_space<vmem_shared>>)
      tpu.yield
    }) : () -> ()
    %barrier3A = arith.constant 0 : index
    tpu.barrier barrier_id(%barrier3A)
    %scan3A = arith.constant 0 : i32
    %scan3A_625 = arith.constant 10 : i32
    %scan3A_626 = arith.addi %scan3A, %scan3A_625 : i32
    %scan3A_627 = arith.constant 1 : i32
    scf.for %scan3A_634 = %scan3A to %scan3A_626 step %scan3A_627  : i32 {
      "tpu.region"() ({
        %run_scoped3A = tpu.sem_alloc : memref<!tpu.dma_semaphore, #tpu.memory_space<semaphore_mem>>
        %dma_start3A = arith.constant 0 : i32
        %dma_start3A_635 = tpu.memref_slice %arg4[%scan3A_634, %dma_start3A] : memref<10x1024xi32, #tpu.memory_space<vmem>> -> memref<1x1024xi32, #tpu.memory_space<vmem>>
        %dma_start3A_636 = tpu.memref_squeeze %dma_start3A_635 : memref<1x1024xi32, #tpu.memory_space<vmem>> -> memref<1024xi32, #tpu.memory_space<vmem>>
        %dma_start3A_637 = arith.constant 0 : i32
        %dma_start3A_638 = tpu.memref_slice %arg7[%dma_start3A_637] : memref<10240xf32, #tpu.memory_space<vmem_shared>> -> memref<10240xf32, #tpu.memory_space<vmem_shared>>
        tpu.enqueue_indirect_dma source(%arg5 : memref<1024xf32, #tpu.memory_space<vmem>>) target(%dma_start3A_638 : memref<10240xf32, #tpu.memory_space<vmem_shared>>) offsets(%dma_start3A_636 : memref<1024xi32, #tpu.memory_space<vmem>>) semaphore(%run_scoped3A : memref<!tpu.dma_semaphore, #tpu.memory_space<semaphore_mem>>) {add = true}
        %dma_wait3A = arith.constant 0 : i32
        %dma_wait3A_639 = tpu.memref_slice %arg4[%scan3A_634, %dma_wait3A] : memref<10x1024xi32, #tpu.memory_space<vmem>> -> memref<1x1024xi32, #tpu.memory_space<vmem>>
        %dma_wait3A_640 = tpu.memref_squeeze %dma_wait3A_639 : memref<1x1024xi32, #tpu.memory_space<vmem>> -> memref<1024xi32, #tpu.memory_space<vmem>>
        %dma_wait3A_641 = arith.constant 0 : i32
        %dma_wait3A_642 = tpu.memref_slice %arg7[%dma_wait3A_641] : memref<10240xf32, #tpu.memory_space<vmem_shared>> -> memref<10240xf32, #tpu.memory_space<vmem_shared>>
        tpu.wait_indirect_dma semaphore(%run_scoped3A : memref<!tpu.dma_semaphore, #tpu.memory_space<semaphore_mem>>) src(%arg5 : memref<1024xf32, #tpu.memory_space<vmem>>) dst(%dma_wait3A_642 : memref<10240xf32, #tpu.memory_space<vmem_shared>>)
        tpu.yield
      }) : () -> ()
    }
    %scan3A_628 = arith.constant 10 : i32
    %barrier3A_629 = arith.constant 0 : index
    tpu.barrier barrier_id(%barrier3A_629)
    %mul3A_630 = arith.constant 640 : i32
    %mul3A_631 = arith.muli %arg1, %mul3A_630 : i32
    %mul3A_632 = arith.constant 640 : i32
    %mul3A_633 = arith.muli %arg1, %mul3A_632 : i32
    "tpu.region"() ({
      %run_scoped3A = tpu.sem_alloc : memref<!tpu.dma_semaphore, #tpu.memory_space<semaphore_mem>>
      %dma_start3A = tpu.memref_slice %arg3[%arg0, %mul3A_633] : memref<2x10240xf32, #tpu.memory_space<hbm>> -> memref<1x640xf32, #tpu.memory_space<hbm>>
      %dma_start3A_634 = tpu.memref_squeeze %dma_start3A : memref<1x640xf32, #tpu.memory_space<hbm>> -> memref<640xf32, #tpu.memory_space<hbm>>
      %dma_start3A_635 = tpu.memref_slice %arg7[%mul3A_631] : memref<10240xf32, #tpu.memory_space<vmem_shared>> -> memref<640xf32, #tpu.memory_space<vmem_shared>>
      tpu.enqueue_dma source(%dma_start3A_635 : memref<640xf32, #tpu.memory_space<vmem_shared>>) target(%dma_start3A_634 : memref<640xf32, #tpu.memory_space<hbm>>) target_semaphore(%run_scoped3A : memref<!tpu.dma_semaphore, #tpu.memory_space<semaphore_mem>>)
      %dma_wait3A = tpu.memref_slice %arg3[%arg0, %mul3A_633] : memref<2x10240xf32, #tpu.memory_space<hbm>> -> memref<1x640xf32, #tpu.memory_space<hbm>>
      %dma_wait3A_636 = tpu.memref_squeeze %dma_wait3A : memref<1x640xf32, #tpu.memory_space<hbm>> -> memref<640xf32, #tpu.memory_space<hbm>>
      %dma_wait3A_637 = tpu.memref_slice %arg7[%mul3A_631] : memref<10240xf32, #tpu.memory_space<vmem_shared>> -> memref<640xf32, #tpu.memory_space<vmem_shared>>
      tpu.wait_dma2 semaphore(%run_scoped3A : memref<!tpu.dma_semaphore, #tpu.memory_space<semaphore_mem>>) src(%dma_wait3A_637 : memref<640xf32, #tpu.memory_space<vmem_shared>>) dst(%dma_wait3A_636 : memref<640xf32, #tpu.memory_space<hbm>>)
      tpu.yield
    }) : () -> ()
    return
  }
}

#map = affine_map<(d0, d1) -> (0, 0, 0)>
module attributes {stable_mosaic.version = 14 : i64} {
  func.func @seg_kernel(%arg0: i32, %arg1: i32, %arg2: memref<2x10240x64xf32, #tpu.memory_space<hbm>>, %arg3: memref<16x80x256xi32, #tpu.memory_space<hbm>>, %arg4: memref<16x80x256xi32, #tpu.memory_space<hbm>>, %arg5: memref<2x10240x64xf32, #tpu.memory_space<hbm>>, %arg6: memref<16x256xi32, #tpu.memory_space<vmem>>, %arg7: memref<16x256xi32, #tpu.memory_space<vmem>>, %arg8: memref<2x256x64xf32, #tpu.memory_space<vmem>>, %arg9: memref<10240x64xf32, #tpu.memory_space<vmem_shared>>, %arg10: memref<10240x64xf32, #tpu.memory_space<vmem_shared>>, %arg11: memref<!tpu.dma_semaphore, #tpu.memory_space<semaphore_mem>>, %arg12: memref<!tpu.dma_semaphore, #tpu.memory_space<semaphore_mem>>) attributes {dimension_semantics = [#tpu.dimension_semantics<core_parallel>, #tpu.dimension_semantics<subcore_parallel>], iteration_bounds = array<i64: 2, 16>, scalar_prefetch = 0 : i64, scratch_operands = 7 : i64, tpu.core_type = #tpu.core_type<sc_vector_subcore>, window_params = [{transform_indices = #map}, {transform_indices = #map}, {transform_indices = #map}, {transform_indices = #map}]} {
    "tpu.region"() ({
      %run_scoped3A = tpu.sem_alloc : memref<!tpu.dma_semaphore, #tpu.memory_space<semaphore_mem>>
      %dma_start3A_65 = arith.constant 0 : i32
      %dma_start3A_66 = arith.constant 0 : i32
      %dma_start3A_67 = tpu.memref_slice %arg4[%arg1, %dma_start3A_65, %dma_start3A_66] : memref<16x80x256xi32, #tpu.memory_space<hbm>> -> memref<1x16x256xi32, #tpu.memory_space<hbm>>
      %dma_start3A_68 = tpu.memref_squeeze %dma_start3A_67 : memref<1x16x256xi32, #tpu.memory_space<hbm>> -> memref<16x256xi32, #tpu.memory_space<hbm>>
      %dma_start3A_69 = arith.constant 0 : i32
      %dma_start3A_70 = arith.constant 0 : i32
      %dma_start3A_71 = tpu.memref_slice %arg4[%arg1, %dma_start3A_69, %dma_start3A_70] : memref<16x80x256xi32, #tpu.memory_space<hbm>> -> memref<1x16x256xi32, #tpu.memory_space<hbm>>
      %dma_start3A_72 = tpu.memref_squeeze %dma_start3A_71 : memref<1x16x256xi32, #tpu.memory_space<hbm>> -> memref<16x256xi32, #tpu.memory_space<hbm>>
      tpu.enqueue_dma source(%dma_start3A_72 : memref<16x256xi32, #tpu.memory_space<hbm>>) target(%arg7 : memref<16x256xi32, #tpu.memory_space<vmem>>) target_semaphore(%run_scoped3A : memref<!tpu.dma_semaphore, #tpu.memory_space<semaphore_mem>>)
      %dma_wait3A_73 = arith.constant 0 : i32
      %dma_wait3A_74 = arith.constant 0 : i32
      %dma_wait3A_75 = tpu.memref_slice %arg4[%arg1, %dma_wait3A_73, %dma_wait3A_74] : memref<16x80x256xi32, #tpu.memory_space<hbm>> -> memref<1x16x256xi32, #tpu.memory_space<hbm>>
      %dma_wait3A_76 = tpu.memref_squeeze %dma_wait3A_75 : memref<1x16x256xi32, #tpu.memory_space<hbm>> -> memref<16x256xi32, #tpu.memory_space<hbm>>
      %dma_wait3A_77 = arith.constant 0 : i32
      %dma_wait3A_78 = arith.constant 0 : i32
      %dma_wait3A_79 = tpu.memref_slice %arg4[%arg1, %dma_wait3A_77, %dma_wait3A_78] : memref<16x80x256xi32, #tpu.memory_space<hbm>> -> memref<1x16x256xi32, #tpu.memory_space<hbm>>
      %dma_wait3A_80 = tpu.memref_squeeze %dma_wait3A_79 : memref<1x16x256xi32, #tpu.memory_space<hbm>> -> memref<16x256xi32, #tpu.memory_space<hbm>>
      tpu.wait_dma2 semaphore(%run_scoped3A : memref<!tpu.dma_semaphore, #tpu.memory_space<semaphore_mem>>) src(%dma_wait3A_80 : memref<16x256xi32, #tpu.memory_space<hbm>>) dst(%arg7 : memref<16x256xi32, #tpu.memory_space<vmem>>)
      tpu.yield
    }) : () -> ()
    "tpu.region"() ({
      %run_scoped3A = tpu.sem_alloc : memref<!tpu.dma_semaphore, #tpu.memory_space<semaphore_mem>>
      %dma_start3A_65 = arith.constant 0 : i32
      %dma_start3A_66 = arith.constant 0 : i32
      %dma_start3A_67 = tpu.memref_slice %arg3[%arg1, %dma_start3A_65, %dma_start3A_66] : memref<16x80x256xi32, #tpu.memory_space<hbm>> -> memref<1x16x256xi32, #tpu.memory_space<hbm>>
      %dma_start3A_68 = tpu.memref_squeeze %dma_start3A_67 : memref<1x16x256xi32, #tpu.memory_space<hbm>> -> memref<16x256xi32, #tpu.memory_space<hbm>>
      %dma_start3A_69 = arith.constant 0 : i32
      %dma_start3A_70 = arith.constant 0 : i32
      %dma_start3A_71 = tpu.memref_slice %arg3[%arg1, %dma_start3A_69, %dma_start3A_70] : memref<16x80x256xi32, #tpu.memory_space<hbm>> -> memref<1x16x256xi32, #tpu.memory_space<hbm>>
      %dma_start3A_72 = tpu.memref_squeeze %dma_start3A_71 : memref<1x16x256xi32, #tpu.memory_space<hbm>> -> memref<16x256xi32, #tpu.memory_space<hbm>>
      tpu.enqueue_dma source(%dma_start3A_72 : memref<16x256xi32, #tpu.memory_space<hbm>>) target(%arg6 : memref<16x256xi32, #tpu.memory_space<vmem>>) target_semaphore(%run_scoped3A : memref<!tpu.dma_semaphore, #tpu.memory_space<semaphore_mem>>)
      %dma_wait3A_73 = arith.constant 0 : i32
      %dma_wait3A_74 = arith.constant 0 : i32
      %dma_wait3A_75 = tpu.memref_slice %arg3[%arg1, %dma_wait3A_73, %dma_wait3A_74] : memref<16x80x256xi32, #tpu.memory_space<hbm>> -> memref<1x16x256xi32, #tpu.memory_space<hbm>>
      %dma_wait3A_76 = tpu.memref_squeeze %dma_wait3A_75 : memref<1x16x256xi32, #tpu.memory_space<hbm>> -> memref<16x256xi32, #tpu.memory_space<hbm>>
      %dma_wait3A_77 = arith.constant 0 : i32
      %dma_wait3A_78 = arith.constant 0 : i32
      %dma_wait3A_79 = tpu.memref_slice %arg3[%arg1, %dma_wait3A_77, %dma_wait3A_78] : memref<16x80x256xi32, #tpu.memory_space<hbm>> -> memref<1x16x256xi32, #tpu.memory_space<hbm>>
      %dma_wait3A_80 = tpu.memref_squeeze %dma_wait3A_79 : memref<1x16x256xi32, #tpu.memory_space<hbm>> -> memref<16x256xi32, #tpu.memory_space<hbm>>
      tpu.wait_dma2 semaphore(%run_scoped3A : memref<!tpu.dma_semaphore, #tpu.memory_space<semaphore_mem>>) src(%dma_wait3A_80 : memref<16x256xi32, #tpu.memory_space<hbm>>) dst(%arg6 : memref<16x256xi32, #tpu.memory_space<vmem>>)
      tpu.yield
    }) : () -> ()
    %mul3A = arith.constant 640 : i32
    %mul3A_0 = arith.muli %arg1, %mul3A : i32
    "tpu.region"() ({
      %run_scoped3A = tpu.sem_alloc : memref<!tpu.dma_semaphore, #tpu.memory_space<semaphore_mem>>
      %dma_start3A_65 = arith.constant 0 : i32
      %dma_start3A_66 = tpu.memref_slice %arg9[%mul3A_0, %dma_start3A_65] : memref<10240x64xf32, #tpu.memory_space<vmem_shared>> -> memref<640x64xf32, #tpu.memory_space<vmem_shared>>
      %dma_start3A_67 = arith.constant 0 : i32
      %dma_start3A_68 = tpu.memref_slice %arg2[%arg0, %mul3A_0, %dma_start3A_67] : memref<2x10240x64xf32, #tpu.memory_space<hbm>> -> memref<1x640x64xf32, #tpu.memory_space<hbm>>
      %dma_start3A_69 = tpu.memref_squeeze %dma_start3A_68 : memref<1x640x64xf32, #tpu.memory_space<hbm>> -> memref<640x64xf32, #tpu.memory_space<hbm>>
      tpu.enqueue_dma source(%dma_start3A_69 : memref<640x64xf32, #tpu.memory_space<hbm>>) target(%dma_start3A_66 : memref<640x64xf32, #tpu.memory_space<vmem_shared>>) target_semaphore(%run_scoped3A : memref<!tpu.dma_semaphore, #tpu.memory_space<semaphore_mem>>)
      %dma_wait3A_70 = arith.constant 0 : i32
      %dma_wait3A_71 = tpu.memref_slice %arg9[%mul3A_0, %dma_wait3A_70] : memref<10240x64xf32, #tpu.memory_space<vmem_shared>> -> memref<640x64xf32, #tpu.memory_space<vmem_shared>>
      %dma_wait3A_72 = arith.constant 0 : i32
      %dma_wait3A_73 = tpu.memref_slice %arg2[%arg0, %mul3A_0, %dma_wait3A_72] : memref<2x10240x64xf32, #tpu.memory_space<hbm>> -> memref<1x640x64xf32, #tpu.memory_space<hbm>>
      %dma_wait3A_74 = tpu.memref_squeeze %dma_wait3A_73 : memref<1x640x64xf32, #tpu.memory_space<hbm>> -> memref<640x64xf32, #tpu.memory_space<hbm>>
      tpu.wait_dma2 semaphore(%run_scoped3A : memref<!tpu.dma_semaphore, #tpu.memory_space<semaphore_mem>>) src(%dma_wait3A_74 : memref<640x64xf32, #tpu.memory_space<hbm>>) dst(%dma_wait3A_71 : memref<640x64xf32, #tpu.memory_space<vmem_shared>>)
      tpu.yield
    }) : () -> ()
    "tpu.region"() ({
      %run_scoped3A = tpu.sem_alloc : memref<!tpu.dma_semaphore, #tpu.memory_space<semaphore_mem>>
      %dma_start3A_65 = arith.constant 0 : i32
      %dma_start3A_66 = tpu.memref_slice %arg10[%mul3A_0, %dma_start3A_65] : memref<10240x64xf32, #tpu.memory_space<vmem_shared>> -> memref<240x64xf32, #tpu.memory_space<vmem_shared>>
      %dma_start3A_67 = arith.constant 10000 : i32
      %dma_start3A_68 = arith.constant 0 : i32
      %dma_start3A_69 = tpu.memref_slice %arg2[%arg0, %dma_start3A_67, %dma_start3A_68] : memref<2x10240x64xf32, #tpu.memory_space<hbm>> -> memref<1x240x64xf32, #tpu.memory_space<hbm>>
      %dma_start3A_70 = tpu.memref_squeeze %dma_start3A_69 : memref<1x240x64xf32, #tpu.memory_space<hbm>> -> memref<240x64xf32, #tpu.memory_space<hbm>>
      tpu.enqueue_dma source(%dma_start3A_70 : memref<240x64xf32, #tpu.memory_space<hbm>>) target(%dma_start3A_66 : memref<240x64xf32, #tpu.memory_space<vmem_shared>>) target_semaphore(%run_scoped3A : memref<!tpu.dma_semaphore, #tpu.memory_space<semaphore_mem>>)
      %dma_wait3A_71 = arith.constant 0 : i32
      %dma_wait3A_72 = tpu.memref_slice %arg10[%mul3A_0, %dma_wait3A_71] : memref<10240x64xf32, #tpu.memory_space<vmem_shared>> -> memref<240x64xf32, #tpu.memory_space<vmem_shared>>
      %dma_wait3A_73 = arith.constant 10000 : i32
      %dma_wait3A_74 = arith.constant 0 : i32
      %dma_wait3A_75 = tpu.memref_slice %arg2[%arg0, %dma_wait3A_73, %dma_wait3A_74] : memref<2x10240x64xf32, #tpu.memory_space<hbm>> -> memref<1x240x64xf32, #tpu.memory_space<hbm>>
      %dma_wait3A_76 = tpu.memref_squeeze %dma_wait3A_75 : memref<1x240x64xf32, #tpu.memory_space<hbm>> -> memref<240x64xf32, #tpu.memory_space<hbm>>
      tpu.wait_dma2 semaphore(%run_scoped3A : memref<!tpu.dma_semaphore, #tpu.memory_space<semaphore_mem>>) src(%dma_wait3A_76 : memref<240x64xf32, #tpu.memory_space<hbm>>) dst(%dma_wait3A_72 : memref<240x64xf32, #tpu.memory_space<vmem_shared>>)
      tpu.yield
    }) : () -> ()
    %add3A = arith.constant 240 : i32
    %add3A_1 = arith.addi %mul3A_0, %add3A : i32
    "tpu.region"() ({
      %run_scoped3A = tpu.sem_alloc : memref<!tpu.dma_semaphore, #tpu.memory_space<semaphore_mem>>
      %dma_start3A_65 = arith.constant 0 : i32
      %dma_start3A_66 = tpu.memref_slice %arg10[%add3A_1, %dma_start3A_65] : memref<10240x64xf32, #tpu.memory_space<vmem_shared>> -> memref<240x64xf32, #tpu.memory_space<vmem_shared>>
      %dma_start3A_67 = arith.constant 10000 : i32
      %dma_start3A_68 = arith.constant 0 : i32
      %dma_start3A_69 = tpu.memref_slice %arg2[%arg0, %dma_start3A_67, %dma_start3A_68] : memref<2x10240x64xf32, #tpu.memory_space<hbm>> -> memref<1x240x64xf32, #tpu.memory_space<hbm>>
      %dma_start3A_70 = tpu.memref_squeeze %dma_start3A_69 : memref<1x240x64xf32, #tpu.memory_space<hbm>> -> memref<240x64xf32, #tpu.memory_space<hbm>>
      tpu.enqueue_dma source(%dma_start3A_70 : memref<240x64xf32, #tpu.memory_space<hbm>>) target(%dma_start3A_66 : memref<240x64xf32, #tpu.memory_space<vmem_shared>>) target_semaphore(%run_scoped3A : memref<!tpu.dma_semaphore, #tpu.memory_space<semaphore_mem>>)
      %dma_wait3A_71 = arith.constant 0 : i32
      %dma_wait3A_72 = tpu.memref_slice %arg10[%add3A_1, %dma_wait3A_71] : memref<10240x64xf32, #tpu.memory_space<vmem_shared>> -> memref<240x64xf32, #tpu.memory_space<vmem_shared>>
      %dma_wait3A_73 = arith.constant 10000 : i32
      %dma_wait3A_74 = arith.constant 0 : i32
      %dma_wait3A_75 = tpu.memref_slice %arg2[%arg0, %dma_wait3A_73, %dma_wait3A_74] : memref<2x10240x64xf32, #tpu.memory_space<hbm>> -> memref<1x240x64xf32, #tpu.memory_space<hbm>>
      %dma_wait3A_76 = tpu.memref_squeeze %dma_wait3A_75 : memref<1x240x64xf32, #tpu.memory_space<hbm>> -> memref<240x64xf32, #tpu.memory_space<hbm>>
      tpu.wait_dma2 semaphore(%run_scoped3A : memref<!tpu.dma_semaphore, #tpu.memory_space<semaphore_mem>>) src(%dma_wait3A_76 : memref<240x64xf32, #tpu.memory_space<hbm>>) dst(%dma_wait3A_72 : memref<240x64xf32, #tpu.memory_space<vmem_shared>>)
      tpu.yield
    }) : () -> ()
    %add3A_2 = arith.constant 480 : i32
    %add3A_3 = arith.addi %mul3A_0, %add3A_2 : i32
    "tpu.region"() ({
      %run_scoped3A = tpu.sem_alloc : memref<!tpu.dma_semaphore, #tpu.memory_space<semaphore_mem>>
      %dma_start3A_65 = arith.constant 0 : i32
      %dma_start3A_66 = tpu.memref_slice %arg10[%add3A_3, %dma_start3A_65] : memref<10240x64xf32, #tpu.memory_space<vmem_shared>> -> memref<160x64xf32, #tpu.memory_space<vmem_shared>>
      %dma_start3A_67 = arith.constant 10000 : i32
      %dma_start3A_68 = arith.constant 0 : i32
      %dma_start3A_69 = tpu.memref_slice %arg2[%arg0, %dma_start3A_67, %dma_start3A_68] : memref<2x10240x64xf32, #tpu.memory_space<hbm>> -> memref<1x160x64xf32, #tpu.memory_space<hbm>>
      %dma_start3A_70 = tpu.memref_squeeze %dma_start3A_69 : memref<1x160x64xf32, #tpu.memory_space<hbm>> -> memref<160x64xf32, #tpu.memory_space<hbm>>
      tpu.enqueue_dma source(%dma_start3A_70 : memref<160x64xf32, #tpu.memory_space<hbm>>) target(%dma_start3A_66 : memref<160x64xf32, #tpu.memory_space<vmem_shared>>) target_semaphore(%run_scoped3A : memref<!tpu.dma_semaphore, #tpu.memory_space<semaphore_mem>>)
      %dma_wait3A_71 = arith.constant 0 : i32
      %dma_wait3A_72 = tpu.memref_slice %arg10[%add3A_3, %dma_wait3A_71] : memref<10240x64xf32, #tpu.memory_space<vmem_shared>> -> memref<160x64xf32, #tpu.memory_space<vmem_shared>>
      %dma_wait3A_73 = arith.constant 10000 : i32
      %dma_wait3A_74 = arith.constant 0 : i32
      %dma_wait3A_75 = tpu.memref_slice %arg2[%arg0, %dma_wait3A_73, %dma_wait3A_74] : memref<2x10240x64xf32, #tpu.memory_space<hbm>> -> memref<1x160x64xf32, #tpu.memory_space<hbm>>
      %dma_wait3A_76 = tpu.memref_squeeze %dma_wait3A_75 : memref<1x160x64xf32, #tpu.memory_space<hbm>> -> memref<160x64xf32, #tpu.memory_space<hbm>>
      tpu.wait_dma2 semaphore(%run_scoped3A : memref<!tpu.dma_semaphore, #tpu.memory_space<semaphore_mem>>) src(%dma_wait3A_76 : memref<160x64xf32, #tpu.memory_space<hbm>>) dst(%dma_wait3A_72 : memref<160x64xf32, #tpu.memory_space<vmem_shared>>)
      tpu.yield
    }) : () -> ()
    %barrier3A = arith.constant 0 : index
    tpu.barrier barrier_id(%barrier3A)
    %dma_start3A = arith.constant 0 : i32
    %dma_start3A_4 = arith.constant 0 : i32
    %dma_start3A_5 = arith.constant 0 : i32
    %dma_start3A_6 = arith.constant 0 : i32
    %dma_start3A_7 = tpu.memref_slice %arg8[%dma_start3A_4, %dma_start3A_5, %dma_start3A_6] : memref<2x256x64xf32, #tpu.memory_space<vmem>> -> memref<1x256x64xf32, #tpu.memory_space<vmem>>
    %dma_start3A_8 = tpu.memref_squeeze %dma_start3A_7 : memref<1x256x64xf32, #tpu.memory_space<vmem>> -> memref<256x64xf32, #tpu.memory_space<vmem>>
    %dma_start3A_9 = arith.constant 0 : i32
    %dma_start3A_10 = tpu.memref_slice %arg6[%dma_start3A, %dma_start3A_9] : memref<16x256xi32, #tpu.memory_space<vmem>> -> memref<1x256xi32, #tpu.memory_space<vmem>>
    %dma_start3A_11 = tpu.memref_squeeze %dma_start3A_10 : memref<1x256xi32, #tpu.memory_space<vmem>> -> memref<256xi32, #tpu.memory_space<vmem>>
    %dma_start3A_12 = arith.constant 0 : i32
    %dma_start3A_13 = arith.constant 0 : i32
    %dma_start3A_14 = tpu.memref_slice %arg9[%dma_start3A_12, %dma_start3A_13] : memref<10240x64xf32, #tpu.memory_space<vmem_shared>> -> memref<10240x64xf32, #tpu.memory_space<vmem_shared>>
    tpu.enqueue_indirect_dma source(%dma_start3A_14 : memref<10240x64xf32, #tpu.memory_space<vmem_shared>>) target(%dma_start3A_8 : memref<256x64xf32, #tpu.memory_space<vmem>>) offsets(%dma_start3A_11 : memref<256xi32, #tpu.memory_space<vmem>>) semaphore(%arg11 : memref<!tpu.dma_semaphore, #tpu.memory_space<semaphore_mem>>)
    %dma_start3A_15 = arith.constant 1 : i32
    %dma_start3A_16 = arith.constant 1 : i32
    %dma_start3A_17 = arith.constant 0 : i32
    %dma_start3A_18 = arith.constant 0 : i32
    %dma_start3A_19 = tpu.memref_slice %arg8[%dma_start3A_16, %dma_start3A_17, %dma_start3A_18] : memref<2x256x64xf32, #tpu.memory_space<vmem>> -> memref<1x256x64xf32, #tpu.memory_space<vmem>>
    %dma_start3A_20 = tpu.memref_squeeze %dma_start3A_19 : memref<1x256x64xf32, #tpu.memory_space<vmem>> -> memref<256x64xf32, #tpu.memory_space<vmem>>
    %dma_start3A_21 = arith.constant 0 : i32
    %dma_start3A_22 = tpu.memref_slice %arg6[%dma_start3A_15, %dma_start3A_21] : memref<16x256xi32, #tpu.memory_space<vmem>> -> memref<1x256xi32, #tpu.memory_space<vmem>>
    %dma_start3A_23 = tpu.memref_squeeze %dma_start3A_22 : memref<1x256xi32, #tpu.memory_space<vmem>> -> memref<256xi32, #tpu.memory_space<vmem>>
    %dma_start3A_24 = arith.constant 0 : i32
    %dma_start3A_25 = arith.constant 0 : i32
    %dma_start3A_26 = tpu.memref_slice %arg9[%dma_start3A_24, %dma_start3A_25] : memref<10240x64xf32, #tpu.memory_space<vmem_shared>> -> memref<10240x64xf32, #tpu.memory_space<vmem_shared>>
    tpu.enqueue_indirect_dma source(%dma_start3A_26 : memref<10240x64xf32, #tpu.memory_space<vmem_shared>>) target(%dma_start3A_20 : memref<256x64xf32, #tpu.memory_space<vmem>>) offsets(%dma_start3A_23 : memref<256xi32, #tpu.memory_space<vmem>>) semaphore(%arg12 : memref<!tpu.dma_semaphore, #tpu.memory_space<semaphore_mem>>)
    %scan3A = arith.constant 0 : i32
    %scan3A_27 = arith.constant 10 : i32
    %scan3A_28 = arith.addi %scan3A, %scan3A_27 : i32
    %scan3A_29 = arith.constant 1 : i32
    scf.for %scan3A_65 = %scan3A to %scan3A_28 step %scan3A_29  : i32 {
      %mul3A_66 = arith.constant 8 : i32
      %mul3A_67 = arith.muli %scan3A_65, %mul3A_66 : i32
      %add3A_68 = arith.constant 0 : i32
      %add3A_69 = arith.addi %mul3A_67, %add3A_68 : i32
      %dma_wait3A_70 = arith.constant 0 : i32
      %dma_wait3A_71 = arith.constant 0 : i32
      %dma_wait3A_72 = arith.constant 0 : i32
      %dma_wait3A_73 = tpu.memref_slice %arg8[%dma_wait3A_70, %dma_wait3A_71, %dma_wait3A_72] : memref<2x256x64xf32, #tpu.memory_space<vmem>> -> memref<1x256x64xf32, #tpu.memory_space<vmem>>
      %dma_wait3A_74 = tpu.memref_squeeze %dma_wait3A_73 : memref<1x256x64xf32, #tpu.memory_space<vmem>> -> memref<256x64xf32, #tpu.memory_space<vmem>>
      %dma_wait3A_75 = arith.constant 0 : i32
      %dma_wait3A_76 = arith.constant 0 : i32
      %dma_wait3A_77 = tpu.memref_slice %arg2[%arg0, %dma_wait3A_75, %dma_wait3A_76] : memref<2x10240x64xf32, #tpu.memory_space<hbm>> -> memref<1x256x64xf32, #tpu.memory_space<hbm>>
      %dma_wait3A_78 = tpu.memref_squeeze %dma_wait3A_77 : memref<1x256x64xf32, #tpu.memory_space<hbm>> -> memref<256x64xf32, #tpu.memory_space<hbm>>
      %dma_wait3A_79 = arith.constant 0 : i32
      %dma_wait3A_80 = arith.constant 0 : i32
      %dma_wait3A_81 = tpu.memref_slice %arg8[%dma_wait3A_70, %dma_wait3A_79, %dma_wait3A_80] : memref<2x256x64xf32, #tpu.memory_space<vmem>> -> memref<1x256x64xf32, #tpu.memory_space<vmem>>
      %dma_wait3A_82 = tpu.memref_squeeze %dma_wait3A_81 : memref<1x256x64xf32, #tpu.memory_space<vmem>> -> memref<256x64xf32, #tpu.memory_space<vmem>>
      %dma_wait3A_83 = arith.constant 0 : i32
      %dma_wait3A_84 = arith.constant 0 : i32
      %dma_wait3A_85 = tpu.memref_slice %arg2[%arg0, %dma_wait3A_83, %dma_wait3A_84] : memref<2x10240x64xf32, #tpu.memory_space<hbm>> -> memref<1x256x64xf32, #tpu.memory_space<hbm>>
      %dma_wait3A_86 = tpu.memref_squeeze %dma_wait3A_85 : memref<1x256x64xf32, #tpu.memory_space<hbm>> -> memref<256x64xf32, #tpu.memory_space<hbm>>
      tpu.wait_dma2 semaphore(%arg11 : memref<!tpu.dma_semaphore, #tpu.memory_space<semaphore_mem>>) src(%dma_wait3A_86 : memref<256x64xf32, #tpu.memory_space<hbm>>) dst(%dma_wait3A_82 : memref<256x64xf32, #tpu.memory_space<vmem>>)
      %rem3A = arith.constant 16 : i32
      %rem3A_87 = arith.remsi %add3A_69, %rem3A : i32
      %run_scoped3A = arith.constant 0 : i32
      "tpu.region"() ({
        %run_scoped3A_429 = tpu.sem_alloc : memref<!tpu.dma_semaphore, #tpu.memory_space<semaphore_mem>>
        %dma_start3A_430 = arith.constant 0 : i32
        %dma_start3A_431 = arith.constant 0 : i32
        %dma_start3A_432 = tpu.memref_slice %arg8[%run_scoped3A, %dma_start3A_430, %dma_start3A_431] : memref<2x256x64xf32, #tpu.memory_space<vmem>> -> memref<1x256x64xf32, #tpu.memory_space<vmem>>
        %dma_start3A_433 = tpu.memref_squeeze %dma_start3A_432 : memref<1x256x64xf32, #tpu.memory_space<vmem>> -> memref<256x64xf32, #tpu.memory_space<vmem>>
        %dma_start3A_434 = arith.constant 0 : i32
        %dma_start3A_435 = tpu.memref_slice %arg7[%rem3A_87, %dma_start3A_434] : memref<16x256xi32, #tpu.memory_space<vmem>> -> memref<1x256xi32, #tpu.memory_space<vmem>>
        %dma_start3A_436 = tpu.memref_squeeze %dma_start3A_435 : memref<1x256xi32, #tpu.memory_space<vmem>> -> memref<256xi32, #tpu.memory_space<vmem>>
        %dma_start3A_437 = arith.constant 0 : i32
        %dma_start3A_438 = arith.constant 0 : i32
        %dma_start3A_439 = tpu.memref_slice %arg10[%dma_start3A_437, %dma_start3A_438] : memref<10240x64xf32, #tpu.memory_space<vmem_shared>> -> memref<10240x64xf32, #tpu.memory_space<vmem_shared>>
        tpu.enqueue_indirect_dma source(%dma_start3A_433 : memref<256x64xf32, #tpu.memory_space<vmem>>) target(%dma_start3A_439 : memref<10240x64xf32, #tpu.memory_space<vmem_shared>>) offsets(%dma_start3A_436 : memref<256xi32, #tpu.memory_space<vmem>>) semaphore(%run_scoped3A_429 : memref<!tpu.dma_semaphore, #tpu.memory_space<semaphore_mem>>) {add = true}
        %dma_wait3A_440 = arith.constant 0 : i32
        %dma_wait3A_441 = arith.constant 0 : i32
        %dma_wait3A_442 = tpu.memref_slice %arg8[%run_scoped3A, %dma_wait3A_440, %dma_wait3A_441] : memref<2x256x64xf32, #tpu.memory_space<vmem>> -> memref<1x256x64xf32, #tpu.memory_space<vmem>>
        %dma_wait3A_443 = tpu.memref_squeeze %dma_wait3A_442 : memref<1x256x64xf32, #tpu.memory_space<vmem>> -> memref<256x64xf32, #tpu.memory_space<vmem>>
        %dma_wait3A_444 = arith.constant 0 : i32
        %dma_wait3A_445 = tpu.memref_slice %arg7[%rem3A_87, %dma_wait3A_444] : memref<16x256xi32, #tpu.memory_space<vmem>> -> memref<1x256xi32, #tpu.memory_space<vmem>>
        %dma_wait3A_446 = tpu.memref_squeeze %dma_wait3A_445 : memref<1x256xi32, #tpu.memory_space<vmem>> -> memref<256xi32, #tpu.memory_space<vmem>>
        %dma_wait3A_447 = arith.constant 0 : i32
        %dma_wait3A_448 = arith.constant 0 : i32
        %dma_wait3A_449 = tpu.memref_slice %arg10[%dma_wait3A_447, %dma_wait3A_448] : memref<10240x64xf32, #tpu.memory_space<vmem_shared>> -> memref<10240x64xf32, #tpu.memory_space<vmem_shared>>
        tpu.wait_indirect_dma semaphore(%run_scoped3A_429 : memref<!tpu.dma_semaphore, #tpu.memory_space<semaphore_mem>>) src(%dma_wait3A_443 : memref<256x64xf32, #tpu.memory_space<vmem>>) dst(%dma_wait3A_449 : memref<10240x64xf32, #tpu.memory_space<vmem_shared>>)
        tpu.yield
      }) : () -> ()
      %add3A_88 = arith.constant 2 : i32
      %add3A_89 = arith.addi %add3A_69, %add3A_88 : i32
      %ge3A = arith.constant 80 : i32
      %ge3A_90 = arith.cmpi sge, %add3A_89, %ge3A : i32
      %sub3A = arith.constant 80 : i32
      %sub3A_91 = arith.subi %add3A_89, %sub3A : i32
      %select_n3A = arith.select %ge3A_90, %sub3A_91, %add3A_89 : i32
      %rem3A_92 = arith.constant 16 : i32
      %rem3A_93 = arith.remsi %select_n3A, %rem3A_92 : i32
      %dma_start3A_94 = arith.constant 0 : i32
      %dma_start3A_95 = arith.constant 0 : i32
      %dma_start3A_96 = arith.constant 0 : i32
      %dma_start3A_97 = tpu.memref_slice %arg8[%dma_start3A_94, %dma_start3A_95, %dma_start3A_96] : memref<2x256x64xf32, #tpu.memory_space<vmem>> -> memref<1x256x64xf32, #tpu.memory_space<vmem>>
      %dma_start3A_98 = tpu.memref_squeeze %dma_start3A_97 : memref<1x256x64xf32, #tpu.memory_space<vmem>> -> memref<256x64xf32, #tpu.memory_space<vmem>>
      %dma_start3A_99 = arith.constant 0 : i32
      %dma_start3A_100 = tpu.memref_slice %arg6[%rem3A_93, %dma_start3A_99] : memref<16x256xi32, #tpu.memory_space<vmem>> -> memref<1x256xi32, #tpu.memory_space<vmem>>
      %dma_start3A_101 = tpu.memref_squeeze %dma_start3A_100 : memref<1x256xi32, #tpu.memory_space<vmem>> -> memref<256xi32, #tpu.memory_space<vmem>>
      %dma_start3A_102 = arith.constant 0 : i32
      %dma_start3A_103 = arith.constant 0 : i32
      %dma_start3A_104 = tpu.memref_slice %arg9[%dma_start3A_102, %dma_start3A_103] : memref<10240x64xf32, #tpu.memory_space<vmem_shared>> -> memref<10240x64xf32, #tpu.memory_space<vmem_shared>>
      tpu.enqueue_indirect_dma source(%dma_start3A_104 : memref<10240x64xf32, #tpu.memory_space<vmem_shared>>) target(%dma_start3A_98 : memref<256x64xf32, #tpu.memory_space<vmem>>) offsets(%dma_start3A_101 : memref<256xi32, #tpu.memory_space<vmem>>) semaphore(%arg11 : memref<!tpu.dma_semaphore, #tpu.memory_space<semaphore_mem>>)
      %mul3A_105 = arith.constant 8 : i32
      %mul3A_106 = arith.muli %scan3A_65, %mul3A_105 : i32
      %add3A_107 = arith.constant 1 : i32
      %add3A_108 = arith.addi %mul3A_106, %add3A_107 : i32
      %dma_wait3A_109 = arith.constant 1 : i32
      %dma_wait3A_110 = arith.constant 0 : i32
      %dma_wait3A_111 = arith.constant 0 : i32
      %dma_wait3A_112 = tpu.memref_slice %arg8[%dma_wait3A_109, %dma_wait3A_110, %dma_wait3A_111] : memref<2x256x64xf32, #tpu.memory_space<vmem>> -> memref<1x256x64xf32, #tpu.memory_space<vmem>>
      %dma_wait3A_113 = tpu.memref_squeeze %dma_wait3A_112 : memref<1x256x64xf32, #tpu.memory_space<vmem>> -> memref<256x64xf32, #tpu.memory_space<vmem>>
      %dma_wait3A_114 = arith.constant 0 : i32
      %dma_wait3A_115 = arith.constant 0 : i32
      %dma_wait3A_116 = tpu.memref_slice %arg2[%arg0, %dma_wait3A_114, %dma_wait3A_115] : memref<2x10240x64xf32, #tpu.memory_space<hbm>> -> memref<1x256x64xf32, #tpu.memory_space<hbm>>
      %dma_wait3A_117 = tpu.memref_squeeze %dma_wait3A_116 : memref<1x256x64xf32, #tpu.memory_space<hbm>> -> memref<256x64xf32, #tpu.memory_space<hbm>>
      %dma_wait3A_118 = arith.constant 0 : i32
      %dma_wait3A_119 = arith.constant 0 : i32
      %dma_wait3A_120 = tpu.memref_slice %arg8[%dma_wait3A_109, %dma_wait3A_118, %dma_wait3A_119] : memref<2x256x64xf32, #tpu.memory_space<vmem>> -> memref<1x256x64xf32, #tpu.memory_space<vmem>>
      %dma_wait3A_121 = tpu.memref_squeeze %dma_wait3A_120 : memref<1x256x64xf32, #tpu.memory_space<vmem>> -> memref<256x64xf32, #tpu.memory_space<vmem>>
      %dma_wait3A_122 = arith.constant 0 : i32
      %dma_wait3A_123 = arith.constant 0 : i32
      %dma_wait3A_124 = tpu.memref_slice %arg2[%arg0, %dma_wait3A_122, %dma_wait3A_123] : memref<2x10240x64xf32, #tpu.memory_space<hbm>> -> memref<1x256x64xf32, #tpu.memory_space<hbm>>
      %dma_wait3A_125 = tpu.memref_squeeze %dma_wait3A_124 : memref<1x256x64xf32, #tpu.memory_space<hbm>> -> memref<256x64xf32, #tpu.memory_space<hbm>>
      tpu.wait_dma2 semaphore(%arg12 : memref<!tpu.dma_semaphore, #tpu.memory_space<semaphore_mem>>) src(%dma_wait3A_125 : memref<256x64xf32, #tpu.memory_space<hbm>>) dst(%dma_wait3A_121 : memref<256x64xf32, #tpu.memory_space<vmem>>)
      %rem3A_126 = arith.constant 16 : i32
      %rem3A_127 = arith.remsi %add3A_108, %rem3A_126 : i32
      %run_scoped3A_128 = arith.constant 1 : i32
      "tpu.region"() ({
        %run_scoped3A_429 = tpu.sem_alloc : memref<!tpu.dma_semaphore, #tpu.memory_space<semaphore_mem>>
        %dma_start3A_430 = arith.constant 0 : i32
        %dma_start3A_431 = arith.constant 0 : i32
        %dma_start3A_432 = tpu.memref_slice %arg8[%run_scoped3A_128, %dma_start3A_430, %dma_start3A_431] : memref<2x256x64xf32, #tpu.memory_space<vmem>> -> memref<1x256x64xf32, #tpu.memory_space<vmem>>
        %dma_start3A_433 = tpu.memref_squeeze %dma_start3A_432 : memref<1x256x64xf32, #tpu.memory_space<vmem>> -> memref<256x64xf32, #tpu.memory_space<vmem>>
        %dma_start3A_434 = arith.constant 0 : i32
        %dma_start3A_435 = tpu.memref_slice %arg7[%rem3A_127, %dma_start3A_434] : memref<16x256xi32, #tpu.memory_space<vmem>> -> memref<1x256xi32, #tpu.memory_space<vmem>>
        %dma_start3A_436 = tpu.memref_squeeze %dma_start3A_435 : memref<1x256xi32, #tpu.memory_space<vmem>> -> memref<256xi32, #tpu.memory_space<vmem>>
        %dma_start3A_437 = arith.constant 0 : i32
        %dma_start3A_438 = arith.constant 0 : i32
        %dma_start3A_439 = tpu.memref_slice %arg10[%dma_start3A_437, %dma_start3A_438] : memref<10240x64xf32, #tpu.memory_space<vmem_shared>> -> memref<10240x64xf32, #tpu.memory_space<vmem_shared>>
        tpu.enqueue_indirect_dma source(%dma_start3A_433 : memref<256x64xf32, #tpu.memory_space<vmem>>) target(%dma_start3A_439 : memref<10240x64xf32, #tpu.memory_space<vmem_shared>>) offsets(%dma_start3A_436 : memref<256xi32, #tpu.memory_space<vmem>>) semaphore(%run_scoped3A_429 : memref<!tpu.dma_semaphore, #tpu.memory_space<semaphore_mem>>) {add = true}
        %dma_wait3A_440 = arith.constant 0 : i32
        %dma_wait3A_441 = arith.constant 0 : i32
        %dma_wait3A_442 = tpu.memref_slice %arg8[%run_scoped3A_128, %dma_wait3A_440, %dma_wait3A_441] : memref<2x256x64xf32, #tpu.memory_space<vmem>> -> memref<1x256x64xf32, #tpu.memory_space<vmem>>
        %dma_wait3A_443 = tpu.memref_squeeze %dma_wait3A_442 : memref<1x256x64xf32, #tpu.memory_space<vmem>> -> memref<256x64xf32, #tpu.memory_space<vmem>>
        %dma_wait3A_444 = arith.constant 0 : i32
        %dma_wait3A_445 = tpu.memref_slice %arg7[%rem3A_127, %dma_wait3A_444] : memref<16x256xi32, #tpu.memory_space<vmem>> -> memref<1x256xi32, #tpu.memory_space<vmem>>
        %dma_wait3A_446 = tpu.memref_squeeze %dma_wait3A_445 : memref<1x256xi32, #tpu.memory_space<vmem>> -> memref<256xi32, #tpu.memory_space<vmem>>
        %dma_wait3A_447 = arith.constant 0 : i32
        %dma_wait3A_448 = arith.constant 0 : i32
        %dma_wait3A_449 = tpu.memref_slice %arg10[%dma_wait3A_447, %dma_wait3A_448] : memref<10240x64xf32, #tpu.memory_space<vmem_shared>> -> memref<10240x64xf32, #tpu.memory_space<vmem_shared>>
        tpu.wait_indirect_dma semaphore(%run_scoped3A_429 : memref<!tpu.dma_semaphore, #tpu.memory_space<semaphore_mem>>) src(%dma_wait3A_443 : memref<256x64xf32, #tpu.memory_space<vmem>>) dst(%dma_wait3A_449 : memref<10240x64xf32, #tpu.memory_space<vmem_shared>>)
        tpu.yield
      }) : () -> ()
      %add3A_129 = arith.constant 2 : i32
      %add3A_130 = arith.addi %add3A_108, %add3A_129 : i32
      %ge3A_131 = arith.constant 80 : i32
      %ge3A_132 = arith.cmpi sge, %add3A_130, %ge3A_131 : i32
      %sub3A_133 = arith.constant 80 : i32
      %sub3A_134 = arith.subi %add3A_130, %sub3A_133 : i32
      %select_n3A_135 = arith.select %ge3A_132, %sub3A_134, %add3A_130 : i32
      %rem3A_136 = arith.constant 16 : i32
      %rem3A_137 = arith.remsi %select_n3A_135, %rem3A_136 : i32
      %dma_start3A_138 = arith.constant 1 : i32
      %dma_start3A_139 = arith.constant 0 : i32
      %dma_start3A_140 = arith.constant 0 : i32
      %dma_start3A_141 = tpu.memref_slice %arg8[%dma_start3A_138, %dma_start3A_139, %dma_start3A_140] : memref<2x256x64xf32, #tpu.memory_space<vmem>> -> memref<1x256x64xf32, #tpu.memory_space<vmem>>
      %dma_start3A_142 = tpu.memref_squeeze %dma_start3A_141 : memref<1x256x64xf32, #tpu.memory_space<vmem>> -> memref<256x64xf32, #tpu.memory_space<vmem>>
      %dma_start3A_143 = arith.constant 0 : i32
      %dma_start3A_144 = tpu.memref_slice %arg6[%rem3A_137, %dma_start3A_143] : memref<16x256xi32, #tpu.memory_space<vmem>> -> memref<1x256xi32, #tpu.memory_space<vmem>>
      %dma_start3A_145 = tpu.memref_squeeze %dma_start3A_144 : memref<1x256xi32, #tpu.memory_space<vmem>> -> memref<256xi32, #tpu.memory_space<vmem>>
      %dma_start3A_146 = arith.constant 0 : i32
      %dma_start3A_147 = arith.constant 0 : i32
      %dma_start3A_148 = tpu.memref_slice %arg9[%dma_start3A_146, %dma_start3A_147] : memref<10240x64xf32, #tpu.memory_space<vmem_shared>> -> memref<10240x64xf32, #tpu.memory_space<vmem_shared>>
      tpu.enqueue_indirect_dma source(%dma_start3A_148 : memref<10240x64xf32, #tpu.memory_space<vmem_shared>>) target(%dma_start3A_142 : memref<256x64xf32, #tpu.memory_space<vmem>>) offsets(%dma_start3A_145 : memref<256xi32, #tpu.memory_space<vmem>>) semaphore(%arg12 : memref<!tpu.dma_semaphore, #tpu.memory_space<semaphore_mem>>)
      %mul3A_149 = arith.constant 8 : i32
      %mul3A_150 = arith.muli %scan3A_65, %mul3A_149 : i32
      %add3A_151 = arith.constant 2 : i32
      %add3A_152 = arith.addi %mul3A_150, %add3A_151 : i32
      %dma_wait3A_153 = arith.constant 0 : i32
      %dma_wait3A_154 = arith.constant 0 : i32
      %dma_wait3A_155 = arith.constant 0 : i32
      %dma_wait3A_156 = tpu.memref_slice %arg8[%dma_wait3A_153, %dma_wait3A_154, %dma_wait3A_155] : memref<2x256x64xf32, #tpu.memory_space<vmem>> -> memref<1x256x64xf32, #tpu.memory_space<vmem>>
      %dma_wait3A_157 = tpu.memref_squeeze %dma_wait3A_156 : memref<1x256x64xf32, #tpu.memory_space<vmem>> -> memref<256x64xf32, #tpu.memory_space<vmem>>
      %dma_wait3A_158 = arith.constant 0 : i32
      %dma_wait3A_159 = arith.constant 0 : i32
      %dma_wait3A_160 = tpu.memref_slice %arg2[%arg0, %dma_wait3A_158, %dma_wait3A_159] : memref<2x10240x64xf32, #tpu.memory_space<hbm>> -> memref<1x256x64xf32, #tpu.memory_space<hbm>>
      %dma_wait3A_161 = tpu.memref_squeeze %dma_wait3A_160 : memref<1x256x64xf32, #tpu.memory_space<hbm>> -> memref<256x64xf32, #tpu.memory_space<hbm>>
      %dma_wait3A_162 = arith.constant 0 : i32
      %dma_wait3A_163 = arith.constant 0 : i32
      %dma_wait3A_164 = tpu.memref_slice %arg8[%dma_wait3A_153, %dma_wait3A_162, %dma_wait3A_163] : memref<2x256x64xf32, #tpu.memory_space<vmem>> -> memref<1x256x64xf32, #tpu.memory_space<vmem>>
      %dma_wait3A_165 = tpu.memref_squeeze %dma_wait3A_164 : memref<1x256x64xf32, #tpu.memory_space<vmem>> -> memref<256x64xf32, #tpu.memory_space<vmem>>
      %dma_wait3A_166 = arith.constant 0 : i32
      %dma_wait3A_167 = arith.constant 0 : i32
      %dma_wait3A_168 = tpu.memref_slice %arg2[%arg0, %dma_wait3A_166, %dma_wait3A_167] : memref<2x10240x64xf32, #tpu.memory_space<hbm>> -> memref<1x256x64xf32, #tpu.memory_space<hbm>>
      %dma_wait3A_169 = tpu.memref_squeeze %dma_wait3A_168 : memref<1x256x64xf32, #tpu.memory_space<hbm>> -> memref<256x64xf32, #tpu.memory_space<hbm>>
      tpu.wait_dma2 semaphore(%arg11 : memref<!tpu.dma_semaphore, #tpu.memory_space<semaphore_mem>>) src(%dma_wait3A_169 : memref<256x64xf32, #tpu.memory_space<hbm>>) dst(%dma_wait3A_165 : memref<256x64xf32, #tpu.memory_space<vmem>>)
      %rem3A_170 = arith.constant 16 : i32
      %rem3A_171 = arith.remsi %add3A_152, %rem3A_170 : i32
      %run_scoped3A_172 = arith.constant 0 : i32
      "tpu.region"() ({
        %run_scoped3A_429 = tpu.sem_alloc : memref<!tpu.dma_semaphore, #tpu.memory_space<semaphore_mem>>
        %dma_start3A_430 = arith.constant 0 : i32
        %dma_start3A_431 = arith.constant 0 : i32
        %dma_start3A_432 = tpu.memref_slice %arg8[%run_scoped3A_172, %dma_start3A_430, %dma_start3A_431] : memref<2x256x64xf32, #tpu.memory_space<vmem>> -> memref<1x256x64xf32, #tpu.memory_space<vmem>>
        %dma_start3A_433 = tpu.memref_squeeze %dma_start3A_432 : memref<1x256x64xf32, #tpu.memory_space<vmem>> -> memref<256x64xf32, #tpu.memory_space<vmem>>
        %dma_start3A_434 = arith.constant 0 : i32
        %dma_start3A_435 = tpu.memref_slice %arg7[%rem3A_171, %dma_start3A_434] : memref<16x256xi32, #tpu.memory_space<vmem>> -> memref<1x256xi32, #tpu.memory_space<vmem>>
        %dma_start3A_436 = tpu.memref_squeeze %dma_start3A_435 : memref<1x256xi32, #tpu.memory_space<vmem>> -> memref<256xi32, #tpu.memory_space<vmem>>
        %dma_start3A_437 = arith.constant 0 : i32
        %dma_start3A_438 = arith.constant 0 : i32
        %dma_start3A_439 = tpu.memref_slice %arg10[%dma_start3A_437, %dma_start3A_438] : memref<10240x64xf32, #tpu.memory_space<vmem_shared>> -> memref<10240x64xf32, #tpu.memory_space<vmem_shared>>
        tpu.enqueue_indirect_dma source(%dma_start3A_433 : memref<256x64xf32, #tpu.memory_space<vmem>>) target(%dma_start3A_439 : memref<10240x64xf32, #tpu.memory_space<vmem_shared>>) offsets(%dma_start3A_436 : memref<256xi32, #tpu.memory_space<vmem>>) semaphore(%run_scoped3A_429 : memref<!tpu.dma_semaphore, #tpu.memory_space<semaphore_mem>>) {add = true}
        %dma_wait3A_440 = arith.constant 0 : i32
        %dma_wait3A_441 = arith.constant 0 : i32
        %dma_wait3A_442 = tpu.memref_slice %arg8[%run_scoped3A_172, %dma_wait3A_440, %dma_wait3A_441] : memref<2x256x64xf32, #tpu.memory_space<vmem>> -> memref<1x256x64xf32, #tpu.memory_space<vmem>>
        %dma_wait3A_443 = tpu.memref_squeeze %dma_wait3A_442 : memref<1x256x64xf32, #tpu.memory_space<vmem>> -> memref<256x64xf32, #tpu.memory_space<vmem>>
        %dma_wait3A_444 = arith.constant 0 : i32
        %dma_wait3A_445 = tpu.memref_slice %arg7[%rem3A_171, %dma_wait3A_444] : memref<16x256xi32, #tpu.memory_space<vmem>> -> memref<1x256xi32, #tpu.memory_space<vmem>>
        %dma_wait3A_446 = tpu.memref_squeeze %dma_wait3A_445 : memref<1x256xi32, #tpu.memory_space<vmem>> -> memref<256xi32, #tpu.memory_space<vmem>>
        %dma_wait3A_447 = arith.constant 0 : i32
        %dma_wait3A_448 = arith.constant 0 : i32
        %dma_wait3A_449 = tpu.memref_slice %arg10[%dma_wait3A_447, %dma_wait3A_448] : memref<10240x64xf32, #tpu.memory_space<vmem_shared>> -> memref<10240x64xf32, #tpu.memory_space<vmem_shared>>
        tpu.wait_indirect_dma semaphore(%run_scoped3A_429 : memref<!tpu.dma_semaphore, #tpu.memory_space<semaphore_mem>>) src(%dma_wait3A_443 : memref<256x64xf32, #tpu.memory_space<vmem>>) dst(%dma_wait3A_449 : memref<10240x64xf32, #tpu.memory_space<vmem_shared>>)
        tpu.yield
      }) : () -> ()
      %add3A_173 = arith.constant 2 : i32
      %add3A_174 = arith.addi %add3A_152, %add3A_173 : i32
      %ge3A_175 = arith.constant 80 : i32
      %ge3A_176 = arith.cmpi sge, %add3A_174, %ge3A_175 : i32
      %sub3A_177 = arith.constant 80 : i32
      %sub3A_178 = arith.subi %add3A_174, %sub3A_177 : i32
      %select_n3A_179 = arith.select %ge3A_176, %sub3A_178, %add3A_174 : i32
      %rem3A_180 = arith.constant 16 : i32
      %rem3A_181 = arith.remsi %select_n3A_179, %rem3A_180 : i32
      %dma_start3A_182 = arith.constant 0 : i32
      %dma_start3A_183 = arith.constant 0 : i32
      %dma_start3A_184 = arith.constant 0 : i32
      %dma_start3A_185 = tpu.memref_slice %arg8[%dma_start3A_182, %dma_start3A_183, %dma_start3A_184] : memref<2x256x64xf32, #tpu.memory_space<vmem>> -> memref<1x256x64xf32, #tpu.memory_space<vmem>>
      %dma_start3A_186 = tpu.memref_squeeze %dma_start3A_185 : memref<1x256x64xf32, #tpu.memory_space<vmem>> -> memref<256x64xf32, #tpu.memory_space<vmem>>
      %dma_start3A_187 = arith.constant 0 : i32
      %dma_start3A_188 = tpu.memref_slice %arg6[%rem3A_181, %dma_start3A_187] : memref<16x256xi32, #tpu.memory_space<vmem>> -> memref<1x256xi32, #tpu.memory_space<vmem>>
      %dma_start3A_189 = tpu.memref_squeeze %dma_start3A_188 : memref<1x256xi32, #tpu.memory_space<vmem>> -> memref<256xi32, #tpu.memory_space<vmem>>
      %dma_start3A_190 = arith.constant 0 : i32
      %dma_start3A_191 = arith.constant 0 : i32
      %dma_start3A_192 = tpu.memref_slice %arg9[%dma_start3A_190, %dma_start3A_191] : memref<10240x64xf32, #tpu.memory_space<vmem_shared>> -> memref<10240x64xf32, #tpu.memory_space<vmem_shared>>
      tpu.enqueue_indirect_dma source(%dma_start3A_192 : memref<10240x64xf32, #tpu.memory_space<vmem_shared>>) target(%dma_start3A_186 : memref<256x64xf32, #tpu.memory_space<vmem>>) offsets(%dma_start3A_189 : memref<256xi32, #tpu.memory_space<vmem>>) semaphore(%arg11 : memref<!tpu.dma_semaphore, #tpu.memory_space<semaphore_mem>>)
      %mul3A_193 = arith.constant 8 : i32
      %mul3A_194 = arith.muli %scan3A_65, %mul3A_193 : i32
      %add3A_195 = arith.constant 3 : i32
      %add3A_196 = arith.addi %mul3A_194, %add3A_195 : i32
      %dma_wait3A_197 = arith.constant 1 : i32
      %dma_wait3A_198 = arith.constant 0 : i32
      %dma_wait3A_199 = arith.constant 0 : i32
      %dma_wait3A_200 = tpu.memref_slice %arg8[%dma_wait3A_197, %dma_wait3A_198, %dma_wait3A_199] : memref<2x256x64xf32, #tpu.memory_space<vmem>> -> memref<1x256x64xf32, #tpu.memory_space<vmem>>
      %dma_wait3A_201 = tpu.memref_squeeze %dma_wait3A_200 : memref<1x256x64xf32, #tpu.memory_space<vmem>> -> memref<256x64xf32, #tpu.memory_space<vmem>>
      %dma_wait3A_202 = arith.constant 0 : i32
      %dma_wait3A_203 = arith.constant 0 : i32
      %dma_wait3A_204 = tpu.memref_slice %arg2[%arg0, %dma_wait3A_202, %dma_wait3A_203] : memref<2x10240x64xf32, #tpu.memory_space<hbm>> -> memref<1x256x64xf32, #tpu.memory_space<hbm>>
      %dma_wait3A_205 = tpu.memref_squeeze %dma_wait3A_204 : memref<1x256x64xf32, #tpu.memory_space<hbm>> -> memref<256x64xf32, #tpu.memory_space<hbm>>
      %dma_wait3A_206 = arith.constant 0 : i32
      %dma_wait3A_207 = arith.constant 0 : i32
      %dma_wait3A_208 = tpu.memref_slice %arg8[%dma_wait3A_197, %dma_wait3A_206, %dma_wait3A_207] : memref<2x256x64xf32, #tpu.memory_space<vmem>> -> memref<1x256x64xf32, #tpu.memory_space<vmem>>
      %dma_wait3A_209 = tpu.memref_squeeze %dma_wait3A_208 : memref<1x256x64xf32, #tpu.memory_space<vmem>> -> memref<256x64xf32, #tpu.memory_space<vmem>>
      %dma_wait3A_210 = arith.constant 0 : i32
      %dma_wait3A_211 = arith.constant 0 : i32
      %dma_wait3A_212 = tpu.memref_slice %arg2[%arg0, %dma_wait3A_210, %dma_wait3A_211] : memref<2x10240x64xf32, #tpu.memory_space<hbm>> -> memref<1x256x64xf32, #tpu.memory_space<hbm>>
      %dma_wait3A_213 = tpu.memref_squeeze %dma_wait3A_212 : memref<1x256x64xf32, #tpu.memory_space<hbm>> -> memref<256x64xf32, #tpu.memory_space<hbm>>
      tpu.wait_dma2 semaphore(%arg12 : memref<!tpu.dma_semaphore, #tpu.memory_space<semaphore_mem>>) src(%dma_wait3A_213 : memref<256x64xf32, #tpu.memory_space<hbm>>) dst(%dma_wait3A_209 : memref<256x64xf32, #tpu.memory_space<vmem>>)
      %rem3A_214 = arith.constant 16 : i32
      %rem3A_215 = arith.remsi %add3A_196, %rem3A_214 : i32
      %run_scoped3A_216 = arith.constant 1 : i32
      "tpu.region"() ({
        %run_scoped3A_429 = tpu.sem_alloc : memref<!tpu.dma_semaphore, #tpu.memory_space<semaphore_mem>>
        %dma_start3A_430 = arith.constant 0 : i32
        %dma_start3A_431 = arith.constant 0 : i32
        %dma_start3A_432 = tpu.memref_slice %arg8[%run_scoped3A_216, %dma_start3A_430, %dma_start3A_431] : memref<2x256x64xf32, #tpu.memory_space<vmem>> -> memref<1x256x64xf32, #tpu.memory_space<vmem>>
        %dma_start3A_433 = tpu.memref_squeeze %dma_start3A_432 : memref<1x256x64xf32, #tpu.memory_space<vmem>> -> memref<256x64xf32, #tpu.memory_space<vmem>>
        %dma_start3A_434 = arith.constant 0 : i32
        %dma_start3A_435 = tpu.memref_slice %arg7[%rem3A_215, %dma_start3A_434] : memref<16x256xi32, #tpu.memory_space<vmem>> -> memref<1x256xi32, #tpu.memory_space<vmem>>
        %dma_start3A_436 = tpu.memref_squeeze %dma_start3A_435 : memref<1x256xi32, #tpu.memory_space<vmem>> -> memref<256xi32, #tpu.memory_space<vmem>>
        %dma_start3A_437 = arith.constant 0 : i32
        %dma_start3A_438 = arith.constant 0 : i32
        %dma_start3A_439 = tpu.memref_slice %arg10[%dma_start3A_437, %dma_start3A_438] : memref<10240x64xf32, #tpu.memory_space<vmem_shared>> -> memref<10240x64xf32, #tpu.memory_space<vmem_shared>>
        tpu.enqueue_indirect_dma source(%dma_start3A_433 : memref<256x64xf32, #tpu.memory_space<vmem>>) target(%dma_start3A_439 : memref<10240x64xf32, #tpu.memory_space<vmem_shared>>) offsets(%dma_start3A_436 : memref<256xi32, #tpu.memory_space<vmem>>) semaphore(%run_scoped3A_429 : memref<!tpu.dma_semaphore, #tpu.memory_space<semaphore_mem>>) {add = true}
        %dma_wait3A_440 = arith.constant 0 : i32
        %dma_wait3A_441 = arith.constant 0 : i32
        %dma_wait3A_442 = tpu.memref_slice %arg8[%run_scoped3A_216, %dma_wait3A_440, %dma_wait3A_441] : memref<2x256x64xf32, #tpu.memory_space<vmem>> -> memref<1x256x64xf32, #tpu.memory_space<vmem>>
        %dma_wait3A_443 = tpu.memref_squeeze %dma_wait3A_442 : memref<1x256x64xf32, #tpu.memory_space<vmem>> -> memref<256x64xf32, #tpu.memory_space<vmem>>
        %dma_wait3A_444 = arith.constant 0 : i32
        %dma_wait3A_445 = tpu.memref_slice %arg7[%rem3A_215, %dma_wait3A_444] : memref<16x256xi32, #tpu.memory_space<vmem>> -> memref<1x256xi32, #tpu.memory_space<vmem>>
        %dma_wait3A_446 = tpu.memref_squeeze %dma_wait3A_445 : memref<1x256xi32, #tpu.memory_space<vmem>> -> memref<256xi32, #tpu.memory_space<vmem>>
        %dma_wait3A_447 = arith.constant 0 : i32
        %dma_wait3A_448 = arith.constant 0 : i32
        %dma_wait3A_449 = tpu.memref_slice %arg10[%dma_wait3A_447, %dma_wait3A_448] : memref<10240x64xf32, #tpu.memory_space<vmem_shared>> -> memref<10240x64xf32, #tpu.memory_space<vmem_shared>>
        tpu.wait_indirect_dma semaphore(%run_scoped3A_429 : memref<!tpu.dma_semaphore, #tpu.memory_space<semaphore_mem>>) src(%dma_wait3A_443 : memref<256x64xf32, #tpu.memory_space<vmem>>) dst(%dma_wait3A_449 : memref<10240x64xf32, #tpu.memory_space<vmem_shared>>)
        tpu.yield
      }) : () -> ()
      %add3A_217 = arith.constant 2 : i32
      %add3A_218 = arith.addi %add3A_196, %add3A_217 : i32
      %ge3A_219 = arith.constant 80 : i32
      %ge3A_220 = arith.cmpi sge, %add3A_218, %ge3A_219 : i32
      %sub3A_221 = arith.constant 80 : i32
      %sub3A_222 = arith.subi %add3A_218, %sub3A_221 : i32
      %select_n3A_223 = arith.select %ge3A_220, %sub3A_222, %add3A_218 : i32
      %rem3A_224 = arith.constant 16 : i32
      %rem3A_225 = arith.remsi %select_n3A_223, %rem3A_224 : i32
      %dma_start3A_226 = arith.constant 1 : i32
      %dma_start3A_227 = arith.constant 0 : i32
      %dma_start3A_228 = arith.constant 0 : i32
      %dma_start3A_229 = tpu.memref_slice %arg8[%dma_start3A_226, %dma_start3A_227, %dma_start3A_228] : memref<2x256x64xf32, #tpu.memory_space<vmem>> -> memref<1x256x64xf32, #tpu.memory_space<vmem>>
      %dma_start3A_230 = tpu.memref_squeeze %dma_start3A_229 : memref<1x256x64xf32, #tpu.memory_space<vmem>> -> memref<256x64xf32, #tpu.memory_space<vmem>>
      %dma_start3A_231 = arith.constant 0 : i32
      %dma_start3A_232 = tpu.memref_slice %arg6[%rem3A_225, %dma_start3A_231] : memref<16x256xi32, #tpu.memory_space<vmem>> -> memref<1x256xi32, #tpu.memory_space<vmem>>
      %dma_start3A_233 = tpu.memref_squeeze %dma_start3A_232 : memref<1x256xi32, #tpu.memory_space<vmem>> -> memref<256xi32, #tpu.memory_space<vmem>>
      %dma_start3A_234 = arith.constant 0 : i32
      %dma_start3A_235 = arith.constant 0 : i32
      %dma_start3A_236 = tpu.memref_slice %arg9[%dma_start3A_234, %dma_start3A_235] : memref<10240x64xf32, #tpu.memory_space<vmem_shared>> -> memref<10240x64xf32, #tpu.memory_space<vmem_shared>>
      tpu.enqueue_indirect_dma source(%dma_start3A_236 : memref<10240x64xf32, #tpu.memory_space<vmem_shared>>) target(%dma_start3A_230 : memref<256x64xf32, #tpu.memory_space<vmem>>) offsets(%dma_start3A_233 : memref<256xi32, #tpu.memory_space<vmem>>) semaphore(%arg12 : memref<!tpu.dma_semaphore, #tpu.memory_space<semaphore_mem>>)
      %mul3A_237 = arith.constant 8 : i32
      %mul3A_238 = arith.muli %scan3A_65, %mul3A_237 : i32
      %add3A_239 = arith.constant 4 : i32
      %add3A_240 = arith.addi %mul3A_238, %add3A_239 : i32
      %dma_wait3A_241 = arith.constant 0 : i32
      %dma_wait3A_242 = arith.constant 0 : i32
      %dma_wait3A_243 = arith.constant 0 : i32
      %dma_wait3A_244 = tpu.memref_slice %arg8[%dma_wait3A_241, %dma_wait3A_242, %dma_wait3A_243] : memref<2x256x64xf32, #tpu.memory_space<vmem>> -> memref<1x256x64xf32, #tpu.memory_space<vmem>>
      %dma_wait3A_245 = tpu.memref_squeeze %dma_wait3A_244 : memref<1x256x64xf32, #tpu.memory_space<vmem>> -> memref<256x64xf32, #tpu.memory_space<vmem>>
      %dma_wait3A_246 = arith.constant 0 : i32
      %dma_wait3A_247 = arith.constant 0 : i32
      %dma_wait3A_248 = tpu.memref_slice %arg2[%arg0, %dma_wait3A_246, %dma_wait3A_247] : memref<2x10240x64xf32, #tpu.memory_space<hbm>> -> memref<1x256x64xf32, #tpu.memory_space<hbm>>
      %dma_wait3A_249 = tpu.memref_squeeze %dma_wait3A_248 : memref<1x256x64xf32, #tpu.memory_space<hbm>> -> memref<256x64xf32, #tpu.memory_space<hbm>>
      %dma_wait3A_250 = arith.constant 0 : i32
      %dma_wait3A_251 = arith.constant 0 : i32
      %dma_wait3A_252 = tpu.memref_slice %arg8[%dma_wait3A_241, %dma_wait3A_250, %dma_wait3A_251] : memref<2x256x64xf32, #tpu.memory_space<vmem>> -> memref<1x256x64xf32, #tpu.memory_space<vmem>>
      %dma_wait3A_253 = tpu.memref_squeeze %dma_wait3A_252 : memref<1x256x64xf32, #tpu.memory_space<vmem>> -> memref<256x64xf32, #tpu.memory_space<vmem>>
      %dma_wait3A_254 = arith.constant 0 : i32
      %dma_wait3A_255 = arith.constant 0 : i32
      %dma_wait3A_256 = tpu.memref_slice %arg2[%arg0, %dma_wait3A_254, %dma_wait3A_255] : memref<2x10240x64xf32, #tpu.memory_space<hbm>> -> memref<1x256x64xf32, #tpu.memory_space<hbm>>
      %dma_wait3A_257 = tpu.memref_squeeze %dma_wait3A_256 : memref<1x256x64xf32, #tpu.memory_space<hbm>> -> memref<256x64xf32, #tpu.memory_space<hbm>>
      tpu.wait_dma2 semaphore(%arg11 : memref<!tpu.dma_semaphore, #tpu.memory_space<semaphore_mem>>) src(%dma_wait3A_257 : memref<256x64xf32, #tpu.memory_space<hbm>>) dst(%dma_wait3A_253 : memref<256x64xf32, #tpu.memory_space<vmem>>)
      %rem3A_258 = arith.constant 16 : i32
      %rem3A_259 = arith.remsi %add3A_240, %rem3A_258 : i32
      %run_scoped3A_260 = arith.constant 0 : i32
      "tpu.region"() ({
        %run_scoped3A_429 = tpu.sem_alloc : memref<!tpu.dma_semaphore, #tpu.memory_space<semaphore_mem>>
        %dma_start3A_430 = arith.constant 0 : i32
        %dma_start3A_431 = arith.constant 0 : i32
        %dma_start3A_432 = tpu.memref_slice %arg8[%run_scoped3A_260, %dma_start3A_430, %dma_start3A_431] : memref<2x256x64xf32, #tpu.memory_space<vmem>> -> memref<1x256x64xf32, #tpu.memory_space<vmem>>
        %dma_start3A_433 = tpu.memref_squeeze %dma_start3A_432 : memref<1x256x64xf32, #tpu.memory_space<vmem>> -> memref<256x64xf32, #tpu.memory_space<vmem>>
        %dma_start3A_434 = arith.constant 0 : i32
        %dma_start3A_435 = tpu.memref_slice %arg7[%rem3A_259, %dma_start3A_434] : memref<16x256xi32, #tpu.memory_space<vmem>> -> memref<1x256xi32, #tpu.memory_space<vmem>>
        %dma_start3A_436 = tpu.memref_squeeze %dma_start3A_435 : memref<1x256xi32, #tpu.memory_space<vmem>> -> memref<256xi32, #tpu.memory_space<vmem>>
        %dma_start3A_437 = arith.constant 0 : i32
        %dma_start3A_438 = arith.constant 0 : i32
        %dma_start3A_439 = tpu.memref_slice %arg10[%dma_start3A_437, %dma_start3A_438] : memref<10240x64xf32, #tpu.memory_space<vmem_shared>> -> memref<10240x64xf32, #tpu.memory_space<vmem_shared>>
        tpu.enqueue_indirect_dma source(%dma_start3A_433 : memref<256x64xf32, #tpu.memory_space<vmem>>) target(%dma_start3A_439 : memref<10240x64xf32, #tpu.memory_space<vmem_shared>>) offsets(%dma_start3A_436 : memref<256xi32, #tpu.memory_space<vmem>>) semaphore(%run_scoped3A_429 : memref<!tpu.dma_semaphore, #tpu.memory_space<semaphore_mem>>) {add = true}
        %dma_wait3A_440 = arith.constant 0 : i32
        %dma_wait3A_441 = arith.constant 0 : i32
        %dma_wait3A_442 = tpu.memref_slice %arg8[%run_scoped3A_260, %dma_wait3A_440, %dma_wait3A_441] : memref<2x256x64xf32, #tpu.memory_space<vmem>> -> memref<1x256x64xf32, #tpu.memory_space<vmem>>
        %dma_wait3A_443 = tpu.memref_squeeze %dma_wait3A_442 : memref<1x256x64xf32, #tpu.memory_space<vmem>> -> memref<256x64xf32, #tpu.memory_space<vmem>>
        %dma_wait3A_444 = arith.constant 0 : i32
        %dma_wait3A_445 = tpu.memref_slice %arg7[%rem3A_259, %dma_wait3A_444] : memref<16x256xi32, #tpu.memory_space<vmem>> -> memref<1x256xi32, #tpu.memory_space<vmem>>
        %dma_wait3A_446 = tpu.memref_squeeze %dma_wait3A_445 : memref<1x256xi32, #tpu.memory_space<vmem>> -> memref<256xi32, #tpu.memory_space<vmem>>
        %dma_wait3A_447 = arith.constant 0 : i32
        %dma_wait3A_448 = arith.constant 0 : i32
        %dma_wait3A_449 = tpu.memref_slice %arg10[%dma_wait3A_447, %dma_wait3A_448] : memref<10240x64xf32, #tpu.memory_space<vmem_shared>> -> memref<10240x64xf32, #tpu.memory_space<vmem_shared>>
        tpu.wait_indirect_dma semaphore(%run_scoped3A_429 : memref<!tpu.dma_semaphore, #tpu.memory_space<semaphore_mem>>) src(%dma_wait3A_443 : memref<256x64xf32, #tpu.memory_space<vmem>>) dst(%dma_wait3A_449 : memref<10240x64xf32, #tpu.memory_space<vmem_shared>>)
        tpu.yield
      }) : () -> ()
      %add3A_261 = arith.constant 2 : i32
      %add3A_262 = arith.addi %add3A_240, %add3A_261 : i32
      %ge3A_263 = arith.constant 80 : i32
      %ge3A_264 = arith.cmpi sge, %add3A_262, %ge3A_263 : i32
      %sub3A_265 = arith.constant 80 : i32
      %sub3A_266 = arith.subi %add3A_262, %sub3A_265 : i32
      %select_n3A_267 = arith.select %ge3A_264, %sub3A_266, %add3A_262 : i32
      %rem3A_268 = arith.constant 16 : i32
      %rem3A_269 = arith.remsi %select_n3A_267, %rem3A_268 : i32
      %dma_start3A_270 = arith.constant 0 : i32
      %dma_start3A_271 = arith.constant 0 : i32
      %dma_start3A_272 = arith.constant 0 : i32
      %dma_start3A_273 = tpu.memref_slice %arg8[%dma_start3A_270, %dma_start3A_271, %dma_start3A_272] : memref<2x256x64xf32, #tpu.memory_space<vmem>> -> memref<1x256x64xf32, #tpu.memory_space<vmem>>
      %dma_start3A_274 = tpu.memref_squeeze %dma_start3A_273 : memref<1x256x64xf32, #tpu.memory_space<vmem>> -> memref<256x64xf32, #tpu.memory_space<vmem>>
      %dma_start3A_275 = arith.constant 0 : i32
      %dma_start3A_276 = tpu.memref_slice %arg6[%rem3A_269, %dma_start3A_275] : memref<16x256xi32, #tpu.memory_space<vmem>> -> memref<1x256xi32, #tpu.memory_space<vmem>>
      %dma_start3A_277 = tpu.memref_squeeze %dma_start3A_276 : memref<1x256xi32, #tpu.memory_space<vmem>> -> memref<256xi32, #tpu.memory_space<vmem>>
      %dma_start3A_278 = arith.constant 0 : i32
      %dma_start3A_279 = arith.constant 0 : i32
      %dma_start3A_280 = tpu.memref_slice %arg9[%dma_start3A_278, %dma_start3A_279] : memref<10240x64xf32, #tpu.memory_space<vmem_shared>> -> memref<10240x64xf32, #tpu.memory_space<vmem_shared>>
      tpu.enqueue_indirect_dma source(%dma_start3A_280 : memref<10240x64xf32, #tpu.memory_space<vmem_shared>>) target(%dma_start3A_274 : memref<256x64xf32, #tpu.memory_space<vmem>>) offsets(%dma_start3A_277 : memref<256xi32, #tpu.memory_space<vmem>>) semaphore(%arg11 : memref<!tpu.dma_semaphore, #tpu.memory_space<semaphore_mem>>)
      %mul3A_281 = arith.constant 8 : i32
      %mul3A_282 = arith.muli %scan3A_65, %mul3A_281 : i32
      %add3A_283 = arith.constant 5 : i32
      %add3A_284 = arith.addi %mul3A_282, %add3A_283 : i32
      %dma_wait3A_285 = arith.constant 1 : i32
      %dma_wait3A_286 = arith.constant 0 : i32
      %dma_wait3A_287 = arith.constant 0 : i32
      %dma_wait3A_288 = tpu.memref_slice %arg8[%dma_wait3A_285, %dma_wait3A_286, %dma_wait3A_287] : memref<2x256x64xf32, #tpu.memory_space<vmem>> -> memref<1x256x64xf32, #tpu.memory_space<vmem>>
      %dma_wait3A_289 = tpu.memref_squeeze %dma_wait3A_288 : memref<1x256x64xf32, #tpu.memory_space<vmem>> -> memref<256x64xf32, #tpu.memory_space<vmem>>
      %dma_wait3A_290 = arith.constant 0 : i32
      %dma_wait3A_291 = arith.constant 0 : i32
      %dma_wait3A_292 = tpu.memref_slice %arg2[%arg0, %dma_wait3A_290, %dma_wait3A_291] : memref<2x10240x64xf32, #tpu.memory_space<hbm>> -> memref<1x256x64xf32, #tpu.memory_space<hbm>>
      %dma_wait3A_293 = tpu.memref_squeeze %dma_wait3A_292 : memref<1x256x64xf32, #tpu.memory_space<hbm>> -> memref<256x64xf32, #tpu.memory_space<hbm>>
      %dma_wait3A_294 = arith.constant 0 : i32
      %dma_wait3A_295 = arith.constant 0 : i32
      %dma_wait3A_296 = tpu.memref_slice %arg8[%dma_wait3A_285, %dma_wait3A_294, %dma_wait3A_295] : memref<2x256x64xf32, #tpu.memory_space<vmem>> -> memref<1x256x64xf32, #tpu.memory_space<vmem>>
      %dma_wait3A_297 = tpu.memref_squeeze %dma_wait3A_296 : memref<1x256x64xf32, #tpu.memory_space<vmem>> -> memref<256x64xf32, #tpu.memory_space<vmem>>
      %dma_wait3A_298 = arith.constant 0 : i32
      %dma_wait3A_299 = arith.constant 0 : i32
      %dma_wait3A_300 = tpu.memref_slice %arg2[%arg0, %dma_wait3A_298, %dma_wait3A_299] : memref<2x10240x64xf32, #tpu.memory_space<hbm>> -> memref<1x256x64xf32, #tpu.memory_space<hbm>>
      %dma_wait3A_301 = tpu.memref_squeeze %dma_wait3A_300 : memref<1x256x64xf32, #tpu.memory_space<hbm>> -> memref<256x64xf32, #tpu.memory_space<hbm>>
      tpu.wait_dma2 semaphore(%arg12 : memref<!tpu.dma_semaphore, #tpu.memory_space<semaphore_mem>>) src(%dma_wait3A_301 : memref<256x64xf32, #tpu.memory_space<hbm>>) dst(%dma_wait3A_297 : memref<256x64xf32, #tpu.memory_space<vmem>>)
      %rem3A_302 = arith.constant 16 : i32
      %rem3A_303 = arith.remsi %add3A_284, %rem3A_302 : i32
      %run_scoped3A_304 = arith.constant 1 : i32
      "tpu.region"() ({
        %run_scoped3A_429 = tpu.sem_alloc : memref<!tpu.dma_semaphore, #tpu.memory_space<semaphore_mem>>
        %dma_start3A_430 = arith.constant 0 : i32
        %dma_start3A_431 = arith.constant 0 : i32
        %dma_start3A_432 = tpu.memref_slice %arg8[%run_scoped3A_304, %dma_start3A_430, %dma_start3A_431] : memref<2x256x64xf32, #tpu.memory_space<vmem>> -> memref<1x256x64xf32, #tpu.memory_space<vmem>>
        %dma_start3A_433 = tpu.memref_squeeze %dma_start3A_432 : memref<1x256x64xf32, #tpu.memory_space<vmem>> -> memref<256x64xf32, #tpu.memory_space<vmem>>
        %dma_start3A_434 = arith.constant 0 : i32
        %dma_start3A_435 = tpu.memref_slice %arg7[%rem3A_303, %dma_start3A_434] : memref<16x256xi32, #tpu.memory_space<vmem>> -> memref<1x256xi32, #tpu.memory_space<vmem>>
        %dma_start3A_436 = tpu.memref_squeeze %dma_start3A_435 : memref<1x256xi32, #tpu.memory_space<vmem>> -> memref<256xi32, #tpu.memory_space<vmem>>
        %dma_start3A_437 = arith.constant 0 : i32
        %dma_start3A_438 = arith.constant 0 : i32
        %dma_start3A_439 = tpu.memref_slice %arg10[%dma_start3A_437, %dma_start3A_438] : memref<10240x64xf32, #tpu.memory_space<vmem_shared>> -> memref<10240x64xf32, #tpu.memory_space<vmem_shared>>
        tpu.enqueue_indirect_dma source(%dma_start3A_433 : memref<256x64xf32, #tpu.memory_space<vmem>>) target(%dma_start3A_439 : memref<10240x64xf32, #tpu.memory_space<vmem_shared>>) offsets(%dma_start3A_436 : memref<256xi32, #tpu.memory_space<vmem>>) semaphore(%run_scoped3A_429 : memref<!tpu.dma_semaphore, #tpu.memory_space<semaphore_mem>>) {add = true}
        %dma_wait3A_440 = arith.constant 0 : i32
        %dma_wait3A_441 = arith.constant 0 : i32
        %dma_wait3A_442 = tpu.memref_slice %arg8[%run_scoped3A_304, %dma_wait3A_440, %dma_wait3A_441] : memref<2x256x64xf32, #tpu.memory_space<vmem>> -> memref<1x256x64xf32, #tpu.memory_space<vmem>>
        %dma_wait3A_443 = tpu.memref_squeeze %dma_wait3A_442 : memref<1x256x64xf32, #tpu.memory_space<vmem>> -> memref<256x64xf32, #tpu.memory_space<vmem>>
        %dma_wait3A_444 = arith.constant 0 : i32
        %dma_wait3A_445 = tpu.memref_slice %arg7[%rem3A_303, %dma_wait3A_444] : memref<16x256xi32, #tpu.memory_space<vmem>> -> memref<1x256xi32, #tpu.memory_space<vmem>>
        %dma_wait3A_446 = tpu.memref_squeeze %dma_wait3A_445 : memref<1x256xi32, #tpu.memory_space<vmem>> -> memref<256xi32, #tpu.memory_space<vmem>>
        %dma_wait3A_447 = arith.constant 0 : i32
        %dma_wait3A_448 = arith.constant 0 : i32
        %dma_wait3A_449 = tpu.memref_slice %arg10[%dma_wait3A_447, %dma_wait3A_448] : memref<10240x64xf32, #tpu.memory_space<vmem_shared>> -> memref<10240x64xf32, #tpu.memory_space<vmem_shared>>
        tpu.wait_indirect_dma semaphore(%run_scoped3A_429 : memref<!tpu.dma_semaphore, #tpu.memory_space<semaphore_mem>>) src(%dma_wait3A_443 : memref<256x64xf32, #tpu.memory_space<vmem>>) dst(%dma_wait3A_449 : memref<10240x64xf32, #tpu.memory_space<vmem_shared>>)
        tpu.yield
      }) : () -> ()
      %add3A_305 = arith.constant 2 : i32
      %add3A_306 = arith.addi %add3A_284, %add3A_305 : i32
      %ge3A_307 = arith.constant 80 : i32
      %ge3A_308 = arith.cmpi sge, %add3A_306, %ge3A_307 : i32
      %sub3A_309 = arith.constant 80 : i32
      %sub3A_310 = arith.subi %add3A_306, %sub3A_309 : i32
      %select_n3A_311 = arith.select %ge3A_308, %sub3A_310, %add3A_306 : i32
      %rem3A_312 = arith.constant 16 : i32
      %rem3A_313 = arith.remsi %select_n3A_311, %rem3A_312 : i32
      %dma_start3A_314 = arith.constant 1 : i32
      %dma_start3A_315 = arith.constant 0 : i32
      %dma_start3A_316 = arith.constant 0 : i32
      %dma_start3A_317 = tpu.memref_slice %arg8[%dma_start3A_314, %dma_start3A_315, %dma_start3A_316] : memref<2x256x64xf32, #tpu.memory_space<vmem>> -> memref<1x256x64xf32, #tpu.memory_space<vmem>>
      %dma_start3A_318 = tpu.memref_squeeze %dma_start3A_317 : memref<1x256x64xf32, #tpu.memory_space<vmem>> -> memref<256x64xf32, #tpu.memory_space<vmem>>
      %dma_start3A_319 = arith.constant 0 : i32
      %dma_start3A_320 = tpu.memref_slice %arg6[%rem3A_313, %dma_start3A_319] : memref<16x256xi32, #tpu.memory_space<vmem>> -> memref<1x256xi32, #tpu.memory_space<vmem>>
      %dma_start3A_321 = tpu.memref_squeeze %dma_start3A_320 : memref<1x256xi32, #tpu.memory_space<vmem>> -> memref<256xi32, #tpu.memory_space<vmem>>
      %dma_start3A_322 = arith.constant 0 : i32
      %dma_start3A_323 = arith.constant 0 : i32
      %dma_start3A_324 = tpu.memref_slice %arg9[%dma_start3A_322, %dma_start3A_323] : memref<10240x64xf32, #tpu.memory_space<vmem_shared>> -> memref<10240x64xf32, #tpu.memory_space<vmem_shared>>
      tpu.enqueue_indirect_dma source(%dma_start3A_324 : memref<10240x64xf32, #tpu.memory_space<vmem_shared>>) target(%dma_start3A_318 : memref<256x64xf32, #tpu.memory_space<vmem>>) offsets(%dma_start3A_321 : memref<256xi32, #tpu.memory_space<vmem>>) semaphore(%arg12 : memref<!tpu.dma_semaphore, #tpu.memory_space<semaphore_mem>>)
      %mul3A_325 = arith.constant 8 : i32
      %mul3A_326 = arith.muli %scan3A_65, %mul3A_325 : i32
      %add3A_327 = arith.constant 6 : i32
      %add3A_328 = arith.addi %mul3A_326, %add3A_327 : i32
      %dma_wait3A_329 = arith.constant 0 : i32
      %dma_wait3A_330 = arith.constant 0 : i32
      %dma_wait3A_331 = arith.constant 0 : i32
      %dma_wait3A_332 = tpu.memref_slice %arg8[%dma_wait3A_329, %dma_wait3A_330, %dma_wait3A_331] : memref<2x256x64xf32, #tpu.memory_space<vmem>> -> memref<1x256x64xf32, #tpu.memory_space<vmem>>
      %dma_wait3A_333 = tpu.memref_squeeze %dma_wait3A_332 : memref<1x256x64xf32, #tpu.memory_space<vmem>> -> memref<256x64xf32, #tpu.memory_space<vmem>>
      %dma_wait3A_334 = arith.constant 0 : i32
      %dma_wait3A_335 = arith.constant 0 : i32
      %dma_wait3A_336 = tpu.memref_slice %arg2[%arg0, %dma_wait3A_334, %dma_wait3A_335] : memref<2x10240x64xf32, #tpu.memory_space<hbm>> -> memref<1x256x64xf32, #tpu.memory_space<hbm>>
      %dma_wait3A_337 = tpu.memref_squeeze %dma_wait3A_336 : memref<1x256x64xf32, #tpu.memory_space<hbm>> -> memref<256x64xf32, #tpu.memory_space<hbm>>
      %dma_wait3A_338 = arith.constant 0 : i32
      %dma_wait3A_339 = arith.constant 0 : i32
      %dma_wait3A_340 = tpu.memref_slice %arg8[%dma_wait3A_329, %dma_wait3A_338, %dma_wait3A_339] : memref<2x256x64xf32, #tpu.memory_space<vmem>> -> memref<1x256x64xf32, #tpu.memory_space<vmem>>
      %dma_wait3A_341 = tpu.memref_squeeze %dma_wait3A_340 : memref<1x256x64xf32, #tpu.memory_space<vmem>> -> memref<256x64xf32, #tpu.memory_space<vmem>>
      %dma_wait3A_342 = arith.constant 0 : i32
      %dma_wait3A_343 = arith.constant 0 : i32
      %dma_wait3A_344 = tpu.memref_slice %arg2[%arg0, %dma_wait3A_342, %dma_wait3A_343] : memref<2x10240x64xf32, #tpu.memory_space<hbm>> -> memref<1x256x64xf32, #tpu.memory_space<hbm>>
      %dma_wait3A_345 = tpu.memref_squeeze %dma_wait3A_344 : memref<1x256x64xf32, #tpu.memory_space<hbm>> -> memref<256x64xf32, #tpu.memory_space<hbm>>
      tpu.wait_dma2 semaphore(%arg11 : memref<!tpu.dma_semaphore, #tpu.memory_space<semaphore_mem>>) src(%dma_wait3A_345 : memref<256x64xf32, #tpu.memory_space<hbm>>) dst(%dma_wait3A_341 : memref<256x64xf32, #tpu.memory_space<vmem>>)
      %rem3A_346 = arith.constant 16 : i32
      %rem3A_347 = arith.remsi %add3A_328, %rem3A_346 : i32
      %run_scoped3A_348 = arith.constant 0 : i32
      "tpu.region"() ({
        %run_scoped3A_429 = tpu.sem_alloc : memref<!tpu.dma_semaphore, #tpu.memory_space<semaphore_mem>>
        %dma_start3A_430 = arith.constant 0 : i32
        %dma_start3A_431 = arith.constant 0 : i32
        %dma_start3A_432 = tpu.memref_slice %arg8[%run_scoped3A_348, %dma_start3A_430, %dma_start3A_431] : memref<2x256x64xf32, #tpu.memory_space<vmem>> -> memref<1x256x64xf32, #tpu.memory_space<vmem>>
        %dma_start3A_433 = tpu.memref_squeeze %dma_start3A_432 : memref<1x256x64xf32, #tpu.memory_space<vmem>> -> memref<256x64xf32, #tpu.memory_space<vmem>>
        %dma_start3A_434 = arith.constant 0 : i32
        %dma_start3A_435 = tpu.memref_slice %arg7[%rem3A_347, %dma_start3A_434] : memref<16x256xi32, #tpu.memory_space<vmem>> -> memref<1x256xi32, #tpu.memory_space<vmem>>
        %dma_start3A_436 = tpu.memref_squeeze %dma_start3A_435 : memref<1x256xi32, #tpu.memory_space<vmem>> -> memref<256xi32, #tpu.memory_space<vmem>>
        %dma_start3A_437 = arith.constant 0 : i32
        %dma_start3A_438 = arith.constant 0 : i32
        %dma_start3A_439 = tpu.memref_slice %arg10[%dma_start3A_437, %dma_start3A_438] : memref<10240x64xf32, #tpu.memory_space<vmem_shared>> -> memref<10240x64xf32, #tpu.memory_space<vmem_shared>>
        tpu.enqueue_indirect_dma source(%dma_start3A_433 : memref<256x64xf32, #tpu.memory_space<vmem>>) target(%dma_start3A_439 : memref<10240x64xf32, #tpu.memory_space<vmem_shared>>) offsets(%dma_start3A_436 : memref<256xi32, #tpu.memory_space<vmem>>) semaphore(%run_scoped3A_429 : memref<!tpu.dma_semaphore, #tpu.memory_space<semaphore_mem>>) {add = true}
        %dma_wait3A_440 = arith.constant 0 : i32
        %dma_wait3A_441 = arith.constant 0 : i32
        %dma_wait3A_442 = tpu.memref_slice %arg8[%run_scoped3A_348, %dma_wait3A_440, %dma_wait3A_441] : memref<2x256x64xf32, #tpu.memory_space<vmem>> -> memref<1x256x64xf32, #tpu.memory_space<vmem>>
        %dma_wait3A_443 = tpu.memref_squeeze %dma_wait3A_442 : memref<1x256x64xf32, #tpu.memory_space<vmem>> -> memref<256x64xf32, #tpu.memory_space<vmem>>
        %dma_wait3A_444 = arith.constant 0 : i32
        %dma_wait3A_445 = tpu.memref_slice %arg7[%rem3A_347, %dma_wait3A_444] : memref<16x256xi32, #tpu.memory_space<vmem>> -> memref<1x256xi32, #tpu.memory_space<vmem>>
        %dma_wait3A_446 = tpu.memref_squeeze %dma_wait3A_445 : memref<1x256xi32, #tpu.memory_space<vmem>> -> memref<256xi32, #tpu.memory_space<vmem>>
        %dma_wait3A_447 = arith.constant 0 : i32
        %dma_wait3A_448 = arith.constant 0 : i32
        %dma_wait3A_449 = tpu.memref_slice %arg10[%dma_wait3A_447, %dma_wait3A_448] : memref<10240x64xf32, #tpu.memory_space<vmem_shared>> -> memref<10240x64xf32, #tpu.memory_space<vmem_shared>>
        tpu.wait_indirect_dma semaphore(%run_scoped3A_429 : memref<!tpu.dma_semaphore, #tpu.memory_space<semaphore_mem>>) src(%dma_wait3A_443 : memref<256x64xf32, #tpu.memory_space<vmem>>) dst(%dma_wait3A_449 : memref<10240x64xf32, #tpu.memory_space<vmem_shared>>)
        tpu.yield
      }) : () -> ()
      %add3A_349 = arith.constant 2 : i32
      %add3A_350 = arith.addi %add3A_328, %add3A_349 : i32
      %ge3A_351 = arith.constant 80 : i32
      %ge3A_352 = arith.cmpi sge, %add3A_350, %ge3A_351 : i32
      %sub3A_353 = arith.constant 80 : i32
      %sub3A_354 = arith.subi %add3A_350, %sub3A_353 : i32
      %select_n3A_355 = arith.select %ge3A_352, %sub3A_354, %add3A_350 : i32
      %rem3A_356 = arith.constant 16 : i32
      %rem3A_357 = arith.remsi %select_n3A_355, %rem3A_356 : i32
      %dma_start3A_358 = arith.constant 0 : i32
      %dma_start3A_359 = arith.constant 0 : i32
      %dma_start3A_360 = arith.constant 0 : i32
      %dma_start3A_361 = tpu.memref_slice %arg8[%dma_start3A_358, %dma_start3A_359, %dma_start3A_360] : memref<2x256x64xf32, #tpu.memory_space<vmem>> -> memref<1x256x64xf32, #tpu.memory_space<vmem>>
      %dma_start3A_362 = tpu.memref_squeeze %dma_start3A_361 : memref<1x256x64xf32, #tpu.memory_space<vmem>> -> memref<256x64xf32, #tpu.memory_space<vmem>>
      %dma_start3A_363 = arith.constant 0 : i32
      %dma_start3A_364 = tpu.memref_slice %arg6[%rem3A_357, %dma_start3A_363] : memref<16x256xi32, #tpu.memory_space<vmem>> -> memref<1x256xi32, #tpu.memory_space<vmem>>
      %dma_start3A_365 = tpu.memref_squeeze %dma_start3A_364 : memref<1x256xi32, #tpu.memory_space<vmem>> -> memref<256xi32, #tpu.memory_space<vmem>>
      %dma_start3A_366 = arith.constant 0 : i32
      %dma_start3A_367 = arith.constant 0 : i32
      %dma_start3A_368 = tpu.memref_slice %arg9[%dma_start3A_366, %dma_start3A_367] : memref<10240x64xf32, #tpu.memory_space<vmem_shared>> -> memref<10240x64xf32, #tpu.memory_space<vmem_shared>>
      tpu.enqueue_indirect_dma source(%dma_start3A_368 : memref<10240x64xf32, #tpu.memory_space<vmem_shared>>) target(%dma_start3A_362 : memref<256x64xf32, #tpu.memory_space<vmem>>) offsets(%dma_start3A_365 : memref<256xi32, #tpu.memory_space<vmem>>) semaphore(%arg11 : memref<!tpu.dma_semaphore, #tpu.memory_space<semaphore_mem>>)
      %mul3A_369 = arith.constant 8 : i32
      %mul3A_370 = arith.muli %scan3A_65, %mul3A_369 : i32
      %add3A_371 = arith.constant 7 : i32
      %add3A_372 = arith.addi %mul3A_370, %add3A_371 : i32
      %dma_wait3A_373 = arith.constant 1 : i32
      %dma_wait3A_374 = arith.constant 0 : i32
      %dma_wait3A_375 = arith.constant 0 : i32
      %dma_wait3A_376 = tpu.memref_slice %arg8[%dma_wait3A_373, %dma_wait3A_374, %dma_wait3A_375] : memref<2x256x64xf32, #tpu.memory_space<vmem>> -> memref<1x256x64xf32, #tpu.memory_space<vmem>>
      %dma_wait3A_377 = tpu.memref_squeeze %dma_wait3A_376 : memref<1x256x64xf32, #tpu.memory_space<vmem>> -> memref<256x64xf32, #tpu.memory_space<vmem>>
      %dma_wait3A_378 = arith.constant 0 : i32
      %dma_wait3A_379 = arith.constant 0 : i32
      %dma_wait3A_380 = tpu.memref_slice %arg2[%arg0, %dma_wait3A_378, %dma_wait3A_379] : memref<2x10240x64xf32, #tpu.memory_space<hbm>> -> memref<1x256x64xf32, #tpu.memory_space<hbm>>
      %dma_wait3A_381 = tpu.memref_squeeze %dma_wait3A_380 : memref<1x256x64xf32, #tpu.memory_space<hbm>> -> memref<256x64xf32, #tpu.memory_space<hbm>>
      %dma_wait3A_382 = arith.constant 0 : i32
      %dma_wait3A_383 = arith.constant 0 : i32
      %dma_wait3A_384 = tpu.memref_slice %arg8[%dma_wait3A_373, %dma_wait3A_382, %dma_wait3A_383] : memref<2x256x64xf32, #tpu.memory_space<vmem>> -> memref<1x256x64xf32, #tpu.memory_space<vmem>>
      %dma_wait3A_385 = tpu.memref_squeeze %dma_wait3A_384 : memref<1x256x64xf32, #tpu.memory_space<vmem>> -> memref<256x64xf32, #tpu.memory_space<vmem>>
      %dma_wait3A_386 = arith.constant 0 : i32
      %dma_wait3A_387 = arith.constant 0 : i32
      %dma_wait3A_388 = tpu.memref_slice %arg2[%arg0, %dma_wait3A_386, %dma_wait3A_387] : memref<2x10240x64xf32, #tpu.memory_space<hbm>> -> memref<1x256x64xf32, #tpu.memory_space<hbm>>
      %dma_wait3A_389 = tpu.memref_squeeze %dma_wait3A_388 : memref<1x256x64xf32, #tpu.memory_space<hbm>> -> memref<256x64xf32, #tpu.memory_space<hbm>>
      tpu.wait_dma2 semaphore(%arg12 : memref<!tpu.dma_semaphore, #tpu.memory_space<semaphore_mem>>) src(%dma_wait3A_389 : memref<256x64xf32, #tpu.memory_space<hbm>>) dst(%dma_wait3A_385 : memref<256x64xf32, #tpu.memory_space<vmem>>)
      %rem3A_390 = arith.constant 16 : i32
      %rem3A_391 = arith.remsi %add3A_372, %rem3A_390 : i32
      %run_scoped3A_392 = arith.constant 1 : i32
      "tpu.region"() ({
        %run_scoped3A_429 = tpu.sem_alloc : memref<!tpu.dma_semaphore, #tpu.memory_space<semaphore_mem>>
        %dma_start3A_430 = arith.constant 0 : i32
        %dma_start3A_431 = arith.constant 0 : i32
        %dma_start3A_432 = tpu.memref_slice %arg8[%run_scoped3A_392, %dma_start3A_430, %dma_start3A_431] : memref<2x256x64xf32, #tpu.memory_space<vmem>> -> memref<1x256x64xf32, #tpu.memory_space<vmem>>
        %dma_start3A_433 = tpu.memref_squeeze %dma_start3A_432 : memref<1x256x64xf32, #tpu.memory_space<vmem>> -> memref<256x64xf32, #tpu.memory_space<vmem>>
        %dma_start3A_434 = arith.constant 0 : i32
        %dma_start3A_435 = tpu.memref_slice %arg7[%rem3A_391, %dma_start3A_434] : memref<16x256xi32, #tpu.memory_space<vmem>> -> memref<1x256xi32, #tpu.memory_space<vmem>>
        %dma_start3A_436 = tpu.memref_squeeze %dma_start3A_435 : memref<1x256xi32, #tpu.memory_space<vmem>> -> memref<256xi32, #tpu.memory_space<vmem>>
        %dma_start3A_437 = arith.constant 0 : i32
        %dma_start3A_438 = arith.constant 0 : i32
        %dma_start3A_439 = tpu.memref_slice %arg10[%dma_start3A_437, %dma_start3A_438] : memref<10240x64xf32, #tpu.memory_space<vmem_shared>> -> memref<10240x64xf32, #tpu.memory_space<vmem_shared>>
        tpu.enqueue_indirect_dma source(%dma_start3A_433 : memref<256x64xf32, #tpu.memory_space<vmem>>) target(%dma_start3A_439 : memref<10240x64xf32, #tpu.memory_space<vmem_shared>>) offsets(%dma_start3A_436 : memref<256xi32, #tpu.memory_space<vmem>>) semaphore(%run_scoped3A_429 : memref<!tpu.dma_semaphore, #tpu.memory_space<semaphore_mem>>) {add = true}
        %dma_wait3A_440 = arith.constant 0 : i32
        %dma_wait3A_441 = arith.constant 0 : i32
        %dma_wait3A_442 = tpu.memref_slice %arg8[%run_scoped3A_392, %dma_wait3A_440, %dma_wait3A_441] : memref<2x256x64xf32, #tpu.memory_space<vmem>> -> memref<1x256x64xf32, #tpu.memory_space<vmem>>
        %dma_wait3A_443 = tpu.memref_squeeze %dma_wait3A_442 : memref<1x256x64xf32, #tpu.memory_space<vmem>> -> memref<256x64xf32, #tpu.memory_space<vmem>>
        %dma_wait3A_444 = arith.constant 0 : i32
        %dma_wait3A_445 = tpu.memref_slice %arg7[%rem3A_391, %dma_wait3A_444] : memref<16x256xi32, #tpu.memory_space<vmem>> -> memref<1x256xi32, #tpu.memory_space<vmem>>
        %dma_wait3A_446 = tpu.memref_squeeze %dma_wait3A_445 : memref<1x256xi32, #tpu.memory_space<vmem>> -> memref<256xi32, #tpu.memory_space<vmem>>
        %dma_wait3A_447 = arith.constant 0 : i32
        %dma_wait3A_448 = arith.constant 0 : i32
        %dma_wait3A_449 = tpu.memref_slice %arg10[%dma_wait3A_447, %dma_wait3A_448] : memref<10240x64xf32, #tpu.memory_space<vmem_shared>> -> memref<10240x64xf32, #tpu.memory_space<vmem_shared>>
        tpu.wait_indirect_dma semaphore(%run_scoped3A_429 : memref<!tpu.dma_semaphore, #tpu.memory_space<semaphore_mem>>) src(%dma_wait3A_443 : memref<256x64xf32, #tpu.memory_space<vmem>>) dst(%dma_wait3A_449 : memref<10240x64xf32, #tpu.memory_space<vmem_shared>>)
        tpu.yield
      }) : () -> ()
      %add3A_393 = arith.constant 2 : i32
      %add3A_394 = arith.addi %add3A_372, %add3A_393 : i32
      %ge3A_395 = arith.constant 80 : i32
      %ge3A_396 = arith.cmpi sge, %add3A_394, %ge3A_395 : i32
      %sub3A_397 = arith.constant 80 : i32
      %sub3A_398 = arith.subi %add3A_394, %sub3A_397 : i32
      %select_n3A_399 = arith.select %ge3A_396, %sub3A_398, %add3A_394 : i32
      %rem3A_400 = arith.constant 16 : i32
      %rem3A_401 = arith.remsi %select_n3A_399, %rem3A_400 : i32
      %dma_start3A_402 = arith.constant 1 : i32
      %dma_start3A_403 = arith.constant 0 : i32
      %dma_start3A_404 = arith.constant 0 : i32
      %dma_start3A_405 = tpu.memref_slice %arg8[%dma_start3A_402, %dma_start3A_403, %dma_start3A_404] : memref<2x256x64xf32, #tpu.memory_space<vmem>> -> memref<1x256x64xf32, #tpu.memory_space<vmem>>
      %dma_start3A_406 = tpu.memref_squeeze %dma_start3A_405 : memref<1x256x64xf32, #tpu.memory_space<vmem>> -> memref<256x64xf32, #tpu.memory_space<vmem>>
      %dma_start3A_407 = arith.constant 0 : i32
      %dma_start3A_408 = tpu.memref_slice %arg6[%rem3A_401, %dma_start3A_407] : memref<16x256xi32, #tpu.memory_space<vmem>> -> memref<1x256xi32, #tpu.memory_space<vmem>>
      %dma_start3A_409 = tpu.memref_squeeze %dma_start3A_408 : memref<1x256xi32, #tpu.memory_space<vmem>> -> memref<256xi32, #tpu.memory_space<vmem>>
      %dma_start3A_410 = arith.constant 0 : i32
      %dma_start3A_411 = arith.constant 0 : i32
      %dma_start3A_412 = tpu.memref_slice %arg9[%dma_start3A_410, %dma_start3A_411] : memref<10240x64xf32, #tpu.memory_space<vmem_shared>> -> memref<10240x64xf32, #tpu.memory_space<vmem_shared>>
      tpu.enqueue_indirect_dma source(%dma_start3A_412 : memref<10240x64xf32, #tpu.memory_space<vmem_shared>>) target(%dma_start3A_406 : memref<256x64xf32, #tpu.memory_space<vmem>>) offsets(%dma_start3A_409 : memref<256xi32, #tpu.memory_space<vmem>>) semaphore(%arg12 : memref<!tpu.dma_semaphore, #tpu.memory_space<semaphore_mem>>)
      %add3A_413 = arith.constant 2 : i32
      %add3A_414 = arith.addi %scan3A_65, %add3A_413 : i32
      %rem3A_415 = arith.constant 10 : i32
      %rem3A_416 = arith.remsi %add3A_414, %rem3A_415 : i32
      %mul3A_417 = arith.constant 8 : i32
      %mul3A_418 = arith.muli %rem3A_416, %mul3A_417 : i32
      %rem3A_419 = arith.constant 2 : i32
      %rem3A_420 = arith.remsi %scan3A_65, %rem3A_419 : i32
      %mul3A_421 = arith.constant 8 : i32
      %mul3A_422 = arith.muli %rem3A_420, %mul3A_421 : i32
      "tpu.region"() ({
        %run_scoped3A_429 = tpu.sem_alloc : memref<!tpu.dma_semaphore, #tpu.memory_space<semaphore_mem>>
        %dma_start3A_430 = arith.constant 0 : i32
        %dma_start3A_431 = tpu.memref_slice %arg6[%mul3A_422, %dma_start3A_430] : memref<16x256xi32, #tpu.memory_space<vmem>> -> memref<8x256xi32, #tpu.memory_space<vmem>>
        %dma_start3A_432 = arith.constant 0 : i32
        %dma_start3A_433 = tpu.memref_slice %arg3[%arg1, %mul3A_418, %dma_start3A_432] : memref<16x80x256xi32, #tpu.memory_space<hbm>> -> memref<1x8x256xi32, #tpu.memory_space<hbm>>
        %dma_start3A_434 = tpu.memref_squeeze %dma_start3A_433 : memref<1x8x256xi32, #tpu.memory_space<hbm>> -> memref<8x256xi32, #tpu.memory_space<hbm>>
        %dma_start3A_435 = arith.constant 0 : i32
        %dma_start3A_436 = tpu.memref_slice %arg6[%mul3A_422, %dma_start3A_435] : memref<16x256xi32, #tpu.memory_space<vmem>> -> memref<8x256xi32, #tpu.memory_space<vmem>>
        %dma_start3A_437 = arith.constant 0 : i32
        %dma_start3A_438 = tpu.memref_slice %arg3[%arg1, %mul3A_418, %dma_start3A_437] : memref<16x80x256xi32, #tpu.memory_space<hbm>> -> memref<1x8x256xi32, #tpu.memory_space<hbm>>
        %dma_start3A_439 = tpu.memref_squeeze %dma_start3A_438 : memref<1x8x256xi32, #tpu.memory_space<hbm>> -> memref<8x256xi32, #tpu.memory_space<hbm>>
        tpu.enqueue_dma source(%dma_start3A_439 : memref<8x256xi32, #tpu.memory_space<hbm>>) target(%dma_start3A_436 : memref<8x256xi32, #tpu.memory_space<vmem>>) target_semaphore(%run_scoped3A_429 : memref<!tpu.dma_semaphore, #tpu.memory_space<semaphore_mem>>)
        %dma_wait3A_440 = arith.constant 0 : i32
        %dma_wait3A_441 = tpu.memref_slice %arg6[%mul3A_422, %dma_wait3A_440] : memref<16x256xi32, #tpu.memory_space<vmem>> -> memref<8x256xi32, #tpu.memory_space<vmem>>
        %dma_wait3A_442 = arith.constant 0 : i32
        %dma_wait3A_443 = tpu.memref_slice %arg3[%arg1, %mul3A_418, %dma_wait3A_442] : memref<16x80x256xi32, #tpu.memory_space<hbm>> -> memref<1x8x256xi32, #tpu.memory_space<hbm>>
        %dma_wait3A_444 = tpu.memref_squeeze %dma_wait3A_443 : memref<1x8x256xi32, #tpu.memory_space<hbm>> -> memref<8x256xi32, #tpu.memory_space<hbm>>
        %dma_wait3A_445 = arith.constant 0 : i32
        %dma_wait3A_446 = tpu.memref_slice %arg6[%mul3A_422, %dma_wait3A_445] : memref<16x256xi32, #tpu.memory_space<vmem>> -> memref<8x256xi32, #tpu.memory_space<vmem>>
        %dma_wait3A_447 = arith.constant 0 : i32
        %dma_wait3A_448 = tpu.memref_slice %arg3[%arg1, %mul3A_418, %dma_wait3A_447] : memref<16x80x256xi32, #tpu.memory_space<hbm>> -> memref<1x8x256xi32, #tpu.memory_space<hbm>>
        %dma_wait3A_449 = tpu.memref_squeeze %dma_wait3A_448 : memref<1x8x256xi32, #tpu.memory_space<hbm>> -> memref<8x256xi32, #tpu.memory_space<hbm>>
        tpu.wait_dma2 semaphore(%run_scoped3A_429 : memref<!tpu.dma_semaphore, #tpu.memory_space<semaphore_mem>>) src(%dma_wait3A_449 : memref<8x256xi32, #tpu.memory_space<hbm>>) dst(%dma_wait3A_446 : memref<8x256xi32, #tpu.memory_space<vmem>>)
        tpu.yield
      }) : () -> ()
      %mul3A_423 = arith.constant 8 : i32
      %mul3A_424 = arith.muli %rem3A_416, %mul3A_423 : i32
      %rem3A_425 = arith.constant 2 : i32
      %rem3A_426 = arith.remsi %scan3A_65, %rem3A_425 : i32
      %mul3A_427 = arith.constant 8 : i32
      %mul3A_428 = arith.muli %rem3A_426, %mul3A_427 : i32
      "tpu.region"() ({
        %run_scoped3A_429 = tpu.sem_alloc : memref<!tpu.dma_semaphore, #tpu.memory_space<semaphore_mem>>
        %dma_start3A_430 = arith.constant 0 : i32
        %dma_start3A_431 = tpu.memref_slice %arg7[%mul3A_428, %dma_start3A_430] : memref<16x256xi32, #tpu.memory_space<vmem>> -> memref<8x256xi32, #tpu.memory_space<vmem>>
        %dma_start3A_432 = arith.constant 0 : i32
        %dma_start3A_433 = tpu.memref_slice %arg4[%arg1, %mul3A_424, %dma_start3A_432] : memref<16x80x256xi32, #tpu.memory_space<hbm>> -> memref<1x8x256xi32, #tpu.memory_space<hbm>>
        %dma_start3A_434 = tpu.memref_squeeze %dma_start3A_433 : memref<1x8x256xi32, #tpu.memory_space<hbm>> -> memref<8x256xi32, #tpu.memory_space<hbm>>
        %dma_start3A_435 = arith.constant 0 : i32
        %dma_start3A_436 = tpu.memref_slice %arg7[%mul3A_428, %dma_start3A_435] : memref<16x256xi32, #tpu.memory_space<vmem>> -> memref<8x256xi32, #tpu.memory_space<vmem>>
        %dma_start3A_437 = arith.constant 0 : i32
        %dma_start3A_438 = tpu.memref_slice %arg4[%arg1, %mul3A_424, %dma_start3A_437] : memref<16x80x256xi32, #tpu.memory_space<hbm>> -> memref<1x8x256xi32, #tpu.memory_space<hbm>>
        %dma_start3A_439 = tpu.memref_squeeze %dma_start3A_438 : memref<1x8x256xi32, #tpu.memory_space<hbm>> -> memref<8x256xi32, #tpu.memory_space<hbm>>
        tpu.enqueue_dma source(%dma_start3A_439 : memref<8x256xi32, #tpu.memory_space<hbm>>) target(%dma_start3A_436 : memref<8x256xi32, #tpu.memory_space<vmem>>) target_semaphore(%run_scoped3A_429 : memref<!tpu.dma_semaphore, #tpu.memory_space<semaphore_mem>>)
        %dma_wait3A_440 = arith.constant 0 : i32
        %dma_wait3A_441 = tpu.memref_slice %arg7[%mul3A_428, %dma_wait3A_440] : memref<16x256xi32, #tpu.memory_space<vmem>> -> memref<8x256xi32, #tpu.memory_space<vmem>>
        %dma_wait3A_442 = arith.constant 0 : i32
        %dma_wait3A_443 = tpu.memref_slice %arg4[%arg1, %mul3A_424, %dma_wait3A_442] : memref<16x80x256xi32, #tpu.memory_space<hbm>> -> memref<1x8x256xi32, #tpu.memory_space<hbm>>
        %dma_wait3A_444 = tpu.memref_squeeze %dma_wait3A_443 : memref<1x8x256xi32, #tpu.memory_space<hbm>> -> memref<8x256xi32, #tpu.memory_space<hbm>>
        %dma_wait3A_445 = arith.constant 0 : i32
        %dma_wait3A_446 = tpu.memref_slice %arg7[%mul3A_428, %dma_wait3A_445] : memref<16x256xi32, #tpu.memory_space<vmem>> -> memref<8x256xi32, #tpu.memory_space<vmem>>
        %dma_wait3A_447 = arith.constant 0 : i32
        %dma_wait3A_448 = tpu.memref_slice %arg4[%arg1, %mul3A_424, %dma_wait3A_447] : memref<16x80x256xi32, #tpu.memory_space<hbm>> -> memref<1x8x256xi32, #tpu.memory_space<hbm>>
        %dma_wait3A_449 = tpu.memref_squeeze %dma_wait3A_448 : memref<1x8x256xi32, #tpu.memory_space<hbm>> -> memref<8x256xi32, #tpu.memory_space<hbm>>
        tpu.wait_dma2 semaphore(%run_scoped3A_429 : memref<!tpu.dma_semaphore, #tpu.memory_space<semaphore_mem>>) src(%dma_wait3A_449 : memref<8x256xi32, #tpu.memory_space<hbm>>) dst(%dma_wait3A_446 : memref<8x256xi32, #tpu.memory_space<vmem>>)
        tpu.yield
      }) : () -> ()
    }
    %scan3A_30 = arith.constant 10 : i32
    %dma_wait3A = arith.constant 0 : i32
    %dma_wait3A_31 = arith.constant 0 : i32
    %dma_wait3A_32 = arith.constant 0 : i32
    %dma_wait3A_33 = tpu.memref_slice %arg8[%dma_wait3A, %dma_wait3A_31, %dma_wait3A_32] : memref<2x256x64xf32, #tpu.memory_space<vmem>> -> memref<1x256x64xf32, #tpu.memory_space<vmem>>
    %dma_wait3A_34 = tpu.memref_squeeze %dma_wait3A_33 : memref<1x256x64xf32, #tpu.memory_space<vmem>> -> memref<256x64xf32, #tpu.memory_space<vmem>>
    %dma_wait3A_35 = arith.constant 0 : i32
    %dma_wait3A_36 = arith.constant 0 : i32
    %dma_wait3A_37 = tpu.memref_slice %arg2[%arg0, %dma_wait3A_35, %dma_wait3A_36] : memref<2x10240x64xf32, #tpu.memory_space<hbm>> -> memref<1x256x64xf32, #tpu.memory_space<hbm>>
    %dma_wait3A_38 = tpu.memref_squeeze %dma_wait3A_37 : memref<1x256x64xf32, #tpu.memory_space<hbm>> -> memref<256x64xf32, #tpu.memory_space<hbm>>
    %dma_wait3A_39 = arith.constant 0 : i32
    %dma_wait3A_40 = arith.constant 0 : i32
    %dma_wait3A_41 = tpu.memref_slice %arg8[%dma_wait3A, %dma_wait3A_39, %dma_wait3A_40] : memref<2x256x64xf32, #tpu.memory_space<vmem>> -> memref<1x256x64xf32, #tpu.memory_space<vmem>>
    %dma_wait3A_42 = tpu.memref_squeeze %dma_wait3A_41 : memref<1x256x64xf32, #tpu.memory_space<vmem>> -> memref<256x64xf32, #tpu.memory_space<vmem>>
    %dma_wait3A_43 = arith.constant 0 : i32
    %dma_wait3A_44 = arith.constant 0 : i32
    %dma_wait3A_45 = tpu.memref_slice %arg2[%arg0, %dma_wait3A_43, %dma_wait3A_44] : memref<2x10240x64xf32, #tpu.memory_space<hbm>> -> memref<1x256x64xf32, #tpu.memory_space<hbm>>
    %dma_wait3A_46 = tpu.memref_squeeze %dma_wait3A_45 : memref<1x256x64xf32, #tpu.memory_space<hbm>> -> memref<256x64xf32, #tpu.memory_space<hbm>>
    tpu.wait_dma2 semaphore(%arg11 : memref<!tpu.dma_semaphore, #tpu.memory_space<semaphore_mem>>) src(%dma_wait3A_46 : memref<256x64xf32, #tpu.memory_space<hbm>>) dst(%dma_wait3A_42 : memref<256x64xf32, #tpu.memory_space<vmem>>)
    %dma_wait3A_47 = arith.constant 1 : i32
    %dma_wait3A_48 = arith.constant 0 : i32
    %dma_wait3A_49 = arith.constant 0 : i32
    %dma_wait3A_50 = tpu.memref_slice %arg8[%dma_wait3A_47, %dma_wait3A_48, %dma_wait3A_49] : memref<2x256x64xf32, #tpu.memory_space<vmem>> -> memref<1x256x64xf32, #tpu.memory_space<vmem>>
    %dma_wait3A_51 = tpu.memref_squeeze %dma_wait3A_50 : memref<1x256x64xf32, #tpu.memory_space<vmem>> -> memref<256x64xf32, #tpu.memory_space<vmem>>
    %dma_wait3A_52 = arith.constant 0 : i32
    %dma_wait3A_53 = arith.constant 0 : i32
    %dma_wait3A_54 = tpu.memref_slice %arg2[%arg0, %dma_wait3A_52, %dma_wait3A_53] : memref<2x10240x64xf32, #tpu.memory_space<hbm>> -> memref<1x256x64xf32, #tpu.memory_space<hbm>>
    %dma_wait3A_55 = tpu.memref_squeeze %dma_wait3A_54 : memref<1x256x64xf32, #tpu.memory_space<hbm>> -> memref<256x64xf32, #tpu.memory_space<hbm>>
    %dma_wait3A_56 = arith.constant 0 : i32
    %dma_wait3A_57 = arith.constant 0 : i32
    %dma_wait3A_58 = tpu.memref_slice %arg8[%dma_wait3A_47, %dma_wait3A_56, %dma_wait3A_57] : memref<2x256x64xf32, #tpu.memory_space<vmem>> -> memref<1x256x64xf32, #tpu.memory_space<vmem>>
    %dma_wait3A_59 = tpu.memref_squeeze %dma_wait3A_58 : memref<1x256x64xf32, #tpu.memory_space<vmem>> -> memref<256x64xf32, #tpu.memory_space<vmem>>
    %dma_wait3A_60 = arith.constant 0 : i32
    %dma_wait3A_61 = arith.constant 0 : i32
    %dma_wait3A_62 = tpu.memref_slice %arg2[%arg0, %dma_wait3A_60, %dma_wait3A_61] : memref<2x10240x64xf32, #tpu.memory_space<hbm>> -> memref<1x256x64xf32, #tpu.memory_space<hbm>>
    %dma_wait3A_63 = tpu.memref_squeeze %dma_wait3A_62 : memref<1x256x64xf32, #tpu.memory_space<hbm>> -> memref<256x64xf32, #tpu.memory_space<hbm>>
    tpu.wait_dma2 semaphore(%arg12 : memref<!tpu.dma_semaphore, #tpu.memory_space<semaphore_mem>>) src(%dma_wait3A_63 : memref<256x64xf32, #tpu.memory_space<hbm>>) dst(%dma_wait3A_59 : memref<256x64xf32, #tpu.memory_space<vmem>>)
    %barrier3A_64 = arith.constant 0 : index
    tpu.barrier barrier_id(%barrier3A_64)
    "tpu.region"() ({
      %run_scoped3A = tpu.sem_alloc : memref<!tpu.dma_semaphore, #tpu.memory_space<semaphore_mem>>
      %dma_start3A_65 = arith.constant 0 : i32
      %dma_start3A_66 = tpu.memref_slice %arg5[%arg0, %mul3A_0, %dma_start3A_65] : memref<2x10240x64xf32, #tpu.memory_space<hbm>> -> memref<1x640x64xf32, #tpu.memory_space<hbm>>
      %dma_start3A_67 = tpu.memref_squeeze %dma_start3A_66 : memref<1x640x64xf32, #tpu.memory_space<hbm>> -> memref<640x64xf32, #tpu.memory_space<hbm>>
      %dma_start3A_68 = arith.constant 0 : i32
      %dma_start3A_69 = tpu.memref_slice %arg10[%mul3A_0, %dma_start3A_68] : memref<10240x64xf32, #tpu.memory_space<vmem_shared>> -> memref<640x64xf32, #tpu.memory_space<vmem_shared>>
      tpu.enqueue_dma source(%dma_start3A_69 : memref<640x64xf32, #tpu.memory_space<vmem_shared>>) target(%dma_start3A_67 : memref<640x64xf32, #tpu.memory_space<hbm>>) target_semaphore(%run_scoped3A : memref<!tpu.dma_semaphore, #tpu.memory_space<semaphore_mem>>)
      %dma_wait3A_70 = arith.constant 0 : i32
      %dma_wait3A_71 = tpu.memref_slice %arg5[%arg0, %mul3A_0, %dma_wait3A_70] : memref<2x10240x64xf32, #tpu.memory_space<hbm>> -> memref<1x640x64xf32, #tpu.memory_space<hbm>>
      %dma_wait3A_72 = tpu.memref_squeeze %dma_wait3A_71 : memref<1x640x64xf32, #tpu.memory_space<hbm>> -> memref<640x64xf32, #tpu.memory_space<hbm>>
      %dma_wait3A_73 = arith.constant 0 : i32
      %dma_wait3A_74 = tpu.memref_slice %arg10[%mul3A_0, %dma_wait3A_73] : memref<10240x64xf32, #tpu.memory_space<vmem_shared>> -> memref<640x64xf32, #tpu.memory_space<vmem_shared>>
      tpu.wait_dma2 semaphore(%run_scoped3A : memref<!tpu.dma_semaphore, #tpu.memory_space<semaphore_mem>>) src(%dma_wait3A_74 : memref<640x64xf32, #tpu.memory_space<vmem_shared>>) dst(%dma_wait3A_72 : memref<640x64xf32, #tpu.memory_space<hbm>>)
      tpu.yield
    }) : () -> ()
    return
  }
}

#map = affine_map<(d0, d1) -> (0, 0)>
#map1 = affine_map<(d0, d1) -> (0, 0, 0)>
module attributes {stable_mosaic.version = 14 : i64} {
  func.func @seg_kernel(%arg0: i32, %arg1: i32, %arg2: memref<10240x16xf32, #tpu.memory_space<hbm>>, %arg3: memref<32x10x1024xi32, #tpu.memory_space<hbm>>, %arg4: memref<32x10x1024xi32, #tpu.memory_space<hbm>>, %arg5: memref<2x10240x16xf32, #tpu.memory_space<hbm>>, %arg6: memref<10x1024xi32, #tpu.memory_space<vmem>>, %arg7: memref<10x1024xi32, #tpu.memory_space<vmem>>, %arg8: memref<2x1024x16xf32, #tpu.memory_space<vmem>>, %arg9: memref<10240x16xf32, #tpu.memory_space<vmem_shared>>, %arg10: memref<10240x16xf32, #tpu.memory_space<vmem_shared>>, %arg11: memref<!tpu.dma_semaphore, #tpu.memory_space<semaphore_mem>>, %arg12: memref<!tpu.dma_semaphore, #tpu.memory_space<semaphore_mem>>) attributes {dimension_semantics = [#tpu.dimension_semantics<core_parallel>, #tpu.dimension_semantics<subcore_parallel>], iteration_bounds = array<i64: 2, 16>, scalar_prefetch = 0 : i64, scratch_operands = 7 : i64, tpu.core_type = #tpu.core_type<sc_vector_subcore>, window_params = [{transform_indices = #map}, {transform_indices = #map1}, {transform_indices = #map1}, {transform_indices = #map1}]} {
    %mul3A = arith.constant 16 : i32
    %mul3A_0 = arith.muli %arg0, %mul3A : i32
    %add3A = arith.addi %mul3A_0, %arg1 : i32
    "tpu.region"() ({
      %run_scoped3A = tpu.sem_alloc : memref<!tpu.dma_semaphore, #tpu.memory_space<semaphore_mem>>
      %dma_start3A_64 = arith.constant 0 : i32
      %dma_start3A_65 = arith.constant 0 : i32
      %dma_start3A_66 = tpu.memref_slice %arg3[%add3A, %dma_start3A_64, %dma_start3A_65] : memref<32x10x1024xi32, #tpu.memory_space<hbm>> -> memref<1x10x1024xi32, #tpu.memory_space<hbm>>
      %dma_start3A_67 = tpu.memref_squeeze %dma_start3A_66 : memref<1x10x1024xi32, #tpu.memory_space<hbm>> -> memref<10x1024xi32, #tpu.memory_space<hbm>>
      %dma_start3A_68 = arith.constant 0 : i32
      %dma_start3A_69 = arith.constant 0 : i32
      %dma_start3A_70 = tpu.memref_slice %arg3[%add3A, %dma_start3A_68, %dma_start3A_69] : memref<32x10x1024xi32, #tpu.memory_space<hbm>> -> memref<1x10x1024xi32, #tpu.memory_space<hbm>>
      %dma_start3A_71 = tpu.memref_squeeze %dma_start3A_70 : memref<1x10x1024xi32, #tpu.memory_space<hbm>> -> memref<10x1024xi32, #tpu.memory_space<hbm>>
      tpu.enqueue_dma source(%dma_start3A_71 : memref<10x1024xi32, #tpu.memory_space<hbm>>) target(%arg6 : memref<10x1024xi32, #tpu.memory_space<vmem>>) target_semaphore(%run_scoped3A : memref<!tpu.dma_semaphore, #tpu.memory_space<semaphore_mem>>)
      %dma_wait3A_72 = arith.constant 0 : i32
      %dma_wait3A_73 = arith.constant 0 : i32
      %dma_wait3A_74 = tpu.memref_slice %arg3[%add3A, %dma_wait3A_72, %dma_wait3A_73] : memref<32x10x1024xi32, #tpu.memory_space<hbm>> -> memref<1x10x1024xi32, #tpu.memory_space<hbm>>
      %dma_wait3A_75 = tpu.memref_squeeze %dma_wait3A_74 : memref<1x10x1024xi32, #tpu.memory_space<hbm>> -> memref<10x1024xi32, #tpu.memory_space<hbm>>
      %dma_wait3A_76 = arith.constant 0 : i32
      %dma_wait3A_77 = arith.constant 0 : i32
      %dma_wait3A_78 = tpu.memref_slice %arg3[%add3A, %dma_wait3A_76, %dma_wait3A_77] : memref<32x10x1024xi32, #tpu.memory_space<hbm>> -> memref<1x10x1024xi32, #tpu.memory_space<hbm>>
      %dma_wait3A_79 = tpu.memref_squeeze %dma_wait3A_78 : memref<1x10x1024xi32, #tpu.memory_space<hbm>> -> memref<10x1024xi32, #tpu.memory_space<hbm>>
      tpu.wait_dma2 semaphore(%run_scoped3A : memref<!tpu.dma_semaphore, #tpu.memory_space<semaphore_mem>>) src(%dma_wait3A_79 : memref<10x1024xi32, #tpu.memory_space<hbm>>) dst(%arg6 : memref<10x1024xi32, #tpu.memory_space<vmem>>)
      tpu.yield
    }) : () -> ()
    "tpu.region"() ({
      %run_scoped3A = tpu.sem_alloc : memref<!tpu.dma_semaphore, #tpu.memory_space<semaphore_mem>>
      %dma_start3A_64 = arith.constant 0 : i32
      %dma_start3A_65 = arith.constant 0 : i32
      %dma_start3A_66 = tpu.memref_slice %arg4[%add3A, %dma_start3A_64, %dma_start3A_65] : memref<32x10x1024xi32, #tpu.memory_space<hbm>> -> memref<1x10x1024xi32, #tpu.memory_space<hbm>>
      %dma_start3A_67 = tpu.memref_squeeze %dma_start3A_66 : memref<1x10x1024xi32, #tpu.memory_space<hbm>> -> memref<10x1024xi32, #tpu.memory_space<hbm>>
      %dma_start3A_68 = arith.constant 0 : i32
      %dma_start3A_69 = arith.constant 0 : i32
      %dma_start3A_70 = tpu.memref_slice %arg4[%add3A, %dma_start3A_68, %dma_start3A_69] : memref<32x10x1024xi32, #tpu.memory_space<hbm>> -> memref<1x10x1024xi32, #tpu.memory_space<hbm>>
      %dma_start3A_71 = tpu.memref_squeeze %dma_start3A_70 : memref<1x10x1024xi32, #tpu.memory_space<hbm>> -> memref<10x1024xi32, #tpu.memory_space<hbm>>
      tpu.enqueue_dma source(%dma_start3A_71 : memref<10x1024xi32, #tpu.memory_space<hbm>>) target(%arg7 : memref<10x1024xi32, #tpu.memory_space<vmem>>) target_semaphore(%run_scoped3A : memref<!tpu.dma_semaphore, #tpu.memory_space<semaphore_mem>>)
      %dma_wait3A_72 = arith.constant 0 : i32
      %dma_wait3A_73 = arith.constant 0 : i32
      %dma_wait3A_74 = tpu.memref_slice %arg4[%add3A, %dma_wait3A_72, %dma_wait3A_73] : memref<32x10x1024xi32, #tpu.memory_space<hbm>> -> memref<1x10x1024xi32, #tpu.memory_space<hbm>>
      %dma_wait3A_75 = tpu.memref_squeeze %dma_wait3A_74 : memref<1x10x1024xi32, #tpu.memory_space<hbm>> -> memref<10x1024xi32, #tpu.memory_space<hbm>>
      %dma_wait3A_76 = arith.constant 0 : i32
      %dma_wait3A_77 = arith.constant 0 : i32
      %dma_wait3A_78 = tpu.memref_slice %arg4[%add3A, %dma_wait3A_76, %dma_wait3A_77] : memref<32x10x1024xi32, #tpu.memory_space<hbm>> -> memref<1x10x1024xi32, #tpu.memory_space<hbm>>
      %dma_wait3A_79 = tpu.memref_squeeze %dma_wait3A_78 : memref<1x10x1024xi32, #tpu.memory_space<hbm>> -> memref<10x1024xi32, #tpu.memory_space<hbm>>
      tpu.wait_dma2 semaphore(%run_scoped3A : memref<!tpu.dma_semaphore, #tpu.memory_space<semaphore_mem>>) src(%dma_wait3A_79 : memref<10x1024xi32, #tpu.memory_space<hbm>>) dst(%arg7 : memref<10x1024xi32, #tpu.memory_space<vmem>>)
      tpu.yield
    }) : () -> ()
    %mul3A_1 = arith.constant 640 : i32
    %mul3A_2 = arith.muli %arg1, %mul3A_1 : i32
    "tpu.region"() ({
      %run_scoped3A = tpu.sem_alloc : memref<!tpu.dma_semaphore, #tpu.memory_space<semaphore_mem>>
      %dma_start3A_64 = arith.constant 0 : i32
      %dma_start3A_65 = tpu.memref_slice %arg9[%mul3A_2, %dma_start3A_64] : memref<10240x16xf32, #tpu.memory_space<vmem_shared>> -> memref<640x16xf32, #tpu.memory_space<vmem_shared>>
      %dma_start3A_66 = arith.constant 0 : i32
      %dma_start3A_67 = tpu.memref_slice %arg2[%mul3A_2, %dma_start3A_66] : memref<10240x16xf32, #tpu.memory_space<hbm>> -> memref<640x16xf32, #tpu.memory_space<hbm>>
      tpu.enqueue_dma source(%dma_start3A_67 : memref<640x16xf32, #tpu.memory_space<hbm>>) target(%dma_start3A_65 : memref<640x16xf32, #tpu.memory_space<vmem_shared>>) target_semaphore(%run_scoped3A : memref<!tpu.dma_semaphore, #tpu.memory_space<semaphore_mem>>)
      %dma_wait3A_68 = arith.constant 0 : i32
      %dma_wait3A_69 = tpu.memref_slice %arg9[%mul3A_2, %dma_wait3A_68] : memref<10240x16xf32, #tpu.memory_space<vmem_shared>> -> memref<640x16xf32, #tpu.memory_space<vmem_shared>>
      %dma_wait3A_70 = arith.constant 0 : i32
      %dma_wait3A_71 = tpu.memref_slice %arg2[%mul3A_2, %dma_wait3A_70] : memref<10240x16xf32, #tpu.memory_space<hbm>> -> memref<640x16xf32, #tpu.memory_space<hbm>>
      tpu.wait_dma2 semaphore(%run_scoped3A : memref<!tpu.dma_semaphore, #tpu.memory_space<semaphore_mem>>) src(%dma_wait3A_71 : memref<640x16xf32, #tpu.memory_space<hbm>>) dst(%dma_wait3A_69 : memref<640x16xf32, #tpu.memory_space<vmem_shared>>)
      tpu.yield
    }) : () -> ()
    "tpu.region"() ({
      %run_scoped3A = tpu.sem_alloc : memref<!tpu.dma_semaphore, #tpu.memory_space<semaphore_mem>>
      %dma_start3A_64 = arith.constant 0 : i32
      %dma_start3A_65 = tpu.memref_slice %arg10[%mul3A_2, %dma_start3A_64] : memref<10240x16xf32, #tpu.memory_space<vmem_shared>> -> memref<240x16xf32, #tpu.memory_space<vmem_shared>>
      %dma_start3A_66 = arith.constant 10000 : i32
      %dma_start3A_67 = arith.constant 0 : i32
      %dma_start3A_68 = tpu.memref_slice %arg2[%dma_start3A_66, %dma_start3A_67] : memref<10240x16xf32, #tpu.memory_space<hbm>> -> memref<240x16xf32, #tpu.memory_space<hbm>>
      tpu.enqueue_dma source(%dma_start3A_68 : memref<240x16xf32, #tpu.memory_space<hbm>>) target(%dma_start3A_65 : memref<240x16xf32, #tpu.memory_space<vmem_shared>>) target_semaphore(%run_scoped3A : memref<!tpu.dma_semaphore, #tpu.memory_space<semaphore_mem>>)
      %dma_wait3A_69 = arith.constant 0 : i32
      %dma_wait3A_70 = tpu.memref_slice %arg10[%mul3A_2, %dma_wait3A_69] : memref<10240x16xf32, #tpu.memory_space<vmem_shared>> -> memref<240x16xf32, #tpu.memory_space<vmem_shared>>
      %dma_wait3A_71 = arith.constant 10000 : i32
      %dma_wait3A_72 = arith.constant 0 : i32
      %dma_wait3A_73 = tpu.memref_slice %arg2[%dma_wait3A_71, %dma_wait3A_72] : memref<10240x16xf32, #tpu.memory_space<hbm>> -> memref<240x16xf32, #tpu.memory_space<hbm>>
      tpu.wait_dma2 semaphore(%run_scoped3A : memref<!tpu.dma_semaphore, #tpu.memory_space<semaphore_mem>>) src(%dma_wait3A_73 : memref<240x16xf32, #tpu.memory_space<hbm>>) dst(%dma_wait3A_70 : memref<240x16xf32, #tpu.memory_space<vmem_shared>>)
      tpu.yield
    }) : () -> ()
    %add3A_3 = arith.constant 240 : i32
    %add3A_4 = arith.addi %mul3A_2, %add3A_3 : i32
    "tpu.region"() ({
      %run_scoped3A = tpu.sem_alloc : memref<!tpu.dma_semaphore, #tpu.memory_space<semaphore_mem>>
      %dma_start3A_64 = arith.constant 0 : i32
      %dma_start3A_65 = tpu.memref_slice %arg10[%add3A_4, %dma_start3A_64] : memref<10240x16xf32, #tpu.memory_space<vmem_shared>> -> memref<240x16xf32, #tpu.memory_space<vmem_shared>>
      %dma_start3A_66 = arith.constant 10000 : i32
      %dma_start3A_67 = arith.constant 0 : i32
      %dma_start3A_68 = tpu.memref_slice %arg2[%dma_start3A_66, %dma_start3A_67] : memref<10240x16xf32, #tpu.memory_space<hbm>> -> memref<240x16xf32, #tpu.memory_space<hbm>>
      tpu.enqueue_dma source(%dma_start3A_68 : memref<240x16xf32, #tpu.memory_space<hbm>>) target(%dma_start3A_65 : memref<240x16xf32, #tpu.memory_space<vmem_shared>>) target_semaphore(%run_scoped3A : memref<!tpu.dma_semaphore, #tpu.memory_space<semaphore_mem>>)
      %dma_wait3A_69 = arith.constant 0 : i32
      %dma_wait3A_70 = tpu.memref_slice %arg10[%add3A_4, %dma_wait3A_69] : memref<10240x16xf32, #tpu.memory_space<vmem_shared>> -> memref<240x16xf32, #tpu.memory_space<vmem_shared>>
      %dma_wait3A_71 = arith.constant 10000 : i32
      %dma_wait3A_72 = arith.constant 0 : i32
      %dma_wait3A_73 = tpu.memref_slice %arg2[%dma_wait3A_71, %dma_wait3A_72] : memref<10240x16xf32, #tpu.memory_space<hbm>> -> memref<240x16xf32, #tpu.memory_space<hbm>>
      tpu.wait_dma2 semaphore(%run_scoped3A : memref<!tpu.dma_semaphore, #tpu.memory_space<semaphore_mem>>) src(%dma_wait3A_73 : memref<240x16xf32, #tpu.memory_space<hbm>>) dst(%dma_wait3A_70 : memref<240x16xf32, #tpu.memory_space<vmem_shared>>)
      tpu.yield
    }) : () -> ()
    %add3A_5 = arith.constant 480 : i32
    %add3A_6 = arith.addi %mul3A_2, %add3A_5 : i32
    "tpu.region"() ({
      %run_scoped3A = tpu.sem_alloc : memref<!tpu.dma_semaphore, #tpu.memory_space<semaphore_mem>>
      %dma_start3A_64 = arith.constant 0 : i32
      %dma_start3A_65 = tpu.memref_slice %arg10[%add3A_6, %dma_start3A_64] : memref<10240x16xf32, #tpu.memory_space<vmem_shared>> -> memref<160x16xf32, #tpu.memory_space<vmem_shared>>
      %dma_start3A_66 = arith.constant 10000 : i32
      %dma_start3A_67 = arith.constant 0 : i32
      %dma_start3A_68 = tpu.memref_slice %arg2[%dma_start3A_66, %dma_start3A_67] : memref<10240x16xf32, #tpu.memory_space<hbm>> -> memref<160x16xf32, #tpu.memory_space<hbm>>
      tpu.enqueue_dma source(%dma_start3A_68 : memref<160x16xf32, #tpu.memory_space<hbm>>) target(%dma_start3A_65 : memref<160x16xf32, #tpu.memory_space<vmem_shared>>) target_semaphore(%run_scoped3A : memref<!tpu.dma_semaphore, #tpu.memory_space<semaphore_mem>>)
      %dma_wait3A_69 = arith.constant 0 : i32
      %dma_wait3A_70 = tpu.memref_slice %arg10[%add3A_6, %dma_wait3A_69] : memref<10240x16xf32, #tpu.memory_space<vmem_shared>> -> memref<160x16xf32, #tpu.memory_space<vmem_shared>>
      %dma_wait3A_71 = arith.constant 10000 : i32
      %dma_wait3A_72 = arith.constant 0 : i32
      %dma_wait3A_73 = tpu.memref_slice %arg2[%dma_wait3A_71, %dma_wait3A_72] : memref<10240x16xf32, #tpu.memory_space<hbm>> -> memref<160x16xf32, #tpu.memory_space<hbm>>
      tpu.wait_dma2 semaphore(%run_scoped3A : memref<!tpu.dma_semaphore, #tpu.memory_space<semaphore_mem>>) src(%dma_wait3A_73 : memref<160x16xf32, #tpu.memory_space<hbm>>) dst(%dma_wait3A_70 : memref<160x16xf32, #tpu.memory_space<vmem_shared>>)
      tpu.yield
    }) : () -> ()
    %barrier3A = arith.constant 0 : index
    tpu.barrier barrier_id(%barrier3A)
    %dma_start3A = arith.constant 0 : i32
    %dma_start3A_7 = arith.constant 0 : i32
    %dma_start3A_8 = arith.constant 0 : i32
    %dma_start3A_9 = arith.constant 0 : i32
    %dma_start3A_10 = tpu.memref_slice %arg8[%dma_start3A_7, %dma_start3A_8, %dma_start3A_9] : memref<2x1024x16xf32, #tpu.memory_space<vmem>> -> memref<1x1024x16xf32, #tpu.memory_space<vmem>>
    %dma_start3A_11 = tpu.memref_squeeze %dma_start3A_10 : memref<1x1024x16xf32, #tpu.memory_space<vmem>> -> memref<1024x16xf32, #tpu.memory_space<vmem>>
    %dma_start3A_12 = arith.constant 0 : i32
    %dma_start3A_13 = tpu.memref_slice %arg6[%dma_start3A, %dma_start3A_12] : memref<10x1024xi32, #tpu.memory_space<vmem>> -> memref<1x1024xi32, #tpu.memory_space<vmem>>
    %dma_start3A_14 = tpu.memref_squeeze %dma_start3A_13 : memref<1x1024xi32, #tpu.memory_space<vmem>> -> memref<1024xi32, #tpu.memory_space<vmem>>
    %dma_start3A_15 = arith.constant 0 : i32
    %dma_start3A_16 = arith.constant 0 : i32
    %dma_start3A_17 = tpu.memref_slice %arg9[%dma_start3A_15, %dma_start3A_16] : memref<10240x16xf32, #tpu.memory_space<vmem_shared>> -> memref<10240x16xf32, #tpu.memory_space<vmem_shared>>
    tpu.enqueue_indirect_dma source(%dma_start3A_17 : memref<10240x16xf32, #tpu.memory_space<vmem_shared>>) target(%dma_start3A_11 : memref<1024x16xf32, #tpu.memory_space<vmem>>) offsets(%dma_start3A_14 : memref<1024xi32, #tpu.memory_space<vmem>>) semaphore(%arg11 : memref<!tpu.dma_semaphore, #tpu.memory_space<semaphore_mem>>)
    %dma_start3A_18 = arith.constant 1 : i32
    %dma_start3A_19 = arith.constant 1 : i32
    %dma_start3A_20 = arith.constant 0 : i32
    %dma_start3A_21 = arith.constant 0 : i32
    %dma_start3A_22 = tpu.memref_slice %arg8[%dma_start3A_19, %dma_start3A_20, %dma_start3A_21] : memref<2x1024x16xf32, #tpu.memory_space<vmem>> -> memref<1x1024x16xf32, #tpu.memory_space<vmem>>
    %dma_start3A_23 = tpu.memref_squeeze %dma_start3A_22 : memref<1x1024x16xf32, #tpu.memory_space<vmem>> -> memref<1024x16xf32, #tpu.memory_space<vmem>>
    %dma_start3A_24 = arith.constant 0 : i32
    %dma_start3A_25 = tpu.memref_slice %arg6[%dma_start3A_18, %dma_start3A_24] : memref<10x1024xi32, #tpu.memory_space<vmem>> -> memref<1x1024xi32, #tpu.memory_space<vmem>>
    %dma_start3A_26 = tpu.memref_squeeze %dma_start3A_25 : memref<1x1024xi32, #tpu.memory_space<vmem>> -> memref<1024xi32, #tpu.memory_space<vmem>>
    %dma_start3A_27 = arith.constant 0 : i32
    %dma_start3A_28 = arith.constant 0 : i32
    %dma_start3A_29 = tpu.memref_slice %arg9[%dma_start3A_27, %dma_start3A_28] : memref<10240x16xf32, #tpu.memory_space<vmem_shared>> -> memref<10240x16xf32, #tpu.memory_space<vmem_shared>>
    tpu.enqueue_indirect_dma source(%dma_start3A_29 : memref<10240x16xf32, #tpu.memory_space<vmem_shared>>) target(%dma_start3A_23 : memref<1024x16xf32, #tpu.memory_space<vmem>>) offsets(%dma_start3A_26 : memref<1024xi32, #tpu.memory_space<vmem>>) semaphore(%arg12 : memref<!tpu.dma_semaphore, #tpu.memory_space<semaphore_mem>>)
    %scan3A = arith.constant 0 : i32
    %scan3A_30 = arith.constant 5 : i32
    %scan3A_31 = arith.addi %scan3A, %scan3A_30 : i32
    %scan3A_32 = arith.constant 1 : i32
    scf.for %scan3A_64 = %scan3A to %scan3A_31 step %scan3A_32  : i32 {
      %mul3A_65 = arith.constant 2 : i32
      %mul3A_66 = arith.muli %scan3A_64, %mul3A_65 : i32
      %add3A_67 = arith.constant 0 : i32
      %add3A_68 = arith.addi %mul3A_66, %add3A_67 : i32
      %dma_wait3A_69 = arith.constant 0 : i32
      %dma_wait3A_70 = arith.constant 0 : i32
      %dma_wait3A_71 = arith.constant 0 : i32
      %dma_wait3A_72 = tpu.memref_slice %arg8[%dma_wait3A_69, %dma_wait3A_70, %dma_wait3A_71] : memref<2x1024x16xf32, #tpu.memory_space<vmem>> -> memref<1x1024x16xf32, #tpu.memory_space<vmem>>
      %dma_wait3A_73 = tpu.memref_squeeze %dma_wait3A_72 : memref<1x1024x16xf32, #tpu.memory_space<vmem>> -> memref<1024x16xf32, #tpu.memory_space<vmem>>
      %dma_wait3A_74 = arith.constant 0 : i32
      %dma_wait3A_75 = arith.constant 0 : i32
      %dma_wait3A_76 = tpu.memref_slice %arg2[%dma_wait3A_74, %dma_wait3A_75] : memref<10240x16xf32, #tpu.memory_space<hbm>> -> memref<1024x16xf32, #tpu.memory_space<hbm>>
      %dma_wait3A_77 = arith.constant 0 : i32
      %dma_wait3A_78 = arith.constant 0 : i32
      %dma_wait3A_79 = tpu.memref_slice %arg8[%dma_wait3A_69, %dma_wait3A_77, %dma_wait3A_78] : memref<2x1024x16xf32, #tpu.memory_space<vmem>> -> memref<1x1024x16xf32, #tpu.memory_space<vmem>>
      %dma_wait3A_80 = tpu.memref_squeeze %dma_wait3A_79 : memref<1x1024x16xf32, #tpu.memory_space<vmem>> -> memref<1024x16xf32, #tpu.memory_space<vmem>>
      %dma_wait3A_81 = arith.constant 0 : i32
      %dma_wait3A_82 = arith.constant 0 : i32
      %dma_wait3A_83 = tpu.memref_slice %arg2[%dma_wait3A_81, %dma_wait3A_82] : memref<10240x16xf32, #tpu.memory_space<hbm>> -> memref<1024x16xf32, #tpu.memory_space<hbm>>
      tpu.wait_dma2 semaphore(%arg11 : memref<!tpu.dma_semaphore, #tpu.memory_space<semaphore_mem>>) src(%dma_wait3A_83 : memref<1024x16xf32, #tpu.memory_space<hbm>>) dst(%dma_wait3A_80 : memref<1024x16xf32, #tpu.memory_space<vmem>>)
      %run_scoped3A = arith.constant 0 : i32
      "tpu.region"() ({
        %run_scoped3A_137 = tpu.sem_alloc : memref<!tpu.dma_semaphore, #tpu.memory_space<semaphore_mem>>
        %dma_start3A_138 = arith.constant 0 : i32
        %dma_start3A_139 = arith.constant 0 : i32
        %dma_start3A_140 = tpu.memref_slice %arg8[%run_scoped3A, %dma_start3A_138, %dma_start3A_139] : memref<2x1024x16xf32, #tpu.memory_space<vmem>> -> memref<1x1024x16xf32, #tpu.memory_space<vmem>>
        %dma_start3A_141 = tpu.memref_squeeze %dma_start3A_140 : memref<1x1024x16xf32, #tpu.memory_space<vmem>> -> memref<1024x16xf32, #tpu.memory_space<vmem>>
        %dma_start3A_142 = arith.constant 0 : i32
        %dma_start3A_143 = tpu.memref_slice %arg7[%add3A_68, %dma_start3A_142] : memref<10x1024xi32, #tpu.memory_space<vmem>> -> memref<1x1024xi32, #tpu.memory_space<vmem>>
        %dma_start3A_144 = tpu.memref_squeeze %dma_start3A_143 : memref<1x1024xi32, #tpu.memory_space<vmem>> -> memref<1024xi32, #tpu.memory_space<vmem>>
        %dma_start3A_145 = arith.constant 0 : i32
        %dma_start3A_146 = arith.constant 0 : i32
        %dma_start3A_147 = tpu.memref_slice %arg10[%dma_start3A_145, %dma_start3A_146] : memref<10240x16xf32, #tpu.memory_space<vmem_shared>> -> memref<10240x16xf32, #tpu.memory_space<vmem_shared>>
        tpu.enqueue_indirect_dma source(%dma_start3A_141 : memref<1024x16xf32, #tpu.memory_space<vmem>>) target(%dma_start3A_147 : memref<10240x16xf32, #tpu.memory_space<vmem_shared>>) offsets(%dma_start3A_144 : memref<1024xi32, #tpu.memory_space<vmem>>) semaphore(%run_scoped3A_137 : memref<!tpu.dma_semaphore, #tpu.memory_space<semaphore_mem>>) {add = true}
        %dma_wait3A_148 = arith.constant 0 : i32
        %dma_wait3A_149 = arith.constant 0 : i32
        %dma_wait3A_150 = tpu.memref_slice %arg8[%run_scoped3A, %dma_wait3A_148, %dma_wait3A_149] : memref<2x1024x16xf32, #tpu.memory_space<vmem>> -> memref<1x1024x16xf32, #tpu.memory_space<vmem>>
        %dma_wait3A_151 = tpu.memref_squeeze %dma_wait3A_150 : memref<1x1024x16xf32, #tpu.memory_space<vmem>> -> memref<1024x16xf32, #tpu.memory_space<vmem>>
        %dma_wait3A_152 = arith.constant 0 : i32
        %dma_wait3A_153 = tpu.memref_slice %arg7[%add3A_68, %dma_wait3A_152] : memref<10x1024xi32, #tpu.memory_space<vmem>> -> memref<1x1024xi32, #tpu.memory_space<vmem>>
        %dma_wait3A_154 = tpu.memref_squeeze %dma_wait3A_153 : memref<1x1024xi32, #tpu.memory_space<vmem>> -> memref<1024xi32, #tpu.memory_space<vmem>>
        %dma_wait3A_155 = arith.constant 0 : i32
        %dma_wait3A_156 = arith.constant 0 : i32
        %dma_wait3A_157 = tpu.memref_slice %arg10[%dma_wait3A_155, %dma_wait3A_156] : memref<10240x16xf32, #tpu.memory_space<vmem_shared>> -> memref<10240x16xf32, #tpu.memory_space<vmem_shared>>
        tpu.wait_indirect_dma semaphore(%run_scoped3A_137 : memref<!tpu.dma_semaphore, #tpu.memory_space<semaphore_mem>>) src(%dma_wait3A_151 : memref<1024x16xf32, #tpu.memory_space<vmem>>) dst(%dma_wait3A_157 : memref<10240x16xf32, #tpu.memory_space<vmem_shared>>)
        tpu.yield
      }) : () -> ()
      %add3A_84 = arith.constant 2 : i32
      %add3A_85 = arith.addi %add3A_68, %add3A_84 : i32
      %ge3A = arith.constant 10 : i32
      %ge3A_86 = arith.cmpi sge, %add3A_85, %ge3A : i32
      %sub3A = arith.constant 10 : i32
      %sub3A_87 = arith.subi %add3A_85, %sub3A : i32
      %select_n3A = arith.select %ge3A_86, %sub3A_87, %add3A_85 : i32
      %dma_start3A_88 = arith.constant 0 : i32
      %dma_start3A_89 = arith.constant 0 : i32
      %dma_start3A_90 = arith.constant 0 : i32
      %dma_start3A_91 = tpu.memref_slice %arg8[%dma_start3A_88, %dma_start3A_89, %dma_start3A_90] : memref<2x1024x16xf32, #tpu.memory_space<vmem>> -> memref<1x1024x16xf32, #tpu.memory_space<vmem>>
      %dma_start3A_92 = tpu.memref_squeeze %dma_start3A_91 : memref<1x1024x16xf32, #tpu.memory_space<vmem>> -> memref<1024x16xf32, #tpu.memory_space<vmem>>
      %dma_start3A_93 = arith.constant 0 : i32
      %dma_start3A_94 = tpu.memref_slice %arg6[%select_n3A, %dma_start3A_93] : memref<10x1024xi32, #tpu.memory_space<vmem>> -> memref<1x1024xi32, #tpu.memory_space<vmem>>
      %dma_start3A_95 = tpu.memref_squeeze %dma_start3A_94 : memref<1x1024xi32, #tpu.memory_space<vmem>> -> memref<1024xi32, #tpu.memory_space<vmem>>
      %dma_start3A_96 = arith.constant 0 : i32
      %dma_start3A_97 = arith.constant 0 : i32
      %dma_start3A_98 = tpu.memref_slice %arg9[%dma_start3A_96, %dma_start3A_97] : memref<10240x16xf32, #tpu.memory_space<vmem_shared>> -> memref<10240x16xf32, #tpu.memory_space<vmem_shared>>
      tpu.enqueue_indirect_dma source(%dma_start3A_98 : memref<10240x16xf32, #tpu.memory_space<vmem_shared>>) target(%dma_start3A_92 : memref<1024x16xf32, #tpu.memory_space<vmem>>) offsets(%dma_start3A_95 : memref<1024xi32, #tpu.memory_space<vmem>>) semaphore(%arg11 : memref<!tpu.dma_semaphore, #tpu.memory_space<semaphore_mem>>)
      %mul3A_99 = arith.constant 2 : i32
      %mul3A_100 = arith.muli %scan3A_64, %mul3A_99 : i32
      %add3A_101 = arith.constant 1 : i32
      %add3A_102 = arith.addi %mul3A_100, %add3A_101 : i32
      %dma_wait3A_103 = arith.constant 1 : i32
      %dma_wait3A_104 = arith.constant 0 : i32
      %dma_wait3A_105 = arith.constant 0 : i32
      %dma_wait3A_106 = tpu.memref_slice %arg8[%dma_wait3A_103, %dma_wait3A_104, %dma_wait3A_105] : memref<2x1024x16xf32, #tpu.memory_space<vmem>> -> memref<1x1024x16xf32, #tpu.memory_space<vmem>>
      %dma_wait3A_107 = tpu.memref_squeeze %dma_wait3A_106 : memref<1x1024x16xf32, #tpu.memory_space<vmem>> -> memref<1024x16xf32, #tpu.memory_space<vmem>>
      %dma_wait3A_108 = arith.constant 0 : i32
      %dma_wait3A_109 = arith.constant 0 : i32
      %dma_wait3A_110 = tpu.memref_slice %arg2[%dma_wait3A_108, %dma_wait3A_109] : memref<10240x16xf32, #tpu.memory_space<hbm>> -> memref<1024x16xf32, #tpu.memory_space<hbm>>
      %dma_wait3A_111 = arith.constant 0 : i32
      %dma_wait3A_112 = arith.constant 0 : i32
      %dma_wait3A_113 = tpu.memref_slice %arg8[%dma_wait3A_103, %dma_wait3A_111, %dma_wait3A_112] : memref<2x1024x16xf32, #tpu.memory_space<vmem>> -> memref<1x1024x16xf32, #tpu.memory_space<vmem>>
      %dma_wait3A_114 = tpu.memref_squeeze %dma_wait3A_113 : memref<1x1024x16xf32, #tpu.memory_space<vmem>> -> memref<1024x16xf32, #tpu.memory_space<vmem>>
      %dma_wait3A_115 = arith.constant 0 : i32
      %dma_wait3A_116 = arith.constant 0 : i32
      %dma_wait3A_117 = tpu.memref_slice %arg2[%dma_wait3A_115, %dma_wait3A_116] : memref<10240x16xf32, #tpu.memory_space<hbm>> -> memref<1024x16xf32, #tpu.memory_space<hbm>>
      tpu.wait_dma2 semaphore(%arg12 : memref<!tpu.dma_semaphore, #tpu.memory_space<semaphore_mem>>) src(%dma_wait3A_117 : memref<1024x16xf32, #tpu.memory_space<hbm>>) dst(%dma_wait3A_114 : memref<1024x16xf32, #tpu.memory_space<vmem>>)
      %run_scoped3A_118 = arith.constant 1 : i32
      "tpu.region"() ({
        %run_scoped3A_137 = tpu.sem_alloc : memref<!tpu.dma_semaphore, #tpu.memory_space<semaphore_mem>>
        %dma_start3A_138 = arith.constant 0 : i32
        %dma_start3A_139 = arith.constant 0 : i32
        %dma_start3A_140 = tpu.memref_slice %arg8[%run_scoped3A_118, %dma_start3A_138, %dma_start3A_139] : memref<2x1024x16xf32, #tpu.memory_space<vmem>> -> memref<1x1024x16xf32, #tpu.memory_space<vmem>>
        %dma_start3A_141 = tpu.memref_squeeze %dma_start3A_140 : memref<1x1024x16xf32, #tpu.memory_space<vmem>> -> memref<1024x16xf32, #tpu.memory_space<vmem>>
        %dma_start3A_142 = arith.constant 0 : i32
        %dma_start3A_143 = tpu.memref_slice %arg7[%add3A_102, %dma_start3A_142] : memref<10x1024xi32, #tpu.memory_space<vmem>> -> memref<1x1024xi32, #tpu.memory_space<vmem>>
        %dma_start3A_144 = tpu.memref_squeeze %dma_start3A_143 : memref<1x1024xi32, #tpu.memory_space<vmem>> -> memref<1024xi32, #tpu.memory_space<vmem>>
        %dma_start3A_145 = arith.constant 0 : i32
        %dma_start3A_146 = arith.constant 0 : i32
        %dma_start3A_147 = tpu.memref_slice %arg10[%dma_start3A_145, %dma_start3A_146] : memref<10240x16xf32, #tpu.memory_space<vmem_shared>> -> memref<10240x16xf32, #tpu.memory_space<vmem_shared>>
        tpu.enqueue_indirect_dma source(%dma_start3A_141 : memref<1024x16xf32, #tpu.memory_space<vmem>>) target(%dma_start3A_147 : memref<10240x16xf32, #tpu.memory_space<vmem_shared>>) offsets(%dma_start3A_144 : memref<1024xi32, #tpu.memory_space<vmem>>) semaphore(%run_scoped3A_137 : memref<!tpu.dma_semaphore, #tpu.memory_space<semaphore_mem>>) {add = true}
        %dma_wait3A_148 = arith.constant 0 : i32
        %dma_wait3A_149 = arith.constant 0 : i32
        %dma_wait3A_150 = tpu.memref_slice %arg8[%run_scoped3A_118, %dma_wait3A_148, %dma_wait3A_149] : memref<2x1024x16xf32, #tpu.memory_space<vmem>> -> memref<1x1024x16xf32, #tpu.memory_space<vmem>>
        %dma_wait3A_151 = tpu.memref_squeeze %dma_wait3A_150 : memref<1x1024x16xf32, #tpu.memory_space<vmem>> -> memref<1024x16xf32, #tpu.memory_space<vmem>>
        %dma_wait3A_152 = arith.constant 0 : i32
        %dma_wait3A_153 = tpu.memref_slice %arg7[%add3A_102, %dma_wait3A_152] : memref<10x1024xi32, #tpu.memory_space<vmem>> -> memref<1x1024xi32, #tpu.memory_space<vmem>>
        %dma_wait3A_154 = tpu.memref_squeeze %dma_wait3A_153 : memref<1x1024xi32, #tpu.memory_space<vmem>> -> memref<1024xi32, #tpu.memory_space<vmem>>
        %dma_wait3A_155 = arith.constant 0 : i32
        %dma_wait3A_156 = arith.constant 0 : i32
        %dma_wait3A_157 = tpu.memref_slice %arg10[%dma_wait3A_155, %dma_wait3A_156] : memref<10240x16xf32, #tpu.memory_space<vmem_shared>> -> memref<10240x16xf32, #tpu.memory_space<vmem_shared>>
        tpu.wait_indirect_dma semaphore(%run_scoped3A_137 : memref<!tpu.dma_semaphore, #tpu.memory_space<semaphore_mem>>) src(%dma_wait3A_151 : memref<1024x16xf32, #tpu.memory_space<vmem>>) dst(%dma_wait3A_157 : memref<10240x16xf32, #tpu.memory_space<vmem_shared>>)
        tpu.yield
      }) : () -> ()
      %add3A_119 = arith.constant 2 : i32
      %add3A_120 = arith.addi %add3A_102, %add3A_119 : i32
      %ge3A_121 = arith.constant 10 : i32
      %ge3A_122 = arith.cmpi sge, %add3A_120, %ge3A_121 : i32
      %sub3A_123 = arith.constant 10 : i32
      %sub3A_124 = arith.subi %add3A_120, %sub3A_123 : i32
      %select_n3A_125 = arith.select %ge3A_122, %sub3A_124, %add3A_120 : i32
      %dma_start3A_126 = arith.constant 1 : i32
      %dma_start3A_127 = arith.constant 0 : i32
      %dma_start3A_128 = arith.constant 0 : i32
      %dma_start3A_129 = tpu.memref_slice %arg8[%dma_start3A_126, %dma_start3A_127, %dma_start3A_128] : memref<2x1024x16xf32, #tpu.memory_space<vmem>> -> memref<1x1024x16xf32, #tpu.memory_space<vmem>>
      %dma_start3A_130 = tpu.memref_squeeze %dma_start3A_129 : memref<1x1024x16xf32, #tpu.memory_space<vmem>> -> memref<1024x16xf32, #tpu.memory_space<vmem>>
      %dma_start3A_131 = arith.constant 0 : i32
      %dma_start3A_132 = tpu.memref_slice %arg6[%select_n3A_125, %dma_start3A_131] : memref<10x1024xi32, #tpu.memory_space<vmem>> -> memref<1x1024xi32, #tpu.memory_space<vmem>>
      %dma_start3A_133 = tpu.memref_squeeze %dma_start3A_132 : memref<1x1024xi32, #tpu.memory_space<vmem>> -> memref<1024xi32, #tpu.memory_space<vmem>>
      %dma_start3A_134 = arith.constant 0 : i32
      %dma_start3A_135 = arith.constant 0 : i32
      %dma_start3A_136 = tpu.memref_slice %arg9[%dma_start3A_134, %dma_start3A_135] : memref<10240x16xf32, #tpu.memory_space<vmem_shared>> -> memref<10240x16xf32, #tpu.memory_space<vmem_shared>>
      tpu.enqueue_indirect_dma source(%dma_start3A_136 : memref<10240x16xf32, #tpu.memory_space<vmem_shared>>) target(%dma_start3A_130 : memref<1024x16xf32, #tpu.memory_space<vmem>>) offsets(%dma_start3A_133 : memref<1024xi32, #tpu.memory_space<vmem>>) semaphore(%arg12 : memref<!tpu.dma_semaphore, #tpu.memory_space<semaphore_mem>>)
    }
    %scan3A_33 = arith.constant 5 : i32
    %dma_wait3A = arith.constant 0 : i32
    %dma_wait3A_34 = arith.constant 0 : i32
    %dma_wait3A_35 = arith.constant 0 : i32
    %dma_wait3A_36 = tpu.memref_slice %arg8[%dma_wait3A, %dma_wait3A_34, %dma_wait3A_35] : memref<2x1024x16xf32, #tpu.memory_space<vmem>> -> memref<1x1024x16xf32, #tpu.memory_space<vmem>>
    %dma_wait3A_37 = tpu.memref_squeeze %dma_wait3A_36 : memref<1x1024x16xf32, #tpu.memory_space<vmem>> -> memref<1024x16xf32, #tpu.memory_space<vmem>>
    %dma_wait3A_38 = arith.constant 0 : i32
    %dma_wait3A_39 = arith.constant 0 : i32
    %dma_wait3A_40 = tpu.memref_slice %arg2[%dma_wait3A_38, %dma_wait3A_39] : memref<10240x16xf32, #tpu.memory_space<hbm>> -> memref<1024x16xf32, #tpu.memory_space<hbm>>
    %dma_wait3A_41 = arith.constant 0 : i32
    %dma_wait3A_42 = arith.constant 0 : i32
    %dma_wait3A_43 = tpu.memref_slice %arg8[%dma_wait3A, %dma_wait3A_41, %dma_wait3A_42] : memref<2x1024x16xf32, #tpu.memory_space<vmem>> -> memref<1x1024x16xf32, #tpu.memory_space<vmem>>
    %dma_wait3A_44 = tpu.memref_squeeze %dma_wait3A_43 : memref<1x1024x16xf32, #tpu.memory_space<vmem>> -> memref<1024x16xf32, #tpu.memory_space<vmem>>
    %dma_wait3A_45 = arith.constant 0 : i32
    %dma_wait3A_46 = arith.constant 0 : i32
    %dma_wait3A_47 = tpu.memref_slice %arg2[%dma_wait3A_45, %dma_wait3A_46] : memref<10240x16xf32, #tpu.memory_space<hbm>> -> memref<1024x16xf32, #tpu.memory_space<hbm>>
    tpu.wait_dma2 semaphore(%arg11 : memref<!tpu.dma_semaphore, #tpu.memory_space<semaphore_mem>>) src(%dma_wait3A_47 : memref<1024x16xf32, #tpu.memory_space<hbm>>) dst(%dma_wait3A_44 : memref<1024x16xf32, #tpu.memory_space<vmem>>)
    %dma_wait3A_48 = arith.constant 1 : i32
    %dma_wait3A_49 = arith.constant 0 : i32
    %dma_wait3A_50 = arith.constant 0 : i32
    %dma_wait3A_51 = tpu.memref_slice %arg8[%dma_wait3A_48, %dma_wait3A_49, %dma_wait3A_50] : memref<2x1024x16xf32, #tpu.memory_space<vmem>> -> memref<1x1024x16xf32, #tpu.memory_space<vmem>>
    %dma_wait3A_52 = tpu.memref_squeeze %dma_wait3A_51 : memref<1x1024x16xf32, #tpu.memory_space<vmem>> -> memref<1024x16xf32, #tpu.memory_space<vmem>>
    %dma_wait3A_53 = arith.constant 0 : i32
    %dma_wait3A_54 = arith.constant 0 : i32
    %dma_wait3A_55 = tpu.memref_slice %arg2[%dma_wait3A_53, %dma_wait3A_54] : memref<10240x16xf32, #tpu.memory_space<hbm>> -> memref<1024x16xf32, #tpu.memory_space<hbm>>
    %dma_wait3A_56 = arith.constant 0 : i32
    %dma_wait3A_57 = arith.constant 0 : i32
    %dma_wait3A_58 = tpu.memref_slice %arg8[%dma_wait3A_48, %dma_wait3A_56, %dma_wait3A_57] : memref<2x1024x16xf32, #tpu.memory_space<vmem>> -> memref<1x1024x16xf32, #tpu.memory_space<vmem>>
    %dma_wait3A_59 = tpu.memref_squeeze %dma_wait3A_58 : memref<1x1024x16xf32, #tpu.memory_space<vmem>> -> memref<1024x16xf32, #tpu.memory_space<vmem>>
    %dma_wait3A_60 = arith.constant 0 : i32
    %dma_wait3A_61 = arith.constant 0 : i32
    %dma_wait3A_62 = tpu.memref_slice %arg2[%dma_wait3A_60, %dma_wait3A_61] : memref<10240x16xf32, #tpu.memory_space<hbm>> -> memref<1024x16xf32, #tpu.memory_space<hbm>>
    tpu.wait_dma2 semaphore(%arg12 : memref<!tpu.dma_semaphore, #tpu.memory_space<semaphore_mem>>) src(%dma_wait3A_62 : memref<1024x16xf32, #tpu.memory_space<hbm>>) dst(%dma_wait3A_59 : memref<1024x16xf32, #tpu.memory_space<vmem>>)
    %barrier3A_63 = arith.constant 0 : index
    tpu.barrier barrier_id(%barrier3A_63)
    "tpu.region"() ({
      %run_scoped3A = tpu.sem_alloc : memref<!tpu.dma_semaphore, #tpu.memory_space<semaphore_mem>>
      %dma_start3A_64 = arith.constant 0 : i32
      %dma_start3A_65 = tpu.memref_slice %arg5[%arg0, %mul3A_2, %dma_start3A_64] : memref<2x10240x16xf32, #tpu.memory_space<hbm>> -> memref<1x640x16xf32, #tpu.memory_space<hbm>>
      %dma_start3A_66 = tpu.memref_squeeze %dma_start3A_65 : memref<1x640x16xf32, #tpu.memory_space<hbm>> -> memref<640x16xf32, #tpu.memory_space<hbm>>
      %dma_start3A_67 = arith.constant 0 : i32
      %dma_start3A_68 = tpu.memref_slice %arg10[%mul3A_2, %dma_start3A_67] : memref<10240x16xf32, #tpu.memory_space<vmem_shared>> -> memref<640x16xf32, #tpu.memory_space<vmem_shared>>
      tpu.enqueue_dma source(%dma_start3A_68 : memref<640x16xf32, #tpu.memory_space<vmem_shared>>) target(%dma_start3A_66 : memref<640x16xf32, #tpu.memory_space<hbm>>) target_semaphore(%run_scoped3A : memref<!tpu.dma_semaphore, #tpu.memory_space<semaphore_mem>>)
      %dma_wait3A_69 = arith.constant 0 : i32
      %dma_wait3A_70 = tpu.memref_slice %arg5[%arg0, %mul3A_2, %dma_wait3A_69] : memref<2x10240x16xf32, #tpu.memory_space<hbm>> -> memref<1x640x16xf32, #tpu.memory_space<hbm>>
      %dma_wait3A_71 = tpu.memref_squeeze %dma_wait3A_70 : memref<1x640x16xf32, #tpu.memory_space<hbm>> -> memref<640x16xf32, #tpu.memory_space<hbm>>
      %dma_wait3A_72 = arith.constant 0 : i32
      %dma_wait3A_73 = tpu.memref_slice %arg10[%mul3A_2, %dma_wait3A_72] : memref<10240x16xf32, #tpu.memory_space<vmem_shared>> -> memref<640x16xf32, #tpu.memory_space<vmem_shared>>
      tpu.wait_dma2 semaphore(%run_scoped3A : memref<!tpu.dma_semaphore, #tpu.memory_space<semaphore_mem>>) src(%dma_wait3A_73 : memref<640x16xf32, #tpu.memory_space<vmem_shared>>) dst(%dma_wait3A_71 : memref<640x16xf32, #tpu.memory_space<hbm>>)
      tpu.yield
    }) : () -> ()
    return
  }
}

module attributes {stable_mosaic.version = 14 : i64} {
  func.func @body(%arg0: i32, %arg1: memref<2560x1xf32, #tpu.memory_space<vmem>>, %arg2: memref<2560x128xf32, #tpu.memory_space<vmem>>, %arg3: memref<2560x1xf32, #tpu.memory_space<vmem>>, %arg4: memref<2x2560x64xf32, #tpu.memory_space<vmem>>) attributes {dimension_semantics = [#tpu.dimension_semantics<arbitrary>], iteration_bounds = array<i64: 4>, scalar_prefetch = 0 : i64, scratch_operands = 0 : i64, tpu.core_type = #tpu.core_type<tc>, window_params = [{transform_indices = @transform_0, window_bounds = array<i64: 2560, 1>}, {transform_indices = @transform_1, window_bounds = array<i64: 2560, 128>}, {transform_indices = @transform_2, window_bounds = array<i64: 2560, 1>}, {transform_indices = @transform_3, window_bounds = array<i64: 2, 2560, 64>}]} {
    %get3A = arith.constant 0 : index
    %get3A_0 = arith.constant 0 : index
    %get3A_1 = vector.load %arg1[%get3A, %get3A_0] : memref<2560x1xf32, #tpu.memory_space<vmem>>, vector<2560x1xf32>
    %rsqrt3A = math.rsqrt %get3A_1 : vector<2560x1xf32>
    %swap3A = arith.constant 0 : index
    %swap3A_2 = arith.constant 0 : index
    %swap3A_3 = vector.load %arg3[%swap3A, %swap3A_2] : memref<2560x1xf32, #tpu.memory_space<vmem>>, vector<2560x1xf32>
    tpu.vector_store %arg3[%swap3A, %swap3A_2], %rsqrt3A {strides = array<i32>} : memref<2560x1xf32, #tpu.memory_space<vmem>>, vector<2560x1xf32>,
    %get3A_4 = arith.constant 0 : index
    %get3A_5 = arith.constant 0 : index
    %get3A_6 = vector.load %arg2[%get3A_4, %get3A_5] : memref<2560x128xf32, #tpu.memory_space<vmem>>, vector<2560x128xf32>
    %mul3A = vector.broadcast %rsqrt3A : vector<2560x1xf32> to vector<2560x128xf32>
    %mul3A_7 = arith.mulf %get3A_6, %mul3A : vector<2560x128xf32>
    %slice3A = vector.extract_strided_slice %mul3A_7 {offsets = [0, 0], sizes = [2560, 64], strides = [1, 1]} : vector<2560x128xf32> to vector<2560x64xf32>
    %swap3A_8 = arith.constant 0 : index
    %swap3A_9 = arith.constant 0 : index
    %swap3A_10 = arith.constant 0 : index
    %swap3A_11 = vector.load %arg4[%swap3A_8, %swap3A_9, %swap3A_10] : memref<2x2560x64xf32, #tpu.memory_space<vmem>>, vector<1x2560x64xf32>
    %swap3A_12 = vector.shape_cast %swap3A_11 : vector<1x2560x64xf32> to vector<2560x64xf32>
    %swap3A_13 = vector.shape_cast %slice3A : vector<2560x64xf32> to vector<1x2560x64xf32>
    tpu.vector_store %arg4[%swap3A_8, %swap3A_9, %swap3A_10], %swap3A_13 {strides = array<i32>} : memref<2x2560x64xf32, #tpu.memory_space<vmem>>, vector<1x2560x64xf32>,
    %slice3A_14 = vector.extract_strided_slice %mul3A_7 {offsets = [0, 64], sizes = [2560, 64], strides = [1, 1]} : vector<2560x128xf32> to vector<2560x64xf32>
    %swap3A_15 = arith.constant 1 : index
    %swap3A_16 = arith.constant 0 : index
    %swap3A_17 = arith.constant 0 : index
    %swap3A_18 = vector.load %arg4[%swap3A_15, %swap3A_16, %swap3A_17] : memref<2x2560x64xf32, #tpu.memory_space<vmem>>, vector<1x2560x64xf32>
    %swap3A_19 = vector.shape_cast %swap3A_18 : vector<1x2560x64xf32> to vector<2560x64xf32>
    %swap3A_20 = vector.shape_cast %slice3A_14 : vector<2560x64xf32> to vector<1x2560x64xf32>
    tpu.vector_store %arg4[%swap3A_15, %swap3A_16, %swap3A_17], %swap3A_20 {strides = array<i32>} : memref<2x2560x64xf32, #tpu.memory_space<vmem>>, vector<1x2560x64xf32>,
    return
  }
  func.func @transform_0(%arg0: i32) -> (i32, i32) {
    %c0_i32 = arith.constant 0 : i32
    %c0_i32_0 = arith.constant 0 : i32
    return %arg0, %c0_i32 : i32, i32
  }
  func.func @transform_1(%arg0: i32) -> (i32, i32) {
    %c0_i32 = arith.constant 0 : i32
    %c0_i32_0 = arith.constant 0 : i32
    return %arg0, %c0_i32 : i32, i32
  }
  func.func @transform_2(%arg0: i32) -> (i32, i32) {
    %c0_i32 = arith.constant 0 : i32
    %c0_i32_0 = arith.constant 0 : i32
    return %arg0, %c0_i32 : i32, i32
  }
  func.func @transform_3(%arg0: i32) -> (i32, i32, i32) {
    %c0_i32 = arith.constant 0 : i32
    %c0_i32_0 = arith.constant 0 : i32
    %c0_i32_1 = arith.constant 0 : i32
    return %c0_i32, %arg0, %c0_i32_0 : i32, i32, i32
  }
}

module attributes {stable_mosaic.version = 14 : i64} {
  func.func @body(%arg0: i32, %arg1: memref<1x2560x64xf32, #tpu.memory_space<vmem>>, %arg2: memref<1x2560x64xf32, #tpu.memory_space<vmem>>, %arg3: memref<1x2560x64xf32, #tpu.memory_space<vmem>>, %arg4: memref<1x2560x64xf32, #tpu.memory_space<vmem>>, %arg5: memref<2560x1xf32, #tpu.memory_space<vmem>>, %arg6: memref<128x512xf32, #tpu.memory_space<vmem>>, %arg7: memref<1x512xf32, #tpu.memory_space<vmem>>, %arg8: memref<512x16xf32, #tpu.memory_space<vmem>>, %arg9: memref<2560x16xf32, #tpu.memory_space<vmem>>) attributes {dimension_semantics = [#tpu.dimension_semantics<arbitrary>], iteration_bounds = array<i64: 4>, scalar_prefetch = 0 : i64, scratch_operands = 0 : i64, tpu.core_type = #tpu.core_type<tc>, window_params = [{transform_indices = @transform_0, window_bounds = array<i64: 1, 2560, 64>}, {transform_indices = @transform_1, window_bounds = array<i64: 1, 2560, 64>}, {transform_indices = @transform_2, window_bounds = array<i64: 1, 2560, 64>}, {transform_indices = @transform_3, window_bounds = array<i64: 1, 2560, 64>}, {transform_indices = @transform_4, window_bounds = array<i64: 2560, 1>}, {pipeline_mode = #tpu.pipeline_mode<synchronous>, transform_indices = @transform_5, window_bounds = array<i64: 128, 512>}, {pipeline_mode = #tpu.pipeline_mode<synchronous>, transform_indices = @transform_6, window_bounds = array<i64: 1, 512>}, {pipeline_mode = #tpu.pipeline_mode<synchronous>, transform_indices = @transform_7, window_bounds = array<i64: 512, 16>}, {transform_indices = @transform_8, window_bounds = array<i64: 2560, 16>}]} {
    %get3A = arith.constant 0 : index
    %get3A_0 = arith.constant 0 : index
    %get3A_1 = vector.load %arg5[%get3A, %get3A_0] : memref<2560x1xf32, #tpu.memory_space<vmem>>, vector<2560x1xf32>
    %get3A_2 = arith.constant 0 : index
    %get3A_3 = arith.constant 0 : index
    %get3A_4 = arith.constant 0 : index
    %get3A_5 = vector.load %arg1[%get3A_2, %get3A_3, %get3A_4] : memref<1x2560x64xf32, #tpu.memory_space<vmem>>, vector<1x2560x64xf32>
    %get3A_6 = vector.shape_cast %get3A_5 : vector<1x2560x64xf32> to vector<2560x64xf32>
    %get3A_7 = arith.constant 0 : index
    %get3A_8 = arith.constant 0 : index
    %get3A_9 = arith.constant 0 : index
    %get3A_10 = vector.load %arg3[%get3A_7, %get3A_8, %get3A_9] : memref<1x2560x64xf32, #tpu.memory_space<vmem>>, vector<1x2560x64xf32>
    %get3A_11 = vector.shape_cast %get3A_10 : vector<1x2560x64xf32> to vector<2560x64xf32>
    %add3A = arith.addf %get3A_6, %get3A_11 : vector<2560x64xf32>
    %get3A_12 = arith.constant 0 : index
    %get3A_13 = arith.constant 0 : index
    %get3A_14 = arith.constant 0 : index
    %get3A_15 = vector.load %arg2[%get3A_12, %get3A_13, %get3A_14] : memref<1x2560x64xf32, #tpu.memory_space<vmem>>, vector<1x2560x64xf32>
    %get3A_16 = vector.shape_cast %get3A_15 : vector<1x2560x64xf32> to vector<2560x64xf32>
    %get3A_17 = arith.constant 0 : index
    %get3A_18 = arith.constant 0 : index
    %get3A_19 = arith.constant 0 : index
    %get3A_20 = vector.load %arg4[%get3A_17, %get3A_18, %get3A_19] : memref<1x2560x64xf32, #tpu.memory_space<vmem>>, vector<1x2560x64xf32>
    %get3A_21 = vector.shape_cast %get3A_20 : vector<1x2560x64xf32> to vector<2560x64xf32>
    %add3A_22 = arith.addf %get3A_16, %get3A_21 : vector<2560x64xf32>
    %concatenate3A = tpu.concatenate %add3A, %add3A_22 in 1 : vector<2560x64xf32>, vector<2560x64xf32> -> vector<2560x128xf32>
    %mul3A = vector.broadcast %get3A_1 : vector<2560x1xf32> to vector<2560x128xf32>
    %mul3A_23 = arith.mulf %concatenate3A, %mul3A : vector<2560x128xf32>
    %get3A_24 = arith.constant 0 : index
    %get3A_25 = arith.constant 0 : index
    %get3A_26 = vector.load %arg6[%get3A_24, %get3A_25] : memref<128x512xf32, #tpu.memory_space<vmem>>, vector<128x512xf32>
    %dot_general3A = arith.constant dense<0.000000e+00> : vector<2560x512xf32>
    %dot_general3A_27 = tpu.matmul %mul3A_23, %get3A_26, %dot_general3A {dimension_numbers = #tpu.dot_dimension_numbers<[1], [0], [0], [1], [0, 0, 1, 1], [], []>, transpose_lhs_hint = false} : vector<2560x128xf32>, vector<128x512xf32>, vector<2560x512xf32> -> vector<2560x512xf32>
    %get3A_28 = arith.constant 0 : index
    %get3A_29 = arith.constant 0 : index
    %get3A_30 = vector.load %arg7[%get3A_28, %get3A_29] : memref<1x512xf32, #tpu.memory_space<vmem>>, vector<1x512xf32>
    %add3A_31 = vector.broadcast %get3A_30 : vector<1x512xf32> to vector<2560x512xf32>
    %add3A_32 = arith.addf %dot_general3A_27, %add3A_31 : vector<2560x512xf32>
    %max3A = arith.constant 0.000000e+00 : f32
    %max3A_33 = vector.broadcast %max3A : f32 to vector<2560x512xf32>
    %max3A_34 = arith.maximumf %add3A_32, %max3A_33 : vector<2560x512xf32>
    %get3A_35 = arith.constant 0 : index
    %get3A_36 = arith.constant 0 : index
    %get3A_37 = vector.load %arg8[%get3A_35, %get3A_36] : memref<512x16xf32, #tpu.memory_space<vmem>>, vector<512x16xf32>
    %dot_general3A_38 = arith.constant dense<0.000000e+00> : vector<2560x16xf32>
    %dot_general3A_39 = tpu.matmul %max3A_34, %get3A_37, %dot_general3A_38 {dimension_numbers = #tpu.dot_dimension_numbers<[1], [0], [0], [1], [0, 0, 1, 1], [], []>, transpose_lhs_hint = false} : vector<2560x512xf32>, vector<512x16xf32>, vector<2560x16xf32> -> vector<2560x16xf32>
    %iota3A = tpu.iota {dimensions = array<i32: 0>} : vector<2560x1xi32>
    %mul3A_40 = arith.constant 2560 : i32
    %mul3A_41 = arith.muli %arg0, %mul3A_40 : i32
    %add3A_42 = vector.broadcast %mul3A_41 : i32 to vector<2560x1xi32>
    %add3A_43 = arith.addi %iota3A, %add3A_42 : vector<2560x1xi32>
    %lt3A = arith.constant 10000 : i32
    %lt3A_44 = vector.broadcast %lt3A : i32 to vector<2560x1xi32>
    %lt3A_45 = arith.cmpi slt, %add3A_43, %lt3A_44 : vector<2560x1xi32>
    %mul3A_46 = vector.broadcast %get3A_1 : vector<2560x1xf32> to vector<2560x16xf32>
    %mul3A_47 = arith.mulf %dot_general3A_39, %mul3A_46 : vector<2560x16xf32>
    %jit3A = arith.constant 0.000000e+00 : f32
    %broadcast_in_dim3A = vector.shape_cast %lt3A_45 : vector<2560x1xi1> to vector<2560x1xi1>
    %broadcast_in_dim3A_48 = vector.broadcast %broadcast_in_dim3A : vector<2560x1xi1> to vector<2560x16xi1>
    %broadcast_in_dim3A_49 = vector.broadcast %jit3A : f32 to vector<2560x16xf32>
    %select_n3A = arith.select %broadcast_in_dim3A_48, %mul3A_47, %broadcast_in_dim3A_49 : vector<2560x16xi1>, vector<2560x16xf32>
    %swap3A = arith.constant 0 : index
    %swap3A_50 = arith.constant 0 : index
    %swap3A_51 = vector.load %arg9[%swap3A, %swap3A_50] : memref<2560x16xf32, #tpu.memory_space<vmem>>, vector<2560x16xf32>
    tpu.vector_store %arg9[%swap3A, %swap3A_50], %select_n3A {strides = array<i32>} : memref<2560x16xf32, #tpu.memory_space<vmem>>, vector<2560x16xf32>,
    return
  }
  func.func @transform_0(%arg0: i32) -> (i32, i32, i32) {
    %c0_i32 = arith.constant 0 : i32
    %c0_i32_0 = arith.constant 0 : i32
    %c0_i32_1 = arith.constant 0 : i32
    return %c0_i32, %arg0, %c0_i32_0 : i32, i32, i32
  }
  func.func @transform_1(%arg0: i32) -> (i32, i32, i32) {
    %c1_i32 = arith.constant 1 : i32
    %c0_i32 = arith.constant 0 : i32
    %c0_i32_0 = arith.constant 0 : i32
    return %c1_i32, %arg0, %c0_i32 : i32, i32, i32
  }
  func.func @transform_2(%arg0: i32) -> (i32, i32, i32) {
    %c0_i32 = arith.constant 0 : i32
    %c0_i32_0 = arith.constant 0 : i32
    %c0_i32_1 = arith.constant 0 : i32
    return %c0_i32, %arg0, %c0_i32_0 : i32, i32, i32
  }
  func.func @transform_3(%arg0: i32) -> (i32, i32, i32) {
    %c1_i32 = arith.constant 1 : i32
    %c0_i32 = arith.constant 0 : i32
    %c0_i32_0 = arith.constant 0 : i32
    return %c1_i32, %arg0, %c0_i32 : i32, i32, i32
  }
  func.func @transform_4(%arg0: i32) -> (i32, i32) {
    %c0_i32 = arith.constant 0 : i32
    %c0_i32_0 = arith.constant 0 : i32
    return %arg0, %c0_i32 : i32, i32
  }
  func.func @transform_5(%arg0: i32) -> (i32, i32) {
    %c0_i32 = arith.constant 0 : i32
    %c0_i32_0 = arith.constant 0 : i32
    %c0_i32_1 = arith.constant 0 : i32
    return %c0_i32, %c0_i32_0 : i32, i32
  }
  func.func @transform_6(%arg0: i32) -> (i32, i32) {
    %c0_i32 = arith.constant 0 : i32
    %c0_i32_0 = arith.constant 0 : i32
    %c0_i32_1 = arith.constant 0 : i32
    return %c0_i32, %c0_i32_0 : i32, i32
  }
  func.func @transform_7(%arg0: i32) -> (i32, i32) {
    %c0_i32 = arith.constant 0 : i32
    %c0_i32_0 = arith.constant 0 : i32
    %c0_i32_1 = arith.constant 0 : i32
    return %c0_i32, %c0_i32_0 : i32, i32
  }
  func.func @transform_8(%arg0: i32) -> (i32, i32) {
    %c0_i32 = arith.constant 0 : i32
    %c0_i32_0 = arith.constant 0 : i32
    return %arg0, %c0_i32 : i32, i32
  }
}

module attributes {stable_mosaic.version = 14 : i64} {
  func.func @body(%arg0: i32, %arg1: memref<1x2560x16xf32, #tpu.memory_space<vmem>>, %arg2: memref<1x2560x16xf32, #tpu.memory_space<vmem>>, %arg3: memref<2560x16xf32, #tpu.memory_space<vmem>>, %arg4: memref<2560x1xf32, #tpu.memory_space<vmem>>, %arg5: memref<1x16xf32, #tpu.memory_space<vmem>>, %arg6: memref<2560x2xf32, #tpu.memory_space<vmem>>) attributes {dimension_semantics = [#tpu.dimension_semantics<arbitrary>], iteration_bounds = array<i64: 4>, scalar_prefetch = 0 : i64, scratch_operands = 0 : i64, tpu.core_type = #tpu.core_type<tc>, window_params = [{transform_indices = @transform_0, window_bounds = array<i64: 1, 2560, 16>}, {transform_indices = @transform_1, window_bounds = array<i64: 1, 2560, 16>}, {transform_indices = @transform_2, window_bounds = array<i64: 2560, 16>}, {transform_indices = @transform_3, window_bounds = array<i64: 2560, 1>}, {pipeline_mode = #tpu.pipeline_mode<synchronous>, transform_indices = @transform_4, window_bounds = array<i64: 1, 16>}, {transform_indices = @transform_5, window_bounds = array<i64: 2560, 2>}]} {
    %get3A = arith.constant 0 : index
    %get3A_0 = arith.constant 0 : index
    %get3A_1 = arith.constant 0 : index
    %get3A_2 = vector.load %arg1[%get3A, %get3A_0, %get3A_1] : memref<1x2560x16xf32, #tpu.memory_space<vmem>>, vector<1x2560x16xf32>
    %get3A_3 = vector.shape_cast %get3A_2 : vector<1x2560x16xf32> to vector<2560x16xf32>
    %get3A_4 = arith.constant 0 : index
    %get3A_5 = arith.constant 0 : index
    %get3A_6 = arith.constant 0 : index
    %get3A_7 = vector.load %arg2[%get3A_4, %get3A_5, %get3A_6] : memref<1x2560x16xf32, #tpu.memory_space<vmem>>, vector<1x2560x16xf32>
    %get3A_8 = vector.shape_cast %get3A_7 : vector<1x2560x16xf32> to vector<2560x16xf32>
    %add3A = arith.addf %get3A_3, %get3A_8 : vector<2560x16xf32>
    %get3A_9 = arith.constant 0 : index
    %get3A_10 = arith.constant 0 : index
    %get3A_11 = vector.load %arg3[%get3A_9, %get3A_10] : memref<2560x16xf32, #tpu.memory_space<vmem>>, vector<2560x16xf32>
    %add3A_12 = arith.addf %add3A, %get3A_11 : vector<2560x16xf32>
    %get3A_13 = arith.constant 0 : index
    %get3A_14 = arith.constant 0 : index
    %get3A_15 = vector.load %arg4[%get3A_13, %get3A_14] : memref<2560x1xf32, #tpu.memory_space<vmem>>, vector<2560x1xf32>
    %mul3A = vector.broadcast %get3A_15 : vector<2560x1xf32> to vector<2560x16xf32>
    %mul3A_16 = arith.mulf %add3A_12, %mul3A : vector<2560x16xf32>
    %get3A_17 = arith.constant 0 : index
    %get3A_18 = arith.constant 0 : index
    %get3A_19 = vector.load %arg5[%get3A_17, %get3A_18] : memref<1x16xf32, #tpu.memory_space<vmem>>, vector<1x16xf32>
    %add3A_20 = vector.broadcast %get3A_19 : vector<1x16xf32> to vector<2560x16xf32>
    %add3A_21 = arith.addf %mul3A_16, %add3A_20 : vector<2560x16xf32>
    %slice3A = vector.extract_strided_slice %add3A_21 {offsets = [0, 0], sizes = [2560, 1], strides = [1, 1]} : vector<2560x16xf32> to vector<2560x1xf32>
    %slice3A_22 = vector.extract_strided_slice %add3A_21 {offsets = [0, 1], sizes = [2560, 1], strides = [1, 1]} : vector<2560x16xf32> to vector<2560x1xf32>
    %max3A = arith.maximumf %slice3A, %slice3A_22 : vector<2560x1xf32>
    %sub3A = arith.subf %slice3A, %max3A : vector<2560x1xf32>
    %exp3A = math.exp %sub3A : vector<2560x1xf32>
    %sub3A_23 = arith.subf %slice3A_22, %max3A : vector<2560x1xf32>
    %exp3A_24 = math.exp %sub3A_23 : vector<2560x1xf32>
    %add3A_25 = arith.addf %exp3A, %exp3A_24 : vector<2560x1xf32>
    %div3A = arith.constant 1.000000e+00 : f32
    %div3A_26 = vector.broadcast %div3A : f32 to vector<2560x1xf32>
    %div3A_27 = arith.divf %div3A_26, %add3A_25 : vector<2560x1xf32>
    %mul3A_28 = arith.mulf %exp3A, %div3A_27 : vector<2560x1xf32>
    %mul3A_29 = arith.mulf %exp3A_24, %div3A_27 : vector<2560x1xf32>
    %concatenate3A = tpu.concatenate %mul3A_28, %mul3A_29 in 1 : vector<2560x1xf32>, vector<2560x1xf32> -> vector<2560x2xf32>
    %swap3A = arith.constant 0 : index
    %swap3A_30 = arith.constant 0 : index
    %swap3A_31 = vector.load %arg6[%swap3A, %swap3A_30] : memref<2560x2xf32, #tpu.memory_space<vmem>>, vector<2560x2xf32>
    tpu.vector_store %arg6[%swap3A, %swap3A_30], %concatenate3A {strides = array<i32>} : memref<2560x2xf32, #tpu.memory_space<vmem>>, vector<2560x2xf32>,
    return
  }
  func.func @transform_0(%arg0: i32) -> (i32, i32, i32) {
    %c0_i32 = arith.constant 0 : i32
    %c0_i32_0 = arith.constant 0 : i32
    %c0_i32_1 = arith.constant 0 : i32
    return %c0_i32, %arg0, %c0_i32_0 : i32, i32, i32
  }
  func.func @transform_1(%arg0: i32) -> (i32, i32, i32) {
    %c1_i32 = arith.constant 1 : i32
    %c0_i32 = arith.constant 0 : i32
    %c0_i32_0 = arith.constant 0 : i32
    return %c1_i32, %arg0, %c0_i32 : i32, i32, i32
  }
  func.func @transform_2(%arg0: i32) -> (i32, i32) {
    %c0_i32 = arith.constant 0 : i32
    %c0_i32_0 = arith.constant 0 : i32
    return %arg0, %c0_i32 : i32, i32
  }
  func.func @transform_3(%arg0: i32) -> (i32, i32) {
    %c0_i32 = arith.constant 0 : i32
    %c0_i32_0 = arith.constant 0 : i32
    return %arg0, %c0_i32 : i32, i32
  }
  func.func @transform_4(%arg0: i32) -> (i32, i32) {
    %c0_i32 = arith.constant 0 : i32
    %c0_i32_0 = arith.constant 0 : i32
    %c0_i32_1 = arith.constant 0 : i32
    return %c0_i32, %c0_i32_0 : i32, i32
  }
  func.func @transform_5(%arg0: i32) -> (i32, i32) {
    %c0_i32 = arith.constant 0 : i32
    %c0_i32_0 = arith.constant 0 : i32
    return %arg0, %c0_i32 : i32, i32
  }
}

</mosaic_0001>

<sc_bundles>
// kernel: kernel.11.cloned.1.call-start
scs
__scs_entry_jumppad:
0x0: {  	(pc) =	sbr.rel $0x88, $3  }
0x1: {  	(tag) =	ssettag $0x0;
	lr =	simm.s32 $0x1  }
0x2: {  	[smem:$0x3F9B] =	sst lr;
	_ =	strace $0xD0000000  }
0x3: {  	_ = 	snop  }
0x4: {  	_ = 	snop  }
0x5: {  	_ = 	snop  }
0x6: {  	_ = 	snop  }
0x7: {  	_ = 	snop  }
__scs_overlays_trampoline_lowered:
0x8: {  	[smem:$0x3FAA] =	sst s0  }
0x9: {  	[smem:$0x3FAB] =	sst s1  }
0xa: {  	[smem:$0x3FAC] =	sst s2  }
0xb: {  	[smem:$0x3FAD] =	sst s3  }
0xc: {  	[smem:$0x3FAE] =	sst s4  }
0xd: {  	[smem:$0x3FAF] =	sst s5  }
0xe: {  	[smem:$0x3FB0] =	sst s6  }
0xf: {  	[smem:$0x3FB1] =	sst s7  }
0x10: {  	[smem:$0x3FB2] =	sst s8  }
0x11: {  	[smem:$0x3FB3] =	sst s9;
	s0 =	simm.s32 @!p0 $0x0  }
0x12: {  	s1 =	sld [smem:$0x3F99];
	s0 =	simm.s32 @p0 $0x1  }
0x13: {  	[smem:$0x3FB4] =	sst s0;
	s0 =	simm.s32 @!p1 $0x0  }
0x14: {  	s2 =	sld [smem:$0x3F98];
	s0 =	simm.s32 @p1 $0x1  }
0x15: {  	[smem:$0x3FB5] =	sst s0;
	s0 =	simm.s32 @!p2 $0x0  }
0x16: {  	s3 =	sld [smem:$0x3FDB];
	s0 =	simm.s32 @p2 $0x1  }
0x17: {  	s4 =	simm.s32 $0x1BF5;
	[smem:$0x3FB7] =	sst s0  }
0x18: {  	s0 =	sld [smem:$0x3F9A];
	_ =	swait.ge [sflag:s4], $0x0  }
0x19: {  	s7 =	sld [smem:$0x3F9B]  }
0x1a: {  	s8 =	sadd.s32 $0xFFFFE003, lr  }
0x1b: {  	s9 =	sadd.s32 $0xFFFFFEF7, lr;
	s5 =	simm.s32 $0xFFFFFFFF;
	p2 =	slt.u32 s8, $0xFFFFF086  }
0x1c: {  	p1 =	slt.u32 s9, $0xF7A;
	s5 =	simm.s32 @!p2 $0x0  }
0x1d: {  	s5 =	simm.s32 @p1 $0x1;
	p0 =	seq.s32 s7, s2  }
0x1e: {  	s7 =	smul.u32 @!p0 $0xF7A, s2;
	p2 =	seq.s32 @!p0 s5, $0x0  }
0x1f: {  	s9 =	smul.u32 $0xF7A, s1;
	s8 =	simm.s32 @!p0 $0x1BF5;
	p2 =	por !p2, p0  }
0x20: {  	[sflag:s8] =	ssyncset.s32 @!p0 $0xFFFFF086;
	s6 =	sadd.s32 @!p0 s3, s7;
	s7 =	simm.s32 @!p0 $0x108  }
0x21: {  	s3 =	sadd.s32 s3, s9;
	s6 =	sadd.s32 @!p0 $0x88, s6;
	s7 =	simm.s32 @p2 $0x1082  }
0x22: {  	[simem:s7], [sflag:s8] =	dma.local @!p0 [hbm:s6], $0xF7A  }
0x23: {  	s9 =	sor.u32 $0xD0000000, s2;
	s6 =	simm.s32 $0x108;
	_ =	swait.ge @!p0 [sflag:s8], $0x0  }
0x24: {  	s3 =	sadd.s32 $0x88, s3;
	s6 =	simm.s32 @!p1 $0x1082;
	[sflag:s4] =	ssyncset.s32 $0xFFFFF086  }
0x25: {  	[simem:s6], [sflag:s4] =	dma.local [hbm:s3], $0xF7A  }
0x26: {  	[smem:$0x3F9B] =	sst s1;
	(tag) =	ssettag s2;
	_ =	strace s9  }
0x27: {  	s1 =	sld [smem:$0x3FAB]  }
0x28: {  	s2 =	sld [smem:$0x3FAC]  }
0x29: {  	s4 =	sld [smem:$0x3FAE]  }
0x2a: {  	p0 =	seq.s32 s5, $0x0;
	s5 =	sld [smem:$0x3FAF]  }
0x2b: {  	s6 =	sld [smem:$0x3FB0]  }
0x2c: {  	s7 =	sld [smem:$0x3FB1]  }
0x2d: {  	s3 =	simm.s32 $0x108;
	s8 =	sld [smem:$0x3FB2]  }
0x2e: {  	s3 =	simm.s32 @!p0 $0x1082;
	s9 =	sld [smem:$0x3FB3]  }
0x2f: {  	lr =	sadd.s32 s0, s3;
	s0 =	sld [smem:$0x3FAA]  }
0x30: {  	s3 =	sld [smem:$0x3FAD]  }
0x31: {  	[smem:$0x3FB6] =	sst s10  }
0x32: {  	s10 =	sld [smem:$0x3FB4];
	_ =	sdelay $0x3  }
0x33: {  	p0 =	seq.s32 s10, $0x1;
	s10 =	sld [smem:$0x3FB6];
	_ =	sdelay $0x3  }
0x34: {  	[smem:$0x3FB6] =	sst s10  }
0x35: {  	s10 =	sld [smem:$0x3FB5];
	_ =	sdelay $0x3  }
0x36: {  	p1 =	seq.s32 s10, $0x1;
	s10 =	sld [smem:$0x3FB6];
	_ =	sdelay $0x3  }
0x37: {  	[smem:$0x3FB6] =	sst s10  }
0x38: {  	s10 =	sld [smem:$0x3FB7]  }
0x39: {  	_ = 	snop;
	(pc) =	sbr.ind lr, $3  }
0x3a: {  	_ = 	snop  }
0x3b: {  	_ = 	snop  }
0x3c: {  	p2 =	seq.s32 s10, $0x1;
	s10 =	sld [smem:$0x3FB6]  }
0x3d: {  	_ =	shalt  }
0x3e: {  	_ =	shalt  }
0x3f: {  	_ =	shalt  }
0x40: {  	_ =	shalt  }
0x41: {  	_ =	shalt  }
0x42: {  	_ =	shalt  }
0x43: {  	_ =	shalt  }
0x44: {  	_ =	shalt  }
0x45: {  	_ =	shalt  }
0x46: {  	_ =	shalt  }
0x47: {  	_ =	shalt  }
0x48: {  	_ =	shalt  }
0x49: {  	_ =	shalt  }
0x4a: {  	_ =	shalt  }
0x4b: {  	_ =	shalt  }
0x4c: {  	_ =	shalt  }
0x4d: {  	_ =	shalt  }
0x4e: {  	_ =	shalt  }
0x4f: {  	_ =	shalt  }
0x50: {  	_ =	shalt  }
0x51: {  	_ =	shalt  }
0x52: {  	_ =	shalt  }
0x53: {  	_ =	shalt  }
0x54: {  	_ =	shalt  }
0x55: {  	_ =	shalt  }
0x56: {  	_ =	shalt  }
0x57: {  	_ =	shalt  }
0x58: {  	_ =	shalt  }
0x59: {  	_ =	shalt  }
0x5a: {  	_ =	shalt  }
0x5b: {  	_ =	shalt  }
0x5c: {  	_ =	shalt  }
0x5d: {  	_ =	shalt  }
0x5e: {  	_ =	shalt  }
0x5f: {  	_ =	shalt  }
0x60: {  	_ =	shalt  }
0x61: {  	_ =	shalt  }
0x62: {  	_ =	shalt  }
0x63: {  	_ =	shalt  }
0x64: {  	_ =	shalt  }
0x65: {  	_ =	shalt  }
0x66: {  	_ =	shalt  }
0x67: {  	_ =	shalt  }
0x68: {  	_ =	shalt  }
0x69: {  	_ =	shalt  }
0x6a: {  	_ =	shalt  }
0x6b: {  	_ =	shalt  }
0x6c: {  	_ =	shalt  }
0x6d: {  	_ =	shalt  }
0x6e: {  	_ =	shalt  }
0x6f: {  	_ =	shalt  }
0x70: {  	_ =	shalt  }
0x71: {  	_ =	shalt  }
0x72: {  	_ =	shalt  }
0x73: {  	_ =	shalt  }
0x74: {  	_ =	shalt  }
0x75: {  	_ =	shalt  }
0x76: {  	_ =	shalt  }
0x77: {  	_ =	shalt  }
0x78: {  	_ =	shalt  }
0x79: {  	_ =	shalt  }
0x7a: {  	_ =	shalt  }
0x7b: {  	_ =	shalt  }
0x7c: {  	_ =	shalt  }
0x7d: {  	_ =	shalt  }
0x7e: {  	_ =	shalt  }
0x7f: {  	_ =	shalt  }
0x80: {  	_ =	shalt  }
0x81: {  	_ =	shalt  }
0x82: {  	_ =	shalt  }
0x83: {  	_ =	shalt  }
0x84: {  	_ =	shalt  }
0x85: {  	_ =	shalt  }
0x86: {  	_ =	shalt  }
0x87: {  	_ =	shalt  }
.Lfunc_end0:
.L_simem_size_0:
called_computation.1_lowered:
.L_overlay_start_0:
0x88: {  	s2 =	sld [smem:$0x3FD9]  }
0x89: {  	s3 =	sld [smem:$0x3FFE];
	_ =	sdelay $0x1  }
0x8a: {  	s1 =	srdreg.scid  }
0x8b: {  	s0 =	sand.u32 $0x1, s1  }
0x8c: {  	s16 =	sshll.u32 s0, $0xA;
	s2 =	sadd.s32 s3, s2  }
0x8d: {  	s2 =	sadd.s32 s2, s16  }
0x8e: {  	[smem:$0x3FC2] =	sst s2  }
0x8f: {  	_ = 	snop  }
0x90: {  	(tm) =	ssettm $0x1  }
0x91: {  	s17 =	sld [smem:$0x3FFB];
	_ =	sdelay $0x3  }
0x92: {  	_ =	strace s17  }
0x93: {  	s2 =	sld [smem:$0x3FFC];
	_ =	sdelay $0x3  }
0x94: {  	_ =	strace s2  }
0x95: {  	s2 =	sld [smem:$0x3FFD];
	_ =	sdelay $0x3  }
0x96: {  	_ =	strace s2  }
0x97: {  	_ =	strace $0x8FFFFFFF  }
0x98: {  	s18 =	sld [smem:$0x3FDB];
	_ =	sdelay $0x1  }
0x99: {  	s19 =	simm.s32 $_scs_section_size  }
0x9a: {  	s4 =	simm.s32 $_size__tile_overlayer_lowered;
	s5 =	simm.s32 $_tile_overlayer_lowered  }
0x9b: {  	s22 =	simm.s32 $0x1BFF;
	s21 =	sshll.u32 s5, $0x1;
	s2 =	sadd.s32 s19, s18  }
0x9c: {  	s6 =	simm.s32 $0x0;
	s20 =	sshll.u32 s4, $0x1;
	s4 =	sadd.s32 s21, s2  }
0x9d: {  	[timem:s6], [sflag:s22] =	dma.local [hbm:s4], s20  }
0x9e: {  	_ =	swait.ge [sflag:s22], s20  }
0x9f: {  	s3 =	ssub.s32 $0x0, s20;
	[sflag:s22] =	ssyncset.done $0x0  }
0xa0: {  	[sflag:s22] =	ssyncadd.s32 s3;
	_ =	sdelay $0x1  }
0xa1: {  	s23 =	simm.s32 $0x1B8B  }
0xa2: {  	_ =	swait.ge [sflag:s23], $0x1  }
0xa3: {  	[sflag:s23] =	ssyncset.done $0x0  }
0xa4: {  	s25 =	simm.s32 $0x1B8E;
	s24 =	sld [smem:$0x3FFE];
	[sflag:s23] =	ssyncadd.s32 $0xFFFFFFFF  }
0xa5: {  	s26 =	simm.s32 $execute0_lowered;
	[smem:$0x3FD2] =	sst s25  }
0xa6: {  	s4 =	sshll.u32 s26, $0x1;
	_ =	strace $0x80000049;
	[dreg:$0x1] =	wrdreg $0xFFFFFFFF  }
0xa7: {  	s28 =	simm.s32 $_size_execute0_lowered;
	s2 =	sadd.s32 s2, s4;
	[dreg:$0x0] =	wrdreg $0x0  }
0xa8: {  	s4 =	sshll.u32 s28, $0x1;
	[dreg:$0x2] =	wrdreg s2  }
0xa9: {  	[dreg:$0x3] =	wrdreg s4  }
0xaa: {  	[dreg:$0x4] =	wrdreg $0xC0  }
0xab: {  	_ =	task [dreg:s6], $0x5FFFF  }
0xac: {  	[dreg:$0x1] =	wrdreg $0xFFFFFFFF  }
0xad: {  	[dreg:$0x0] =	wrdreg $0x60  }
0xae: {  	[dreg:$0x2] =	wrdreg s24  }
0xaf: {  	[dreg:$0x3] =	wrdreg $0xA0000  }
0xb0: {  	[dreg:$0x4] =	wrdreg $0x140000  }
0xb1: {  	[dreg:$0x5] =	wrdreg $0x9  }
0xb2: {  	_ =	task.clear_ibuf [dreg:s6], $0x6FFFF;
	_ =	strace $0x90000049  }
0xb3: {  	s29 =	simm.s32 $0x9;
	_ =	strace $0x8000004B  }
0xb4: {  	_ =	swait.ge [sflag:s29], $0x1  }
0xb5: {  	[sflag:s29] =	ssyncadd.s32 $0xFFFFFFFF  }
0xb6: {  	_ =	strace $0x9000004B  }
0xb7: {  	_ =	sfence  }
0xb8: {  	s30 =	sld [smem:$0x0];
	_ =	sdelay $0x2  }
0xb9: {  	s31 =	sshll.u32 s1, $0xD;
	s1 =	sshrl.u32 s1, $0x2  }
0xba: {  	s3 =	sand.u32 $0x4000, s31;
	s1 =	sadd.s32 s1, s30  }
0xbb: {  	s0 =	sor.u32 s3, s0;
	s1 =	sshll.u32 s1, $0x11  }
0xbc: {  	s0 =	sor.u32 s1, s0  }
0xbd: {  	s0 =	sadd.s32 $0x8F2B, s0  }
0xbe: {  	[sflag:s0] =	ssyncadd.remote.s32 $0x1  }
0xbf: {  	_ =	sfence.sel $0xFFFF  }
0xc0: {  	[dreg:$0x0] =	wrdreg $0xFFFFFFFF;
	(pc) =	sbr.abs _section_cstart, $3  }
0xc1: {  	[dreg:$0x1] =	wrdreg $0xFFFFFFFF  }
0xc2: {  	_ =	task.clear_ibuf [dreg:s6], $0x2FFFF;
	_ =	strace $0x9FFFFFFF  }
0xc3: {  	(tm) =	ssettm $0x7FFFFFFF  }
tec
execute0_lowered:
.L_overlay_start_1:
0x0: {  	(tag) =	ssettag $0x1  }
0x1: {  	s0 =	rddreg [dreg:$0x0]  }
0x2: {  	s1 =	rddreg [dreg:$0x1]  }
0x3: {  	s2 =	rddreg [dreg:$0x2];
	s3 =	srdreg.scid;
	s4 =	simm.s32 $0x0  }
0x4: {  	s16 =	stileid.u32;
	s21 =	simm.s32 $0x100;
	s22 =	simm.s32 $0x2000  }
0x5: {  	s3 =	sand.u32 $0x1, s3;
	[smem:$0x7FF] =	sst s4;
	s11 =	smul.u32 $0xA000, s16  }
0x6: {  	s12 =	sadd.s32 $0x66000, s0;
	s5 =	sadd.s32 $0xC000, s0;
	s6 =	smul.u32 $0x5000, s16  }
0x7: {  	s7 =	sadd.s32 $0x1600, s0;
	s14 =	smul.u32 $0x28000, s16;
	s31 =	sshll.u32 s16, $0x6  }
0x8: {  	s10 =	smul.u32 $0xA0000, s3;
	_ =	strace $0x8000004A;
	s3 =	ssub.s32 $0x2, s3  }
0x9: {  	s16 =	sor.u32 $0x1C03, s31;
	s23 =	sshrl.u32 s3, $0x1;
	s9 =	sshrl.u32 s6, $0x3  }
0xa: {  	s17 =	sadd.s32 s11, s1;
	s28 =	sshrl.u32 s14, $0x2;
	s29 =	sadd.s32 s11, s2  }
0xb: {  	s8 =	sadd.s32 s11, s10;
	s3 =	ssub.s32 s3, s23;
	s24 =	sadd.s32 s7, s9  }
0xc: {  	s25 =	sadd.s32 s5, s9;
	s15 =	sshrl.u32 s10, $0x3;
	s30 =	sadd.s32 s28, s2  }
0xd: {  	s17 =	sshrl.u32 s17, $0x3;
	s18 =	sshrl.u32 s29, $0x3;
	[dreg:$0x4] =	wrdreg s24  }
0xe: {  	s23 =	simm.s32 $0x6000;
	s13 =	sshrl.u32 s8, $0x3;
	[dreg:$0x5] =	wrdreg s25  }
0xf: {  	s19 =	sadd.s32 $0x3C00, s30;
	s20 =	sadd.s32 $0x7800, s30;
	s24 =	simm.s32 $0x1  }
0x10: {  	s25 =	simm.s32 $0x2;
	s0 =	sadd.s32 s13, s0;
	s26 =	sadd.s32 s12, s13  }
0x11: {  	s12 =	sadd.s32 s12, s15;
	s13 =	smax.u32 s3, $0x1;
	s15 =	simm.s32 $0x3  }
0x12: {  	s19 =	sshrl.u32 s19, $0x3;
	s20 =	sshrl.u32 s20, $0x3;
	[dreg:$0x6] =	wrdreg s26  }
0x13: {  	s11 =	sadd.s32 $0x13880, s12;
	s12 =	sadd.s32 $0x8E000, s0;
	s26 =	simm.s32 $0x0  }
.LBB2_1:
0x14: {  	s0 =	rddreg [dreg:$0x4];
	s3 =	simm.s32 $0x1000  }
0x15: {  	[tilespmem:s3], [sflag:$0x3] =	stream.linear.gather [hbm4b:s0+s4], $0x1000, $0x38;
	[tilespmem:$0x1E000] =	vst v63  }
0x16: {  	_ =	swait.ge [sflag:s15], $0x1000  }
0x17: {  	[sflag:s15] =	ssyncset.done $0x0  }
0x18: {  	s8 =	rddreg [dreg:$0x5];
	[sflag:s15] =	ssyncadd.s32 $0xFFFFF000  }
0x19: {  	[tilespmem:s4], [sflag:$0x3] =	stream.linear.gather [hbm4b:s8+s4], $0x1000, $0x38;
	[tilespmem:$0x1E000] =	vst v63  }
0x1a: {  	_ =	swait.ge [sflag:s15], $0x1000  }
0x1b: {  	[sflag:s15] =	ssyncset.done $0x0  }
0x1c: {  	s9 =	rddreg [dreg:$0x6];
	[sflag:s15] =	ssyncadd.s32 $0xFFFFF000  }
0x1d: {  	[spmem:s17], [sflag:s16] =	dma.local [hbm:s9], $0x1400  }
0x1e: {  	_ =	swait.ge [sflag:s15], $0x1400  }
0x1f: {  	[sflag:s15] =	ssyncset.done $0x0  }
0x20: {  	[sflag:s15] =	ssyncadd.s32 $0xFFFFEC00  }
0x21: {  	[spmem:s18], [sflag:s16] =	dma.local [hbm:s11], $0x780  }
0x22: {  	_ =	swait.ge [sflag:s15], $0x780  }
0x23: {  	[sflag:s15] =	ssyncset.done $0x0  }
0x24: {  	[sflag:s15] =	ssyncadd.s32 $0xFFFFF880  }
0x25: {  	[spmem:s19], [sflag:s16] =	dma.local [hbm:s11], $0x780  }
0x26: {  	_ =	swait.ge [sflag:s15], $0x780  }
0x27: {  	[sflag:s15] =	ssyncset.done $0x0  }
0x28: {  	[sflag:s15] =	ssyncadd.s32 $0xFFFFF880  }
0x29: {  	[spmem:s20], [sflag:s16] =	dma.local [hbm:s11], $0x500  }
0x2a: {  	_ =	swait.ge [sflag:s15], $0x500  }
0x2b: {  	[sflag:s15] =	ssyncset.done $0x0  }
0x2c: {  	[sflag:s15] =	ssyncadd.s32 $0xFFFFFB00  }
0x2d: {  	[bflag:$0x0] =	sbarrier.arrive $0xFFFF  }
0x2e: {  	[tilespmem:s22], [sflag:$0x1] =	stream.indirect.gather [spmem:s1], $0x40, s4, s21, $0xb8;
	[tilespmem:$0x1E000] =	vst v63  }
0x2f: {  	_ = 	snop  }
0x30: {  	[tilespmem:s23], [sflag:$0x2] =	stream.indirect.gather [spmem:s1], $0x40, s21, s21, $0xb8;
	[tilespmem:$0x1E000] =	vst v63  }
0x31: {  	s0 =	sand.u32 $0x2000, s4;
	_ =	swait.ge [sflag:s24], $0x4000  }
0x32: {  	s10 =	sshrl.u32 s0, $0x2;
	[sflag:s24] =	ssyncset.done $0x0  }
0x33: {  	s14 =	sor.u32 $0x1000, s10;
	[sflag:s24] =	ssyncadd.s32 $0xFFFFC000  }
0x34: {  	[spmem:s2] =	stream.indirect.scatter.add.f32 [tilespmem:s22], [sflag:$0x3], $0x40, s14, s21, $0xb8;
	[tilespmem:$0x1E000] =	vst v63  }
0x35: {  	_ =	swait.ge [sflag:s15], $0x4000  }
0x36: {  	s31 =	sor.u32 $0x800, s0;
	[sflag:s15] =	ssyncset.done $0x0  }
0x37: {  	s14 =	sshrl.u32 s31, $0x2;
	[sflag:s15] =	ssyncadd.s32 $0xFFFFC000  }
0x38: {  	[tilespmem:s22], [sflag:$0x1] =	stream.indirect.gather [spmem:s1], $0x40, s14, s21, $0xb8;
	[tilespmem:$0x1E000] =	vst v63  }
0x39: {  	_ =	swait.ge [sflag:s25], $0x4000  }
0x3a: {  	[sflag:s25] =	ssyncset.done $0x0  }
0x3b: {  	s3 =	sor.u32 $0x1100, s10;
	[sflag:s25] =	ssyncadd.s32 $0xFFFFC000  }
0x3c: {  	[spmem:s2] =	stream.indirect.scatter.add.f32 [tilespmem:s23], [sflag:$0x3], $0x40, s3, s21, $0xb8;
	[tilespmem:$0x1E000] =	vst v63  }
0x3d: {  	_ =	swait.ge [sflag:s15], $0x4000  }
0x3e: {  	s8 =	sor.u32 $0xC00, s0;
	[sflag:s15] =	ssyncset.done $0x0  }
0x3f: {  	s3 =	sshrl.u32 s8, $0x2;
	[sflag:s15] =	ssyncadd.s32 $0xFFFFC000  }
0x40: {  	[tilespmem:s23], [sflag:$0x2] =	stream.indirect.gather [spmem:s1], $0x40, s3, s21, $0xb8;
	[tilespmem:$0x1E000] =	vst v63  }
0x41: {  	_ =	swait.ge [sflag:s24], $0x4000  }
0x42: {  	[sflag:s24] =	ssyncset.done $0x0  }
0x43: {  	s14 =	sor.u32 $0x1000, s14;
	[sflag:s24] =	ssyncadd.s32 $0xFFFFC000  }
0x44: {  	[spmem:s2] =	stream.indirect.scatter.add.f32 [tilespmem:s22], [sflag:$0x3], $0x40, s14, s21, $0xb8;
	[tilespmem:$0x1E000] =	vst v63  }
0x45: {  	_ =	swait.ge [sflag:s15], $0x4000  }
0x46: {  	s9 =	sor.u32 $0x1000, s0;
	[sflag:s15] =	ssyncset.done $0x0  }
0x47: {  	s14 =	sshrl.u32 s9, $0x2;
	[sflag:s15] =	ssyncadd.s32 $0xFFFFC000  }
0x48: {  	[tilespmem:s22], [sflag:$0x1] =	stream.indirect.gather [spmem:s1], $0x40, s14, s21, $0xb8;
	[tilespmem:$0x1E000] =	vst v63  }
0x49: {  	_ =	swait.ge [sflag:s25], $0x4000  }
0x4a: {  	[sflag:s25] =	ssyncset.done $0x0  }
0x4b: {  	s3 =	sor.u32 $0x1000, s3;
	[sflag:s25] =	ssyncadd.s32 $0xFFFFC000  }
0x4c: {  	[spmem:s2] =	stream.indirect.scatter.add.f32 [tilespmem:s23], [sflag:$0x3], $0x40, s3, s21, $0xb8;
	[tilespmem:$0x1E000] =	vst v63  }
0x4d: {  	_ =	swait.ge [sflag:s15], $0x4000  }
0x4e: {  	s10 =	sor.u32 $0x1400, s0;
	[sflag:s15] =	ssyncset.done $0x0  }
0x4f: {  	s3 =	sshrl.u32 s10, $0x2;
	[sflag:s15] =	ssyncadd.s32 $0xFFFFC000  }
0x50: {  	[tilespmem:s23], [sflag:$0x2] =	stream.indirect.gather [spmem:s1], $0x40, s3, s21, $0xb8;
	[tilespmem:$0x1E000] =	vst v63  }
0x51: {  	_ =	swait.ge [sflag:s24], $0x4000  }
0x52: {  	[sflag:s24] =	ssyncset.done $0x0  }
0x53: {  	s14 =	sor.u32 $0x1000, s14;
	[sflag:s24] =	ssyncadd.s32 $0xFFFFC000  }
0x54: {  	[spmem:s2] =	stream.indirect.scatter.add.f32 [tilespmem:s22], [sflag:$0x3], $0x40, s14, s21, $0xb8;
	[tilespmem:$0x1E000] =	vst v63  }
0x55: {  	_ =	swait.ge [sflag:s15], $0x4000  }
0x56: {  	s31 =	sor.u32 $0x1800, s0;
	[sflag:s15] =	ssyncset.done $0x0  }
0x57: {  	s14 =	sshrl.u32 s31, $0x2;
	[sflag:s15] =	ssyncadd.s32 $0xFFFFC000  }
0x58: {  	[tilespmem:s22], [sflag:$0x1] =	stream.indirect.gather [spmem:s1], $0x40, s14, s21, $0xb8;
	[tilespmem:$0x1E000] =	vst v63  }
0x59: {  	_ =	swait.ge [sflag:s25], $0x4000  }
0x5a: {  	[sflag:s25] =	ssyncset.done $0x0  }
0x5b: {  	s3 =	sor.u32 $0x1000, s3;
	[sflag:s25] =	ssyncadd.s32 $0xFFFFC000  }
0x5c: {  	[spmem:s2] =	stream.indirect.scatter.add.f32 [tilespmem:s23], [sflag:$0x3], $0x40, s3, s21, $0xb8;
	[tilespmem:$0x1E000] =	vst v63  }
0x5d: {  	_ =	swait.ge [sflag:s15], $0x4000  }
0x5e: {  	s8 =	sor.u32 $0x1C00, s0;
	[sflag:s15] =	ssyncset.done $0x0  }
0x5f: {  	s3 =	sshrl.u32 s8, $0x2;
	[sflag:s15] =	ssyncadd.s32 $0xFFFFC000  }
0x60: {  	[tilespmem:s23], [sflag:$0x2] =	stream.indirect.gather [spmem:s1], $0x40, s3, s21, $0xb8;
	[tilespmem:$0x1E000] =	vst v63  }
0x61: {  	_ =	swait.ge [sflag:s24], $0x4000  }
0x62: {  	[sflag:s24] =	ssyncset.done $0x0  }
0x63: {  	s14 =	sor.u32 $0x1000, s14;
	[sflag:s24] =	ssyncadd.s32 $0xFFFFC000  }
0x64: {  	[spmem:s2] =	stream.indirect.scatter.add.f32 [tilespmem:s22], [sflag:$0x3], $0x40, s14, s21, $0xb8;
	[tilespmem:$0x1E000] =	vst v63  }
0x65: {  	_ =	swait.ge [sflag:s15], $0x4000  }
0x66: {  	s0 =	sxor.u32 $0x2000, s0;
	[sflag:s15] =	ssyncset.done $0x0  }
0x67: {  	s0 =	sshrl.u32 s0, $0x2;
	[sflag:s15] =	ssyncadd.s32 $0xFFFFC000  }
0x68: {  	[tilespmem:s22], [sflag:$0x1] =	stream.indirect.gather [spmem:s1], $0x40, s0, s21, $0xb8;
	[tilespmem:$0x1E000] =	vst v63  }
0x69: {  	p0 =	por $0x1, $0x1;
	s0 =	simm.s32 $0x2;
	_ =	swait.ge [sflag:s25], $0x4000  }
0x6a: {  	s0 =	simm.s32 @!p0 $0xFFFFFFF8;
	[sflag:s25] =	ssyncset.done $0x0  }
0x6b: {  	s3 =	sor.u32 $0x1000, s3;
	s0 =	sadd.s32 $0x0, s0;
	[sflag:s25] =	ssyncadd.s32 $0xFFFFC000  }
0x6c: {  	[spmem:s2] =	stream.indirect.scatter.add.f32 [tilespmem:s23], [sflag:$0x3], $0x40, s3, s21, $0xb8;
	[tilespmem:$0x1E000] =	vst v63  }
0x6d: {  	s9 =	simm.s32 $0x2400;
	s0 =	sshll.u32 s0, $0xB;
	_ =	swait.ge [sflag:s15], $0x4000  }
0x6e: {  	s3 =	sand.u32 $0x2400, s9;
	s0 =	sadd.s32 s6, s0;
	[sflag:s15] =	ssyncset.done $0x0  }
0x6f: {  	s3 =	sshrl.u32 s3, $0x2;
	s0 =	sshrl.u32 s0, $0x3;
	[sflag:s15] =	ssyncadd.s32 $0xFFFFC000  }
0x70: {  	[tilespmem:s23], [sflag:$0x2] =	stream.indirect.gather [spmem:s1], $0x40, s3, s21, $0xb8;
	[tilespmem:$0x1E000] =	vst v63  }
0x71: {  	s10 =	sand.u32 $0x800, s4;
	s31 =	sadd.s32 s5, s0  }
0x72: {  	[tilespmem:s10], [sflag:$0x3] =	stream.linear.gather [hbm4b:s31+s4], $0x800, $0x38;
	[tilespmem:$0x1E000] =	vst v63  }
0x73: {  	s28 =	simm.s32 $0x1;
	_ =	swait.ge [sflag:s15], $0x800  }
0x74: {  	s29 =	simm.s32 $0x0;
	s30 =	simm.s32 $0x0;
	[sflag:s15] =	ssyncset.done $0x0  }
0x75: {  	s0 =	sadd.s32 s7, s0;
	s3 =	sor.u32 $0x1000, s10;
	[sflag:s15] =	ssyncadd.s32 $0xFFFFF800  }
0x76: {  	[tilespmem:s3], [sflag:$0x3] =	stream.linear.gather [hbm4b:s0+s4], $0x800, $0x38;
	[tilespmem:$0x1E000] =	vst v63  }
.LBB2_2:
0x77: {  	_ =	swait.ge [sflag:s15], $0x800  }
0x78: {  	s29 =	sadd.s32 $0x2000, s29;
	s30 =	sadd.s32 $0x800, s30;
	s31 =	smov.u32 s28  }
0x79: {  	p0 =	sne.s32 s28, $0x9;
	s28 =	sadd.s32 $0x1, s28;
	[sflag:s15] =	ssyncset.done $0x0  }
0x7a: {  	s14 =	sand.u32 $0x2000, s29;
	[sflag:s15] =	ssyncadd.s32 $0xFFFFF800  }
0x7b: {  	s8 =	sshrl.u32 s14, $0x2;
	s9 =	sor.u32 $0x800, s14;
	_ =	swait.ge [sflag:s24], $0x4000  }
0x7c: {  	s10 =	sor.u32 $0xC00, s14;
	s0 =	sor.u32 $0x1000, s8;
	[sflag:s24] =	ssyncset.done $0x0  }
0x7d: {  	[sflag:s24] =	ssyncadd.s32 $0xFFFFC000  }
0x7e: {  	[spmem:s2] =	stream.indirect.scatter.add.f32 [tilespmem:s22], [sflag:$0x3], $0x40, s0, s21, $0xb8;
	[tilespmem:$0x1E000] =	vst v63  }
0x7f: {  	s3 =	sor.u32 $0x1C00, s14;
	s0 =	sxor.u32 $0x2000, s14;
	_ =	swait.ge [sflag:s15], $0x4000  }
0x80: {  	s9 =	sshrl.u32 s9, $0x2;
	[sflag:s15] =	ssyncset.done $0x0  }
0x81: {  	[sflag:s15] =	ssyncadd.s32 $0xFFFFC000  }
0x82: {  	[tilespmem:s22], [sflag:$0x1] =	stream.indirect.gather [spmem:s1], $0x40, s9, s21, $0xb8;
	[tilespmem:$0x1E000] =	vst v63  }
0x83: {  	_ =	swait.ge [sflag:s25], $0x4000  }
0x84: {  	s8 =	sor.u32 $0x1100, s8;
	[sflag:s25] =	ssyncset.done $0x0  }
0x85: {  	[sflag:s25] =	ssyncadd.s32 $0xFFFFC000  }
0x86: {  	[spmem:s2] =	stream.indirect.scatter.add.f32 [tilespmem:s23], [sflag:$0x3], $0x40, s8, s21, $0xb8;
	[tilespmem:$0x1E000] =	vst v63  }
0x87: {  	_ =	swait.ge [sflag:s15], $0x4000  }
0x88: {  	s8 =	sshrl.u32 s10, $0x2;
	[sflag:s15] =	ssyncset.done $0x0  }
0x89: {  	[sflag:s15] =	ssyncadd.s32 $0xFFFFC000  }
0x8a: {  	[tilespmem:s23], [sflag:$0x2] =	stream.indirect.gather [spmem:s1], $0x40, s8, s21, $0xb8;
	[tilespmem:$0x1E000] =	vst v63  }
0x8b: {  	_ =	swait.ge [sflag:s24], $0x4000  }
0x8c: {  	s9 =	sor.u32 $0x1000, s9;
	[sflag:s24] =	ssyncset.done $0x0  }
0x8d: {  	[sflag:s24] =	ssyncadd.s32 $0xFFFFC000  }
0x8e: {  	[spmem:s2] =	stream.indirect.scatter.add.f32 [tilespmem:s22], [sflag:$0x3], $0x40, s9, s21, $0xb8;
	[tilespmem:$0x1E000] =	vst v63  }
0x8f: {  	s9 =	sor.u32 $0x1000, s14;
	_ =	swait.ge [sflag:s15], $0x4000  }
0x90: {  	s9 =	sshrl.u32 s9, $0x2;
	[sflag:s15] =	ssyncset.done $0x0  }
0x91: {  	[sflag:s15] =	ssyncadd.s32 $0xFFFFC000  }
0x92: {  	[tilespmem:s22], [sflag:$0x1] =	stream.indirect.gather [spmem:s1], $0x40, s9, s21, $0xb8;
	[tilespmem:$0x1E000] =	vst v63  }
0x93: {  	_ =	swait.ge [sflag:s25], $0x4000  }
0x94: {  	s8 =	sor.u32 $0x1000, s8;
	[sflag:s25] =	ssyncset.done $0x0  }
0x95: {  	[sflag:s25] =	ssyncadd.s32 $0xFFFFC000  }
0x96: {  	[spmem:s2] =	stream.indirect.scatter.add.f32 [tilespmem:s23], [sflag:$0x3], $0x40, s8, s21, $0xb8;
	[tilespmem:$0x1E000] =	vst v63  }
0x97: {  	s8 =	sor.u32 $0x1400, s14;
	_ =	swait.ge [sflag:s15], $0x4000  }
0x98: {  	s8 =	sshrl.u32 s8, $0x2;
	[sflag:s15] =	ssyncset.done $0x0  }
0x99: {  	[sflag:s15] =	ssyncadd.s32 $0xFFFFC000  }
0x9a: {  	[tilespmem:s23], [sflag:$0x2] =	stream.indirect.gather [spmem:s1], $0x40, s8, s21, $0xb8;
	[tilespmem:$0x1E000] =	vst v63  }
0x9b: {  	_ =	swait.ge [sflag:s24], $0x4000  }
0x9c: {  	s9 =	sor.u32 $0x1000, s9;
	[sflag:s24] =	ssyncset.done $0x0  }
0x9d: {  	[sflag:s24] =	ssyncadd.s32 $0xFFFFC000  }
0x9e: {  	[spmem:s2] =	stream.indirect.scatter.add.f32 [tilespmem:s22], [sflag:$0x3], $0x40, s9, s21, $0xb8;
	[tilespmem:$0x1E000] =	vst v63  }
0x9f: {  	s9 =	sor.u32 $0x1800, s14;
	_ =	swait.ge [sflag:s15], $0x4000  }
0xa0: {  	s9 =	sshrl.u32 s9, $0x2;
	[sflag:s15] =	ssyncset.done $0x0  }
0xa1: {  	[sflag:s15] =	ssyncadd.s32 $0xFFFFC000  }
0xa2: {  	[tilespmem:s22], [sflag:$0x1] =	stream.indirect.gather [spmem:s1], $0x40, s9, s21, $0xb8;
	[tilespmem:$0x1E000] =	vst v63  }
0xa3: {  	_ =	swait.ge [sflag:s25], $0x4000  }
0xa4: {  	s8 =	sor.u32 $0x1000, s8;
	[sflag:s25] =	ssyncset.done $0x0  }
0xa5: {  	[sflag:s25] =	ssyncadd.s32 $0xFFFFC000  }
0xa6: {  	[spmem:s2] =	stream.indirect.scatter.add.f32 [tilespmem:s23], [sflag:$0x3], $0x40, s8, s21, $0xb8;
	[tilespmem:$0x1E000] =	vst v63  }
0xa7: {  	_ =	swait.ge [sflag:s15], $0x4000  }
0xa8: {  	s3 =	sshrl.u32 s3, $0x2;
	[sflag:s15] =	ssyncset.done $0x0  }
0xa9: {  	[sflag:s15] =	ssyncadd.s32 $0xFFFFC000  }
0xaa: {  	[tilespmem:s23], [sflag:$0x2] =	stream.indirect.gather [spmem:s1], $0x40, s3, s21, $0xb8;
	[tilespmem:$0x1E000] =	vst v63  }
0xab: {  	_ =	swait.ge [sflag:s24], $0x4000  }
0xac: {  	s8 =	sor.u32 $0x1000, s9;
	[sflag:s24] =	ssyncset.done $0x0  }
0xad: {  	[sflag:s24] =	ssyncadd.s32 $0xFFFFC000  }
0xae: {  	[spmem:s2] =	stream.indirect.scatter.add.f32 [tilespmem:s22], [sflag:$0x3], $0x40, s8, s21, $0xb8;
	[tilespmem:$0x1E000] =	vst v63  }
0xaf: {  	_ =	swait.ge [sflag:s15], $0x4000  }
0xb0: {  	s0 =	sshrl.u32 s0, $0x2;
	[sflag:s15] =	ssyncset.done $0x0  }
0xb1: {  	[sflag:s15] =	ssyncadd.s32 $0xFFFFC000  }
0xb2: {  	[tilespmem:s22], [sflag:$0x1] =	stream.indirect.gather [spmem:s1], $0x40, s0, s21, $0xb8;
	[tilespmem:$0x1E000] =	vst v63  }
0xb3: {  	p1 =	slt.u32 s31, $0x8;
	_ =	swait.ge [sflag:s25], $0x4000  }
0xb4: {  	s0 =	sor.u32 $0x1000, s3;
	s3 =	simm.s32 $0x2;
	[sflag:s25] =	ssyncset.done $0x0  }
0xb5: {  	s8 =	sand.u32 $0x800, s30;
	s3 =	simm.s32 @!p1 $0xFFFFFFF8;
	[sflag:s25] =	ssyncadd.s32 $0xFFFFC000  }
0xb6: {  	[spmem:s2] =	stream.indirect.scatter.add.f32 [tilespmem:s23], [sflag:$0x3], $0x40, s0, s21, $0xb8;
	[tilespmem:$0x1E000] =	vst v63  }
0xb7: {  	s3 =	sadd.s32 s31, s3;
	s0 =	sadd.s32 $0x2400, s29;
	_ =	swait.ge [sflag:s15], $0x4000  }
0xb8: {  	s3 =	sshll.u32 s3, $0xB;
	s0 =	sand.u32 $0x2400, s0;
	[sflag:s15] =	ssyncset.done $0x0  }
0xb9: {  	s3 =	sadd.s32 s6, s3;
	s0 =	sshrl.u32 s0, $0x2;
	[sflag:s15] =	ssyncadd.s32 $0xFFFFC000  }
0xba: {  	[tilespmem:s23], [sflag:$0x2] =	stream.indirect.gather [spmem:s1], $0x40, s0, s21, $0xb8;
	[tilespmem:$0x1E000] =	vst v63  }
0xbb: {  	s0 =	sshrl.u32 s3, $0x3  }
0xbc: {  	s3 =	sadd.s32 s5, s0  }
0xbd: {  	[tilespmem:s8], [sflag:$0x3] =	stream.linear.gather [hbm4b:s3+s4], $0x800, $0x38;
	[tilespmem:$0x1E000] =	vst v63  }
.Ltmp0:
0xbe: {  	_ = 	snop;
	(pc) =	sbr.rel @p0 .LBB2_2-.Ltmp0, $4  }
0xbf: {  	s0 =	sadd.s32 s7, s0;
	s3 =	sor.u32 $0x1000, s8;
	_ =	swait.ge [sflag:s15], $0x800  }
0xc0: {  	[sflag:s15] =	ssyncset.done $0x0  }
0xc1: {  	[sflag:s15] =	ssyncadd.s32 $0xFFFFF800  }
0xc2: {  	[tilespmem:s3], [sflag:$0x3] =	stream.linear.gather [hbm4b:s0+s4], $0x800, $0x38;
	[tilespmem:$0x1E000] =	vst v63  }
0xc3: {  	_ =	swait.ge [sflag:s15], $0x800  }
0xc4: {  	[sflag:s15] =	ssyncset.done $0x0  }
0xc5: {  	[sflag:s15] =	ssyncadd.s32 $0xFFFFF800  }
0xc6: {  	_ =	swait.ge [sflag:s24], $0x4000  }
0xc7: {  	[sflag:s24] =	ssyncset.done $0x0  }
0xc8: {  	[sflag:s24] =	ssyncadd.s32 $0xFFFFC000  }
0xc9: {  	_ =	swait.ge [sflag:s25], $0x4000  }
0xca: {  	s26 =	sadd.s32 $0x1, s26;
	[sflag:s25] =	ssyncset.done $0x0  }
0xcb: {  	p0 =	sne.s32 s26, s13;
	[sflag:s25] =	ssyncadd.s32 $0xFFFFC000  }
.Ltmp1:
0xcc: {  	[bflag:$0x0] =	sbarrier.arrive $0xFFFF;
	(pc) =	sbr.rel @p0 .LBB2_1-.Ltmp1, $4  }
0xcd: {  	[hbm:s12], [sflag:s16] =	dma.local [spmem:s18], $0x1400  }
0xce: {  	_ =	swait.ge [sflag:s15], $0x1400  }
0xcf: {  	[sflag:s15] =	ssyncset.done $0x0  }
0xd0: {  	[sflag:s15] =	ssyncadd.s32 $0xFFFFEC00  }
0xd1: {  	_ =	sfence.sel $0x180000  }
0xd2: {  	[bflag:$0x0] =	sbarrier.arrive $0xFFFF  }
0xd3: {  	_ =	strace $0x9000004A  }
0xd4: {  	s0 =	stileid.u32;
	[bflag:$0x2] =	sbarrier.arrive $0xFFFF  }
0xd5: {  	p0 =	sne.s32 s0, $0x0;
	s0 =	rddreg [dreg:$0x3]  }
0xd6: {  	s0 =	sadd.s32 @!p0 $0x100000, s0  }
0xd7: {  	[sflag:s0] =	ssyncadd.tile.s32 @!p0 $0x1;
	_ =	shalt  }
.Lfunc_end2:
_tile_overlayer_lowered:
.L_overlay_start_2:
0xd8: {  	(tag) =	ssettag $0x2  }
0xd9: {  	s0 =	rddreg [dreg:$0x0];
	s2 =	stileid.u32  }
0xda: {  	s1 =	rddreg [dreg:$0x1];
	p0 =	sne.s32 s2, $0x0  }
0xdb: {  	s3 =	rddreg [dreg:$0x2];
	[bflag:$0x3] =	sbarrier.arrive $0xFFFF;
	s2 =	simm.s32 @!p0 $0x1C03  }
0xdc: {  	[timem:s3], [sflag:s2] =	dma.local @!p0 [hbm:s0], s1  }
0xdd: {  	s0 =	simm.s32 @!p0 $0x3  }
0xde: {  	_ =	swait.ge @!p0 [sflag:s0], s1  }
0xdf: {  	s1 =	ssub.s32 @!p0 $0x0, s1;
	[sflag:s0] =	ssyncset.done @!p0 $0x0  }
0xe0: {  	[sflag:s0] =	ssyncadd.s32 @!p0 s1  }
0xe1: {  	[bflag:$0x3] =	sbarrier.arrive $0xFFFF  }
0xe2: {  	_ =	shalt  }

// kernel: kernel.14.cloned.1.call-start
scs
__scs_entry_jumppad:
0x0: {  	(pc) =	sbr.rel $0x88, $3  }
0x1: {  	(tag) =	ssettag $0x0;
	lr =	simm.s32 $0x1  }
0x2: {  	[smem:$0x3F9B] =	sst lr;
	_ =	strace $0xD0000000  }
0x3: {  	_ = 	snop  }
0x4: {  	_ = 	snop  }
0x5: {  	_ = 	snop  }
0x6: {  	_ = 	snop  }
0x7: {  	_ = 	snop  }
__scs_overlays_trampoline_lowered:
0x8: {  	[smem:$0x3FAA] =	sst s0  }
0x9: {  	[smem:$0x3FAB] =	sst s1  }
0xa: {  	[smem:$0x3FAC] =	sst s2  }
0xb: {  	[smem:$0x3FAD] =	sst s3  }
0xc: {  	[smem:$0x3FAE] =	sst s4  }
0xd: {  	[smem:$0x3FAF] =	sst s5  }
0xe: {  	[smem:$0x3FB0] =	sst s6  }
0xf: {  	[smem:$0x3FB1] =	sst s7  }
0x10: {  	[smem:$0x3FB2] =	sst s8  }
0x11: {  	[smem:$0x3FB3] =	sst s9;
	s0 =	simm.s32 @!p0 $0x0  }
0x12: {  	s1 =	sld [smem:$0x3F99];
	s0 =	simm.s32 @p0 $0x1  }
0x13: {  	[smem:$0x3FB4] =	sst s0;
	s0 =	simm.s32 @!p1 $0x0  }
0x14: {  	s2 =	sld [smem:$0x3F98];
	s0 =	simm.s32 @p1 $0x1  }
0x15: {  	[smem:$0x3FB5] =	sst s0;
	s0 =	simm.s32 @!p2 $0x0  }
0x16: {  	s3 =	sld [smem:$0x3FDB];
	s0 =	simm.s32 @p2 $0x1  }
0x17: {  	s4 =	simm.s32 $0x1BF5;
	[smem:$0x3FB7] =	sst s0  }
0x18: {  	s0 =	sld [smem:$0x3F9A];
	_ =	swait.ge [sflag:s4], $0x0  }
0x19: {  	s7 =	sld [smem:$0x3F9B]  }
0x1a: {  	s8 =	sadd.s32 $0xFFFFE003, lr  }
0x1b: {  	s9 =	sadd.s32 $0xFFFFFEF7, lr;
	s5 =	simm.s32 $0xFFFFFFFF;
	p2 =	slt.u32 s8, $0xFFFFF086  }
0x1c: {  	p1 =	slt.u32 s9, $0xF7A;
	s5 =	simm.s32 @!p2 $0x0  }
0x1d: {  	s5 =	simm.s32 @p1 $0x1;
	p0 =	seq.s32 s7, s2  }
0x1e: {  	s7 =	smul.u32 @!p0 $0xF7A, s2;
	p2 =	seq.s32 @!p0 s5, $0x0  }
0x1f: {  	s9 =	smul.u32 $0xF7A, s1;
	s8 =	simm.s32 @!p0 $0x1BF5;
	p2 =	por !p2, p0  }
0x20: {  	[sflag:s8] =	ssyncset.s32 @!p0 $0xFFFFF086;
	s6 =	sadd.s32 @!p0 s3, s7;
	s7 =	simm.s32 @!p0 $0x108  }
0x21: {  	s3 =	sadd.s32 s3, s9;
	s6 =	sadd.s32 @!p0 $0x88, s6;
	s7 =	simm.s32 @p2 $0x1082  }
0x22: {  	[simem:s7], [sflag:s8] =	dma.local @!p0 [hbm:s6], $0xF7A  }
0x23: {  	s9 =	sor.u32 $0xD0000000, s2;
	s6 =	simm.s32 $0x108;
	_ =	swait.ge @!p0 [sflag:s8], $0x0  }
0x24: {  	s3 =	sadd.s32 $0x88, s3;
	s6 =	simm.s32 @!p1 $0x1082;
	[sflag:s4] =	ssyncset.s32 $0xFFFFF086  }
0x25: {  	[simem:s6], [sflag:s4] =	dma.local [hbm:s3], $0xF7A  }
0x26: {  	[smem:$0x3F9B] =	sst s1;
	(tag) =	ssettag s2;
	_ =	strace s9  }
0x27: {  	s1 =	sld [smem:$0x3FAB]  }
0x28: {  	s2 =	sld [smem:$0x3FAC]  }
0x29: {  	s4 =	sld [smem:$0x3FAE]  }
0x2a: {  	p0 =	seq.s32 s5, $0x0;
	s5 =	sld [smem:$0x3FAF]  }
0x2b: {  	s6 =	sld [smem:$0x3FB0]  }
0x2c: {  	s7 =	sld [smem:$0x3FB1]  }
0x2d: {  	s3 =	simm.s32 $0x108;
	s8 =	sld [smem:$0x3FB2]  }
0x2e: {  	s3 =	simm.s32 @!p0 $0x1082;
	s9 =	sld [smem:$0x3FB3]  }
0x2f: {  	lr =	sadd.s32 s0, s3;
	s0 =	sld [smem:$0x3FAA]  }
0x30: {  	s3 =	sld [smem:$0x3FAD]  }
0x31: {  	[smem:$0x3FB6] =	sst s10  }
0x32: {  	s10 =	sld [smem:$0x3FB4];
	_ =	sdelay $0x3  }
0x33: {  	p0 =	seq.s32 s10, $0x1;
	s10 =	sld [smem:$0x3FB6];
	_ =	sdelay $0x3  }
0x34: {  	[smem:$0x3FB6] =	sst s10  }
0x35: {  	s10 =	sld [smem:$0x3FB5];
	_ =	sdelay $0x3  }
0x36: {  	p1 =	seq.s32 s10, $0x1;
	s10 =	sld [smem:$0x3FB6];
	_ =	sdelay $0x3  }
0x37: {  	[smem:$0x3FB6] =	sst s10  }
0x38: {  	s10 =	sld [smem:$0x3FB7]  }
0x39: {  	_ = 	snop;
	(pc) =	sbr.ind lr, $3  }
0x3a: {  	_ = 	snop  }
0x3b: {  	_ = 	snop  }
0x3c: {  	p2 =	seq.s32 s10, $0x1;
	s10 =	sld [smem:$0x3FB6]  }
0x3d: {  	_ =	shalt  }
0x3e: {  	_ =	shalt  }
0x3f: {  	_ =	shalt  }
0x40: {  	_ =	shalt  }
0x41: {  	_ =	shalt  }
0x42: {  	_ =	shalt  }
0x43: {  	_ =	shalt  }
0x44: {  	_ =	shalt  }
0x45: {  	_ =	shalt  }
0x46: {  	_ =	shalt  }
0x47: {  	_ =	shalt  }
0x48: {  	_ =	shalt  }
0x49: {  	_ =	shalt  }
0x4a: {  	_ =	shalt  }
0x4b: {  	_ =	shalt  }
0x4c: {  	_ =	shalt  }
0x4d: {  	_ =	shalt  }
0x4e: {  	_ =	shalt  }
0x4f: {  	_ =	shalt  }
0x50: {  	_ =	shalt  }
0x51: {  	_ =	shalt  }
0x52: {  	_ =	shalt  }
0x53: {  	_ =	shalt  }
0x54: {  	_ =	shalt  }
0x55: {  	_ =	shalt  }
0x56: {  	_ =	shalt  }
0x57: {  	_ =	shalt  }
0x58: {  	_ =	shalt  }
0x59: {  	_ =	shalt  }
0x5a: {  	_ =	shalt  }
0x5b: {  	_ =	shalt  }
0x5c: {  	_ =	shalt  }
0x5d: {  	_ =	shalt  }
0x5e: {  	_ =	shalt  }
0x5f: {  	_ =	shalt  }
0x60: {  	_ =	shalt  }
0x61: {  	_ =	shalt  }
0x62: {  	_ =	shalt  }
0x63: {  	_ =	shalt  }
0x64: {  	_ =	shalt  }
0x65: {  	_ =	shalt  }
0x66: {  	_ =	shalt  }
0x67: {  	_ =	shalt  }
0x68: {  	_ =	shalt  }
0x69: {  	_ =	shalt  }
0x6a: {  	_ =	shalt  }
0x6b: {  	_ =	shalt  }
0x6c: {  	_ =	shalt  }
0x6d: {  	_ =	shalt  }
0x6e: {  	_ =	shalt  }
0x6f: {  	_ =	shalt  }
0x70: {  	_ =	shalt  }
0x71: {  	_ =	shalt  }
0x72: {  	_ =	shalt  }
0x73: {  	_ =	shalt  }
0x74: {  	_ =	shalt  }
0x75: {  	_ =	shalt  }
0x76: {  	_ =	shalt  }
0x77: {  	_ =	shalt  }
0x78: {  	_ =	shalt  }
0x79: {  	_ =	shalt  }
0x7a: {  	_ =	shalt  }
0x7b: {  	_ =	shalt  }
0x7c: {  	_ =	shalt  }
0x7d: {  	_ =	shalt  }
0x7e: {  	_ =	shalt  }
0x7f: {  	_ =	shalt  }
0x80: {  	_ =	shalt  }
0x81: {  	_ =	shalt  }
0x82: {  	_ =	shalt  }
0x83: {  	_ =	shalt  }
0x84: {  	_ =	shalt  }
0x85: {  	_ =	shalt  }
0x86: {  	_ =	shalt  }
0x87: {  	_ =	shalt  }
.Lfunc_end0:
.L_simem_size_0:
called_computation.2_lowered:
.L_overlay_start_0:
0x88: {  	s2 =	sld [smem:$0x3FD9]  }
0x89: {  	s3 =	sld [smem:$0x3FFE];
	_ =	sdelay $0x1  }
0x8a: {  	s1 =	srdreg.scid  }
0x8b: {  	s0 =	sand.u32 $0x1, s1  }
0x8c: {  	s16 =	sshll.u32 s0, $0xA;
	s2 =	sadd.s32 s3, s2  }
0x8d: {  	s2 =	sadd.s32 s2, s16  }
0x8e: {  	[smem:$0x3FC2] =	sst s2  }
0x8f: {  	_ = 	snop  }
0x90: {  	(tm) =	ssettm $0x1  }
0x91: {  	s17 =	sld [smem:$0x3FFB];
	_ =	sdelay $0x3  }
0x92: {  	_ =	strace s17  }
0x93: {  	s2 =	sld [smem:$0x3FFC];
	_ =	sdelay $0x3  }
0x94: {  	_ =	strace s2  }
0x95: {  	s2 =	sld [smem:$0x3FFD];
	_ =	sdelay $0x3  }
0x96: {  	_ =	strace s2  }
0x97: {  	_ =	strace $0x8FFFFFFF  }
0x98: {  	s18 =	sld [smem:$0x3FDB];
	_ =	sdelay $0x1  }
0x99: {  	s19 =	simm.s32 $_scs_section_size  }
0x9a: {  	s4 =	simm.s32 $_size__tile_overlayer_lowered;
	s5 =	simm.s32 $_tile_overlayer_lowered  }
0x9b: {  	s22 =	simm.s32 $0x1BFF;
	s21 =	sshll.u32 s5, $0x1;
	s2 =	sadd.s32 s19, s18  }
0x9c: {  	s6 =	simm.s32 $0x0;
	s20 =	sshll.u32 s4, $0x1;
	s4 =	sadd.s32 s21, s2  }
0x9d: {  	[timem:s6], [sflag:s22] =	dma.local [hbm:s4], s20  }
0x9e: {  	_ =	swait.ge [sflag:s22], s20  }
0x9f: {  	s3 =	ssub.s32 $0x0, s20;
	[sflag:s22] =	ssyncset.done $0x0  }
0xa0: {  	[sflag:s22] =	ssyncadd.s32 s3;
	_ =	sdelay $0x1  }
0xa1: {  	s23 =	simm.s32 $0x1B8B  }
0xa2: {  	_ =	swait.ge [sflag:s23], $0x1  }
0xa3: {  	[sflag:s23] =	ssyncset.done $0x0  }
0xa4: {  	s25 =	simm.s32 $0x1B8E;
	s24 =	sld [smem:$0x3FFE];
	[sflag:s23] =	ssyncadd.s32 $0xFFFFFFFF  }
0xa5: {  	s26 =	simm.s32 $execute0_lowered;
	[smem:$0x3FD2] =	sst s25  }
0xa6: {  	s4 =	sshll.u32 s26, $0x1;
	_ =	strace $0x8000004C;
	[dreg:$0x1] =	wrdreg $0xFFFFFFFF  }
0xa7: {  	s28 =	simm.s32 $_size_execute0_lowered;
	s2 =	sadd.s32 s2, s4;
	[dreg:$0x0] =	wrdreg $0x0  }
0xa8: {  	s4 =	sshll.u32 s28, $0x1;
	[dreg:$0x2] =	wrdreg s2  }
0xa9: {  	[dreg:$0x3] =	wrdreg s4  }
0xaa: {  	[dreg:$0x4] =	wrdreg $0xC0  }
0xab: {  	_ =	task [dreg:s6], $0x5FFFF  }
0xac: {  	[dreg:$0x1] =	wrdreg $0xFFFFFFFF  }
0xad: {  	[dreg:$0x0] =	wrdreg $0x60  }
0xae: {  	[dreg:$0x2] =	wrdreg s24  }
0xaf: {  	[dreg:$0x3] =	wrdreg $0xD0000  }
0xb0: {  	[dreg:$0x4] =	wrdreg $0xF8000  }
0xb1: {  	[dreg:$0x5] =	wrdreg $0x9  }
0xb2: {  	_ =	task.clear_ibuf [dreg:s6], $0x6FFFF;
	_ =	strace $0x9000004C  }
0xb3: {  	s29 =	simm.s32 $0x9;
	_ =	strace $0x8000004E  }
0xb4: {  	_ =	swait.ge [sflag:s29], $0x1  }
0xb5: {  	[sflag:s29] =	ssyncadd.s32 $0xFFFFFFFF  }
0xb6: {  	_ =	strace $0x9000004E  }
0xb7: {  	_ =	sfence  }
0xb8: {  	s30 =	sld [smem:$0x0];
	_ =	sdelay $0x2  }
0xb9: {  	s31 =	sshll.u32 s1, $0xD;
	s1 =	sshrl.u32 s1, $0x2  }
0xba: {  	s3 =	sand.u32 $0x4000, s31;
	s1 =	sadd.s32 s1, s30  }
0xbb: {  	s0 =	sor.u32 s3, s0;
	s1 =	sshll.u32 s1, $0x11  }
0xbc: {  	s0 =	sor.u32 s1, s0  }
0xbd: {  	s0 =	sadd.s32 $0x8F2B, s0  }
0xbe: {  	[sflag:s0] =	ssyncadd.remote.s32 $0x1  }
0xbf: {  	_ =	sfence.sel $0xFFFF  }
0xc0: {  	[dreg:$0x0] =	wrdreg $0xFFFFFFFF;
	(pc) =	sbr.abs _section_cstart, $3  }
0xc1: {  	[dreg:$0x1] =	wrdreg $0xFFFFFFFF  }
0xc2: {  	_ =	task.clear_ibuf [dreg:s6], $0x2FFFF;
	_ =	strace $0x9FFFFFFF  }
0xc3: {  	(tm) =	ssettm $0x7FFFFFFF  }
tec
execute0_lowered:
.L_overlay_start_1:
0x0: {  	(tag) =	ssettag $0x1  }
0x1: {  	s0 =	srdreg.scid;
	s12 =	stileid.u32  }
0x2: {  	s8 =	rddreg [dreg:$0x0];
	s9 =	smul.u32 $0x2800, s12  }
0x3: {  	s2 =	rddreg [dreg:$0x1];
	s1 =	sand.u32 $0x1, s0;
	s13 =	smul.u32 $0xA000, s12  }
0x4: {  	s20 =	simm.s32 $0x800;
	s3 =	sshll.u32 s1, $0x4;
	s6 =	smul.u32 $0x28000, s1  }
0x5: {  	s4 =	sor.u32 s12, s3;
	s3 =	rddreg [dreg:$0x2];
	s7 =	sshrl.u32 s9, $0x3  }
0x6: {  	s5 =	smul.u32 $0x500, s4;
	s4 =	simm.s32 $0x0;
	s7 =	sadd.s32 s7, s8  }
0x7: {  	s6 =	sadd.s32 s9, s6;
	[smem:$0x7FF] =	sst s4;
	s7 =	sadd.s32 $0x16000, s7  }
0x8: {  	_ =	strace $0x8000004D;
	s5 =	sadd.s32 s5, s8;
	[dreg:$0x6] =	wrdreg s7  }
0x9: {  	s6 =	sshrl.u32 s6, $0x3;
	[dreg:$0xb] =	wrdreg s20;
	s10 =	sadd.s32 $0xC000, s5  }
0xa: {  	s6 =	sadd.s32 s6, s8;
	s5 =	sadd.s32 $0x1600, s5;
	[dreg:$0x4] =	wrdreg s10  }
0xb: {  	s6 =	sadd.s32 $0x1B000, s6;
	[dreg:$0x5] =	wrdreg s5;
	s10 =	sshrl.u32 s13, $0x2  }
0xc: {  	s14 =	sadd.s32 s9, s2;
	[dreg:$0x7] =	wrdreg s6;
	s15 =	sadd.s32 s10, s3  }
0xd: {  	s5 =	sshrl.u32 s14, $0x3;
	s19 =	rddreg [dreg:$0x4];
	s10 =	sadd.s32 $0xF00, s15  }
0xe: {  	[tilespmem:s4], [sflag:$0x3] =	stream.linear.gather [hbm4b:s19+s4], $0x2800, $0x38;
	[tilespmem:$0x12000] =	vst v63  }
0xf: {  	[dreg:$0x8] =	wrdreg s5;
	s17 =	sadd.s32 $0x1E00, s15;
	s16 =	sshrl.u32 s10, $0x3  }
0x10: {  	s18 =	sshrl.u32 s17, $0x3;
	[dreg:$0x9] =	wrdreg s16  }
0x11: {  	s5 =	simm.s32 $0x3;
	[dreg:$0xa] =	wrdreg s18  }
0x12: {  	_ =	swait.ge [sflag:s5], $0x2800  }
0x13: {  	[sflag:s5] =	ssyncset.done $0x0  }
0x14: {  	s6 =	simm.s32 $0x2800;
	s21 =	rddreg [dreg:$0x5];
	[sflag:s5] =	ssyncadd.s32 $0xFFFFD800  }
0x15: {  	[tilespmem:s6], [sflag:$0x3] =	stream.linear.gather [hbm4b:s21+s4], $0x2800, $0x38;
	[tilespmem:$0x12000] =	vst v63  }
0x16: {  	_ =	swait.ge [sflag:s5], $0x2800  }
0x17: {  	s23 =	sshll.u32 s12, $0x6;
	s22 =	rddreg [dreg:$0x6];
	[sflag:s5] =	ssyncset.done $0x0  }
0x18: {  	s7 =	sor.u32 $0x1C03, s23;
	s11 =	rddreg [dreg:$0x8];
	[sflag:s5] =	ssyncadd.s32 $0xFFFFD800  }
0x19: {  	[spmem:s11], [sflag:s7] =	dma.local [hbm:s22], $0x500  }
0x1a: {  	_ =	swait.ge [sflag:s5], $0x500  }
0x1b: {  	s9 =	sadd.s32 s9, s3;
	[sflag:s5] =	ssyncset.done $0x0  }
0x1c: {  	s9 =	sshrl.u32 s9, $0x3;
	s8 =	sadd.s32 $0x1AE20, s8;
	[sflag:s5] =	ssyncadd.s32 $0xFFFFFB00  }
0x1d: {  	[spmem:s9], [sflag:s7] =	dma.local [hbm:s8], $0x1E0  }
0x1e: {  	_ =	swait.ge [sflag:s5], $0x1E0  }
0x1f: {  	[sflag:s5] =	ssyncset.done $0x0  }
0x20: {  	s24 =	rddreg [dreg:$0x9];
	[sflag:s5] =	ssyncadd.s32 $0xFFFFFE20  }
0x21: {  	[spmem:s24], [sflag:s7] =	dma.local [hbm:s8], $0x1E0  }
0x22: {  	_ =	swait.ge [sflag:s5], $0x1E0  }
0x23: {  	[sflag:s5] =	ssyncset.done $0x0  }
0x24: {  	s25 =	rddreg [dreg:$0xa];
	[sflag:s5] =	ssyncadd.s32 $0xFFFFFE20  }
0x25: {  	[spmem:s25], [sflag:s7] =	dma.local [hbm:s8], $0x140  }
0x26: {  	_ =	swait.ge [sflag:s5], $0x140  }
0x27: {  	[sflag:s5] =	ssyncset.done $0x0  }
0x28: {  	[sflag:s5] =	ssyncadd.s32 $0xFFFFFEC0  }
0x29: {  	s10 =	simm.s32 $0x400;
	s11 =	simm.s32 $0x5000;
	[bflag:$0x0] =	sbarrier.arrive $0xFFFF  }
0x2a: {  	[tilespmem:s11], [sflag:$0x1] =	stream.indirect.gather [spmem:s2], $0x10, s4, s10, $0xb8;
	[tilespmem:$0x12000] =	vst v63  }
0x2b: {  	s12 =	simm.s32 $0x9000;
	s13 =	simm.s32 $0x1  }
0x2c: {  	[tilespmem:s12], [sflag:$0x2] =	stream.indirect.gather [spmem:s2], $0x10, s10, s10, $0xb8;
	[tilespmem:$0x12000] =	vst v63  }
0x2d: {  	_ =	swait.ge [sflag:s13], $0x4000  }
0x2e: {  	[sflag:s13] =	ssyncset.done $0x0  }
0x2f: {  	[sflag:s13] =	ssyncadd.s32 $0xFFFFC000  }
0x30: {  	[spmem:s3] =	stream.indirect.scatter.add.f32 [tilespmem:s11], [sflag:$0x3], $0x10, s6, s10, $0xb8;
	[tilespmem:$0x12000] =	vst v63  }
0x31: {  	_ =	swait.ge [sflag:s5], $0x4000  }
0x32: {  	[sflag:s5] =	ssyncset.done $0x0  }
0x33: {  	s14 =	simm.s32 $0x2;
	s15 =	rddreg [dreg:$0xb];
	[sflag:s5] =	ssyncadd.s32 $0xFFFFC000  }
0x34: {  	[tilespmem:s11], [sflag:$0x1] =	stream.indirect.gather [spmem:s2], $0x10, s15, s10, $0xb8;
	[tilespmem:$0x12000] =	vst v63  }
0x35: {  	_ =	swait.ge [sflag:s14], $0x4000  }
0x36: {  	[sflag:s14] =	ssyncset.done $0x0  }
0x37: {  	s26 =	simm.s32 $0x2C00;
	[sflag:s14] =	ssyncadd.s32 $0xFFFFC000  }
0x38: {  	[spmem:s3] =	stream.indirect.scatter.add.f32 [tilespmem:s12], [sflag:$0x3], $0x10, s26, s10, $0xb8;
	[tilespmem:$0x12000] =	vst v63  }
0x39: {  	_ =	swait.ge [sflag:s5], $0x4000  }
0x3a: {  	[sflag:s5] =	ssyncset.done $0x0  }
0x3b: {  	s16 =	simm.s32 $0xC00;
	[sflag:s5] =	ssyncadd.s32 $0xFFFFC000  }
0x3c: {  	[tilespmem:s12], [sflag:$0x2] =	stream.indirect.gather [spmem:s2], $0x10, s16, s10, $0xb8;
	[tilespmem:$0x12000] =	vst v63  }
0x3d: {  	_ =	swait.ge [sflag:s13], $0x4000  }
0x3e: {  	[sflag:s13] =	ssyncset.done $0x0  }
0x3f: {  	s17 =	simm.s32 $0x3000;
	[sflag:s13] =	ssyncadd.s32 $0xFFFFC000  }
0x40: {  	[spmem:s3] =	stream.indirect.scatter.add.f32 [tilespmem:s11], [sflag:$0x3], $0x10, s17, s10, $0xb8;
	[tilespmem:$0x12000] =	vst v63  }
0x41: {  	_ =	swait.ge [sflag:s5], $0x4000  }
0x42: {  	[sflag:s5] =	ssyncset.done $0x0  }
0x43: {  	s18 =	simm.s32 $0x1000;
	[sflag:s5] =	ssyncadd.s32 $0xFFFFC000  }
0x44: {  	[tilespmem:s11], [sflag:$0x1] =	stream.indirect.gather [spmem:s2], $0x10, s18, s10, $0xb8;
	[tilespmem:$0x12000] =	vst v63  }
0x45: {  	_ =	swait.ge [sflag:s14], $0x4000  }
0x46: {  	[sflag:s14] =	ssyncset.done $0x0  }
0x47: {  	s19 =	simm.s32 $0x3400;
	[sflag:s14] =	ssyncadd.s32 $0xFFFFC000  }
0x48: {  	[spmem:s3] =	stream.indirect.scatter.add.f32 [tilespmem:s12], [sflag:$0x3], $0x10, s19, s10, $0xb8;
	[tilespmem:$0x12000] =	vst v63  }
0x49: {  	_ =	swait.ge [sflag:s5], $0x4000  }
0x4a: {  	[sflag:s5] =	ssyncset.done $0x0  }
0x4b: {  	s20 =	simm.s32 $0x1400;
	[sflag:s5] =	ssyncadd.s32 $0xFFFFC000  }
0x4c: {  	[tilespmem:s12], [sflag:$0x2] =	stream.indirect.gather [spmem:s2], $0x10, s20, s10, $0xb8;
	[tilespmem:$0x12000] =	vst v63  }
0x4d: {  	_ =	swait.ge [sflag:s13], $0x4000  }
0x4e: {  	[sflag:s13] =	ssyncset.done $0x0  }
0x4f: {  	s21 =	simm.s32 $0x3800;
	[sflag:s13] =	ssyncadd.s32 $0xFFFFC000  }
0x50: {  	[spmem:s3] =	stream.indirect.scatter.add.f32 [tilespmem:s11], [sflag:$0x3], $0x10, s21, s10, $0xb8;
	[tilespmem:$0x12000] =	vst v63  }
0x51: {  	_ =	swait.ge [sflag:s5], $0x4000  }
0x52: {  	[sflag:s5] =	ssyncset.done $0x0  }
0x53: {  	s22 =	simm.s32 $0x1800;
	[sflag:s5] =	ssyncadd.s32 $0xFFFFC000  }
0x54: {  	[tilespmem:s11], [sflag:$0x1] =	stream.indirect.gather [spmem:s2], $0x10, s22, s10, $0xb8;
	[tilespmem:$0x12000] =	vst v63  }
0x55: {  	_ =	swait.ge [sflag:s14], $0x4000  }
0x56: {  	[sflag:s14] =	ssyncset.done $0x0  }
0x57: {  	s23 =	simm.s32 $0x3C00;
	[sflag:s14] =	ssyncadd.s32 $0xFFFFC000  }
0x58: {  	[spmem:s3] =	stream.indirect.scatter.add.f32 [tilespmem:s12], [sflag:$0x3], $0x10, s23, s10, $0xb8;
	[tilespmem:$0x12000] =	vst v63  }
0x59: {  	_ =	swait.ge [sflag:s5], $0x4000  }
0x5a: {  	[sflag:s5] =	ssyncset.done $0x0  }
0x5b: {  	s24 =	simm.s32 $0x1C00;
	[sflag:s5] =	ssyncadd.s32 $0xFFFFC000  }
0x5c: {  	[tilespmem:s12], [sflag:$0x2] =	stream.indirect.gather [spmem:s2], $0x10, s24, s10, $0xb8;
	[tilespmem:$0x12000] =	vst v63  }
0x5d: {  	_ =	swait.ge [sflag:s13], $0x4000  }
0x5e: {  	[sflag:s13] =	ssyncset.done $0x0  }
0x5f: {  	s25 =	simm.s32 $0x4000;
	[sflag:s13] =	ssyncadd.s32 $0xFFFFC000  }
0x60: {  	[spmem:s3] =	stream.indirect.scatter.add.f32 [tilespmem:s11], [sflag:$0x3], $0x10, s25, s10, $0xb8;
	[tilespmem:$0x12000] =	vst v63  }
0x61: {  	_ =	swait.ge [sflag:s5], $0x4000  }
0x62: {  	[sflag:s5] =	ssyncset.done $0x0  }
0x63: {  	s26 =	simm.s32 $0x2000;
	[sflag:s5] =	ssyncadd.s32 $0xFFFFC000  }
0x64: {  	[tilespmem:s11], [sflag:$0x1] =	stream.indirect.gather [spmem:s2], $0x10, s26, s10, $0xb8;
	[tilespmem:$0x12000] =	vst v63  }
0x65: {  	_ =	swait.ge [sflag:s14], $0x4000  }
0x66: {  	[sflag:s14] =	ssyncset.done $0x0  }
0x67: {  	s28 =	simm.s32 $0x4400;
	[sflag:s14] =	ssyncadd.s32 $0xFFFFC000  }
0x68: {  	[spmem:s3] =	stream.indirect.scatter.add.f32 [tilespmem:s12], [sflag:$0x3], $0x10, s28, s10, $0xb8;
	[tilespmem:$0x12000] =	vst v63  }
0x69: {  	_ =	swait.ge [sflag:s5], $0x4000  }
0x6a: {  	[sflag:s5] =	ssyncset.done $0x0  }
0x6b: {  	s29 =	simm.s32 $0x2400;
	[sflag:s5] =	ssyncadd.s32 $0xFFFFC000  }
0x6c: {  	[tilespmem:s12], [sflag:$0x2] =	stream.indirect.gather [spmem:s2], $0x10, s29, s10, $0xb8;
	[tilespmem:$0x12000] =	vst v63  }
0x6d: {  	_ =	swait.ge [sflag:s13], $0x4000  }
0x6e: {  	[sflag:s13] =	ssyncset.done $0x0  }
0x6f: {  	s30 =	simm.s32 $0x4800;
	[sflag:s13] =	ssyncadd.s32 $0xFFFFC000  }
0x70: {  	[spmem:s3] =	stream.indirect.scatter.add.f32 [tilespmem:s11], [sflag:$0x3], $0x10, s30, s10, $0xb8;
	[tilespmem:$0x12000] =	vst v63  }
0x71: {  	_ =	swait.ge [sflag:s5], $0x4000  }
0x72: {  	[sflag:s5] =	ssyncset.done $0x0  }
0x73: {  	[sflag:s5] =	ssyncadd.s32 $0xFFFFC000  }
0x74: {  	[tilespmem:s11], [sflag:$0x1] =	stream.indirect.gather [spmem:s2], $0x10, s4, s10, $0xb8;
	[tilespmem:$0x12000] =	vst v63  }
0x75: {  	_ =	swait.ge [sflag:s14], $0x4000  }
0x76: {  	[sflag:s14] =	ssyncset.done $0x0  }
0x77: {  	s31 =	simm.s32 $0x4C00;
	[sflag:s14] =	ssyncadd.s32 $0xFFFFC000  }
0x78: {  	[spmem:s3] =	stream.indirect.scatter.add.f32 [tilespmem:s12], [sflag:$0x3], $0x10, s31, s10, $0xb8;
	[tilespmem:$0x12000] =	vst v63  }
0x79: {  	_ =	swait.ge [sflag:s5], $0x4000  }
0x7a: {  	[sflag:s5] =	ssyncset.done $0x0  }
0x7b: {  	[sflag:s5] =	ssyncadd.s32 $0xFFFFC000  }
0x7c: {  	[tilespmem:s12], [sflag:$0x2] =	stream.indirect.gather [spmem:s2], $0x10, s10, s10, $0xb8;
	[tilespmem:$0x12000] =	vst v63  }
0x7d: {  	s1 =	ssub.s32 $0x2, s1;
	_ =	swait.ge [sflag:s13], $0x4000  }
0x7e: {  	s0 =	sshrl.u32 s1, $0x1;
	[sflag:s13] =	ssyncset.done $0x0  }
0x7f: {  	s0 =	ssub.s32 s1, s0;
	[sflag:s13] =	ssyncadd.s32 $0xFFFFC000  }
0x80: {  	s0 =	smax.u32 s0, $0x1;
	_ =	swait.ge [sflag:s14], $0x4000  }
0x81: {  	p0 =	sne.s32 s0, $0x1;
	[sflag:s14] =	ssyncset.done $0x0  }
.Ltmp0:
0x82: {  	[sflag:s14] =	ssyncadd.s32 $0xFFFFC000;
	(pc) =	sbr.rel @!p0 .LBB2_2-.Ltmp0, $4  }
0x83: {  	[bflag:$0x0] =	sbarrier.arrive $0xFFFF  }
0x84: {  	s15 =	rddreg [dreg:$0x7]  }
0x85: {  	[hbm:s15], [sflag:s7] =	dma.local [spmem:s9], $0x500  }
0x86: {  	s1 =	sadd.s32 $0xFFFFFFFF, s0;
	_ =	swait.ge [sflag:s5], $0x500  }
.LBB2_1:
0x87: {  	[sflag:s5] =	ssyncset.done $0x0  }
0x88: {  	s0 =	rddreg [dreg:$0x4];
	[sflag:s5] =	ssyncadd.s32 $0xFFFFFB00  }
0x89: {  	[tilespmem:s4], [sflag:$0x3] =	stream.linear.gather [hbm4b:s0+s4], $0x2800, $0x38;
	[tilespmem:$0x12000] =	vst v63  }
0x8a: {  	_ =	swait.ge [sflag:s5], $0x2800  }
0x8b: {  	[sflag:s5] =	ssyncset.done $0x0  }
0x8c: {  	s15 =	rddreg [dreg:$0x5];
	[sflag:s5] =	ssyncadd.s32 $0xFFFFD800  }
0x8d: {  	[tilespmem:s6], [sflag:$0x3] =	stream.linear.gather [hbm4b:s15+s4], $0x2800, $0x38;
	[tilespmem:$0x12000] =	vst v63  }
0x8e: {  	_ =	swait.ge [sflag:s5], $0x2800  }
0x8f: {  	[sflag:s5] =	ssyncset.done $0x0;
	s0 =	rddreg [dreg:$0x6]  }
0x90: {  	s15 =	rddreg [dreg:$0x8];
	[sflag:s5] =	ssyncadd.s32 $0xFFFFD800  }
0x91: {  	[spmem:s15], [sflag:s7] =	dma.local [hbm:s0], $0x500  }
0x92: {  	_ =	swait.ge [sflag:s5], $0x500  }
0x93: {  	[sflag:s5] =	ssyncset.done $0x0  }
0x94: {  	[sflag:s5] =	ssyncadd.s32 $0xFFFFFB00  }
0x95: {  	[spmem:s9], [sflag:s7] =	dma.local [hbm:s8], $0x1E0  }
0x96: {  	_ =	swait.ge [sflag:s5], $0x1E0  }
0x97: {  	[sflag:s5] =	ssyncset.done $0x0  }
0x98: {  	s15 =	rddreg [dreg:$0x9];
	[sflag:s5] =	ssyncadd.s32 $0xFFFFFE20  }
0x99: {  	[spmem:s15], [sflag:s7] =	dma.local [hbm:s8], $0x1E0  }
0x9a: {  	_ =	swait.ge [sflag:s5], $0x1E0  }
0x9b: {  	[sflag:s5] =	ssyncset.done $0x0  }
0x9c: {  	s15 =	rddreg [dreg:$0xa];
	[sflag:s5] =	ssyncadd.s32 $0xFFFFFE20  }
0x9d: {  	[spmem:s15], [sflag:s7] =	dma.local [hbm:s8], $0x140  }
0x9e: {  	_ =	swait.ge [sflag:s5], $0x140  }
0x9f: {  	[sflag:s5] =	ssyncset.done $0x0  }
0xa0: {  	[sflag:s5] =	ssyncadd.s32 $0xFFFFFEC0  }
0xa1: {  	[bflag:$0x0] =	sbarrier.arrive $0xFFFF  }
0xa2: {  	[tilespmem:s11], [sflag:$0x1] =	stream.indirect.gather [spmem:s2], $0x10, s4, s10, $0xb8;
	[tilespmem:$0x12000] =	vst v63  }
0xa3: {  	_ = 	snop  }
0xa4: {  	[tilespmem:s12], [sflag:$0x2] =	stream.indirect.gather [spmem:s2], $0x10, s10, s10, $0xb8;
	[tilespmem:$0x12000] =	vst v63  }
0xa5: {  	_ =	swait.ge [sflag:s13], $0x4000  }
0xa6: {  	[sflag:s13] =	ssyncset.done $0x0  }
0xa7: {  	[sflag:s13] =	ssyncadd.s32 $0xFFFFC000  }
0xa8: {  	[spmem:s3] =	stream.indirect.scatter.add.f32 [tilespmem:s11], [sflag:$0x3], $0x10, s6, s10, $0xb8;
	[tilespmem:$0x12000] =	vst v63  }
0xa9: {  	_ =	swait.ge [sflag:s5], $0x4000  }
0xaa: {  	[sflag:s5] =	ssyncset.done $0x0  }
0xab: {  	s15 =	rddreg [dreg:$0xb];
	[sflag:s5] =	ssyncadd.s32 $0xFFFFC000  }
0xac: {  	[tilespmem:s11], [sflag:$0x1] =	stream.indirect.gather [spmem:s2], $0x10, s15, s10, $0xb8;
	[tilespmem:$0x12000] =	vst v63  }
0xad: {  	_ =	swait.ge [sflag:s14], $0x4000  }
0xae: {  	[sflag:s14] =	ssyncset.done $0x0  }
0xaf: {  	s15 =	simm.s32 $0x2C00;
	[sflag:s14] =	ssyncadd.s32 $0xFFFFC000  }
0xb0: {  	[spmem:s3] =	stream.indirect.scatter.add.f32 [tilespmem:s12], [sflag:$0x3], $0x10, s15, s10, $0xb8;
	[tilespmem:$0x12000] =	vst v63  }
0xb1: {  	_ =	swait.ge [sflag:s5], $0x4000  }
0xb2: {  	[sflag:s5] =	ssyncset.done $0x0  }
0xb3: {  	[sflag:s5] =	ssyncadd.s32 $0xFFFFC000  }
0xb4: {  	[tilespmem:s12], [sflag:$0x2] =	stream.indirect.gather [spmem:s2], $0x10, s16, s10, $0xb8;
	[tilespmem:$0x12000] =	vst v63  }
0xb5: {  	_ =	swait.ge [sflag:s13], $0x4000  }
0xb6: {  	[sflag:s13] =	ssyncset.done $0x0  }
0xb7: {  	[sflag:s13] =	ssyncadd.s32 $0xFFFFC000  }
0xb8: {  	[spmem:s3] =	stream.indirect.scatter.add.f32 [tilespmem:s11], [sflag:$0x3], $0x10, s17, s10, $0xb8;
	[tilespmem:$0x12000] =	vst v63  }
0xb9: {  	_ =	swait.ge [sflag:s5], $0x4000  }
0xba: {  	[sflag:s5] =	ssyncset.done $0x0  }
0xbb: {  	[sflag:s5] =	ssyncadd.s32 $0xFFFFC000  }
0xbc: {  	[tilespmem:s11], [sflag:$0x1] =	stream.indirect.gather [spmem:s2], $0x10, s18, s10, $0xb8;
	[tilespmem:$0x12000] =	vst v63  }
0xbd: {  	_ =	swait.ge [sflag:s14], $0x4000  }
0xbe: {  	[sflag:s14] =	ssyncset.done $0x0  }
0xbf: {  	[sflag:s14] =	ssyncadd.s32 $0xFFFFC000  }
0xc0: {  	[spmem:s3] =	stream.indirect.scatter.add.f32 [tilespmem:s12], [sflag:$0x3], $0x10, s19, s10, $0xb8;
	[tilespmem:$0x12000] =	vst v63  }
0xc1: {  	_ =	swait.ge [sflag:s5], $0x4000  }
0xc2: {  	[sflag:s5] =	ssyncset.done $0x0  }
0xc3: {  	[sflag:s5] =	ssyncadd.s32 $0xFFFFC000  }
0xc4: {  	[tilespmem:s12], [sflag:$0x2] =	stream.indirect.gather [spmem:s2], $0x10, s20, s10, $0xb8;
	[tilespmem:$0x12000] =	vst v63  }
0xc5: {  	_ =	swait.ge [sflag:s13], $0x4000  }
0xc6: {  	[sflag:s13] =	ssyncset.done $0x0  }
0xc7: {  	[sflag:s13] =	ssyncadd.s32 $0xFFFFC000  }
0xc8: {  	[spmem:s3] =	stream.indirect.scatter.add.f32 [tilespmem:s11], [sflag:$0x3], $0x10, s21, s10, $0xb8;
	[tilespmem:$0x12000] =	vst v63  }
0xc9: {  	_ =	swait.ge [sflag:s5], $0x4000  }
0xca: {  	[sflag:s5] =	ssyncset.done $0x0  }
0xcb: {  	[sflag:s5] =	ssyncadd.s32 $0xFFFFC000  }
0xcc: {  	[tilespmem:s11], [sflag:$0x1] =	stream.indirect.gather [spmem:s2], $0x10, s22, s10, $0xb8;
	[tilespmem:$0x12000] =	vst v63  }
0xcd: {  	_ =	swait.ge [sflag:s14], $0x4000  }
0xce: {  	[sflag:s14] =	ssyncset.done $0x0  }
0xcf: {  	[sflag:s14] =	ssyncadd.s32 $0xFFFFC000  }
0xd0: {  	[spmem:s3] =	stream.indirect.scatter.add.f32 [tilespmem:s12], [sflag:$0x3], $0x10, s23, s10, $0xb8;
	[tilespmem:$0x12000] =	vst v63  }
0xd1: {  	_ =	swait.ge [sflag:s5], $0x4000  }
0xd2: {  	[sflag:s5] =	ssyncset.done $0x0  }
0xd3: {  	[sflag:s5] =	ssyncadd.s32 $0xFFFFC000  }
0xd4: {  	[tilespmem:s12], [sflag:$0x2] =	stream.indirect.gather [spmem:s2], $0x10, s24, s10, $0xb8;
	[tilespmem:$0x12000] =	vst v63  }
0xd5: {  	_ =	swait.ge [sflag:s13], $0x4000  }
0xd6: {  	[sflag:s13] =	ssyncset.done $0x0  }
0xd7: {  	[sflag:s13] =	ssyncadd.s32 $0xFFFFC000  }
0xd8: {  	[spmem:s3] =	stream.indirect.scatter.add.f32 [tilespmem:s11], [sflag:$0x3], $0x10, s25, s10, $0xb8;
	[tilespmem:$0x12000] =	vst v63  }
0xd9: {  	_ =	swait.ge [sflag:s5], $0x4000  }
0xda: {  	[sflag:s5] =	ssyncset.done $0x0  }
0xdb: {  	[sflag:s5] =	ssyncadd.s32 $0xFFFFC000  }
0xdc: {  	[tilespmem:s11], [sflag:$0x1] =	stream.indirect.gather [spmem:s2], $0x10, s26, s10, $0xb8;
	[tilespmem:$0x12000] =	vst v63  }
0xdd: {  	_ =	swait.ge [sflag:s14], $0x4000  }
0xde: {  	[sflag:s14] =	ssyncset.done $0x0  }
0xdf: {  	[sflag:s14] =	ssyncadd.s32 $0xFFFFC000  }
0xe0: {  	[spmem:s3] =	stream.indirect.scatter.add.f32 [tilespmem:s12], [sflag:$0x3], $0x10, s28, s10, $0xb8;
	[tilespmem:$0x12000] =	vst v63  }
0xe1: {  	_ =	swait.ge [sflag:s5], $0x4000  }
0xe2: {  	[sflag:s5] =	ssyncset.done $0x0  }
0xe3: {  	[sflag:s5] =	ssyncadd.s32 $0xFFFFC000  }
0xe4: {  	[tilespmem:s12], [sflag:$0x2] =	stream.indirect.gather [spmem:s2], $0x10, s29, s10, $0xb8;
	[tilespmem:$0x12000] =	vst v63  }
0xe5: {  	_ =	swait.ge [sflag:s13], $0x4000  }
0xe6: {  	[sflag:s13] =	ssyncset.done $0x0  }
0xe7: {  	[sflag:s13] =	ssyncadd.s32 $0xFFFFC000  }
0xe8: {  	[spmem:s3] =	stream.indirect.scatter.add.f32 [tilespmem:s11], [sflag:$0x3], $0x10, s30, s10, $0xb8;
	[tilespmem:$0x12000] =	vst v63  }
0xe9: {  	_ =	swait.ge [sflag:s5], $0x4000  }
0xea: {  	[sflag:s5] =	ssyncset.done $0x0  }
0xeb: {  	[sflag:s5] =	ssyncadd.s32 $0xFFFFC000  }
0xec: {  	[tilespmem:s11], [sflag:$0x1] =	stream.indirect.gather [spmem:s2], $0x10, s4, s10, $0xb8;
	[tilespmem:$0x12000] =	vst v63  }
0xed: {  	_ =	swait.ge [sflag:s14], $0x4000  }
0xee: {  	[sflag:s14] =	ssyncset.done $0x0  }
0xef: {  	[sflag:s14] =	ssyncadd.s32 $0xFFFFC000  }
0xf0: {  	[spmem:s3] =	stream.indirect.scatter.add.f32 [tilespmem:s12], [sflag:$0x3], $0x10, s31, s10, $0xb8;
	[tilespmem:$0x12000] =	vst v63  }
0xf1: {  	_ =	swait.ge [sflag:s5], $0x4000  }
0xf2: {  	[sflag:s5] =	ssyncset.done $0x0  }
0xf3: {  	[sflag:s5] =	ssyncadd.s32 $0xFFFFC000  }
0xf4: {  	[tilespmem:s12], [sflag:$0x2] =	stream.indirect.gather [spmem:s2], $0x10, s10, s10, $0xb8;
	[tilespmem:$0x12000] =	vst v63  }
0xf5: {  	_ =	swait.ge [sflag:s13], $0x4000  }
0xf6: {  	[sflag:s13] =	ssyncset.done $0x0  }
0xf7: {  	[sflag:s13] =	ssyncadd.s32 $0xFFFFC000  }
0xf8: {  	_ =	swait.ge [sflag:s14], $0x4000  }
0xf9: {  	p0 =	sne.s32 s1, $0x1;
	[sflag:s14] =	ssyncset.done $0x0  }
.Ltmp1:
0xfa: {  	[sflag:s14] =	ssyncadd.s32 $0xFFFFC000;
	(pc) =	sbr.rel @p0 .LBB2_1-.Ltmp1, $4  }
0xfb: {  	[bflag:$0x0] =	sbarrier.arrive $0xFFFF  }
0xfc: {  	s15 =	rddreg [dreg:$0x7]  }
0xfd: {  	[hbm:s15], [sflag:s7] =	dma.local [spmem:s9], $0x500  }
0xfe: {  	s1 =	sadd.s32 $0xFFFFFFFF, s1;
	_ =	swait.ge [sflag:s5], $0x500  }
.LBB2_2:
0xff: {  	[sflag:s5] =	ssyncset.done $0x0  }
0x100: {  	[sflag:s5] =	ssyncadd.s32 $0xFFFFFB00  }
0x101: {  	_ =	sfence.sel $0x180000  }
0x102: {  	[bflag:$0x0] =	sbarrier.arrive $0xFFFF  }
0x103: {  	_ =	strace $0x9000004D  }
0x104: {  	s0 =	stileid.u32;
	[bflag:$0x2] =	sbarrier.arrive $0xFFFF  }
0x105: {  	p0 =	sne.s32 s0, $0x0;
	s0 =	rddreg [dreg:$0x3]  }
0x106: {  	s0 =	sadd.s32 @!p0 $0x100000, s0  }
0x107: {  	[sflag:s0] =	ssyncadd.tile.s32 @!p0 $0x1;
	_ =	shalt  }
.Lfunc_end2:
_tile_overlayer_lowered:
.L_overlay_start_2:
0x108: {  	(tag) =	ssettag $0x2  }
0x109: {  	s0 =	rddreg [dreg:$0x0];
	s2 =	stileid.u32  }
0x10a: {  	s1 =	rddreg [dreg:$0x1];
	p0 =	sne.s32 s2, $0x0  }
0x10b: {  	s3 =	rddreg [dreg:$0x2];
	[bflag:$0x3] =	sbarrier.arrive $0xFFFF;
	s2 =	simm.s32 @!p0 $0x1C03  }
0x10c: {  	[timem:s3], [sflag:s2] =	dma.local @!p0 [hbm:s0], s1  }
0x10d: {  	s0 =	simm.s32 @!p0 $0x3  }
0x10e: {  	_ =	swait.ge @!p0 [sflag:s0], s1  }
0x10f: {  	s1 =	ssub.s32 @!p0 $0x0, s1;
	[sflag:s0] =	ssyncset.done @!p0 $0x0  }
0x110: {  	[sflag:s0] =	ssyncadd.s32 @!p0 s1  }
0x111: {  	[bflag:$0x3] =	sbarrier.arrive $0xFFFF  }
0x112: {  	_ =	shalt  }

// kernel: kernel.8.cloned.1.call-start
scs
__scs_entry_jumppad:
0x0: {  	(pc) =	sbr.rel $0x88, $3  }
0x1: {  	(tag) =	ssettag $0x0;
	lr =	simm.s32 $0x1  }
0x2: {  	[smem:$0x3F9B] =	sst lr;
	_ =	strace $0xD0000000  }
0x3: {  	_ = 	snop  }
0x4: {  	_ = 	snop  }
0x5: {  	_ = 	snop  }
0x6: {  	_ = 	snop  }
0x7: {  	_ = 	snop  }
__scs_overlays_trampoline_lowered:
0x8: {  	[smem:$0x3FAA] =	sst s0  }
0x9: {  	[smem:$0x3FAB] =	sst s1  }
0xa: {  	[smem:$0x3FAC] =	sst s2  }
0xb: {  	[smem:$0x3FAD] =	sst s3  }
0xc: {  	[smem:$0x3FAE] =	sst s4  }
0xd: {  	[smem:$0x3FAF] =	sst s5  }
0xe: {  	[smem:$0x3FB0] =	sst s6  }
0xf: {  	[smem:$0x3FB1] =	sst s7  }
0x10: {  	[smem:$0x3FB2] =	sst s8  }
0x11: {  	[smem:$0x3FB3] =	sst s9;
	s0 =	simm.s32 @!p0 $0x0  }
0x12: {  	s1 =	sld [smem:$0x3F99];
	s0 =	simm.s32 @p0 $0x1  }
0x13: {  	[smem:$0x3FB4] =	sst s0;
	s0 =	simm.s32 @!p1 $0x0  }
0x14: {  	s2 =	sld [smem:$0x3F98];
	s0 =	simm.s32 @p1 $0x1  }
0x15: {  	[smem:$0x3FB5] =	sst s0;
	s0 =	simm.s32 @!p2 $0x0  }
0x16: {  	s3 =	sld [smem:$0x3FDB];
	s0 =	simm.s32 @p2 $0x1  }
0x17: {  	s4 =	simm.s32 $0x1BF5;
	[smem:$0x3FB7] =	sst s0  }
0x18: {  	s0 =	sld [smem:$0x3F9A];
	_ =	swait.ge [sflag:s4], $0x0  }
0x19: {  	s7 =	sld [smem:$0x3F9B]  }
0x1a: {  	s8 =	sadd.s32 $0xFFFFE003, lr  }
0x1b: {  	s9 =	sadd.s32 $0xFFFFFEF7, lr;
	s5 =	simm.s32 $0xFFFFFFFF;
	p2 =	slt.u32 s8, $0xFFFFF086  }
0x1c: {  	p1 =	slt.u32 s9, $0xF7A;
	s5 =	simm.s32 @!p2 $0x0  }
0x1d: {  	s5 =	simm.s32 @p1 $0x1;
	p0 =	seq.s32 s7, s2  }
0x1e: {  	s7 =	smul.u32 @!p0 $0xF7A, s2;
	p2 =	seq.s32 @!p0 s5, $0x0  }
0x1f: {  	s9 =	smul.u32 $0xF7A, s1;
	s8 =	simm.s32 @!p0 $0x1BF5;
	p2 =	por !p2, p0  }
0x20: {  	[sflag:s8] =	ssyncset.s32 @!p0 $0xFFFFF086;
	s6 =	sadd.s32 @!p0 s3, s7;
	s7 =	simm.s32 @!p0 $0x108  }
0x21: {  	s3 =	sadd.s32 s3, s9;
	s6 =	sadd.s32 @!p0 $0x88, s6;
	s7 =	simm.s32 @p2 $0x1082  }
0x22: {  	[simem:s7], [sflag:s8] =	dma.local @!p0 [hbm:s6], $0xF7A  }
0x23: {  	s9 =	sor.u32 $0xD0000000, s2;
	s6 =	simm.s32 $0x108;
	_ =	swait.ge @!p0 [sflag:s8], $0x0  }
0x24: {  	s3 =	sadd.s32 $0x88, s3;
	s6 =	simm.s32 @!p1 $0x1082;
	[sflag:s4] =	ssyncset.s32 $0xFFFFF086  }
0x25: {  	[simem:s6], [sflag:s4] =	dma.local [hbm:s3], $0xF7A  }
0x26: {  	[smem:$0x3F9B] =	sst s1;
	(tag) =	ssettag s2;
	_ =	strace s9  }
0x27: {  	s1 =	sld [smem:$0x3FAB]  }
0x28: {  	s2 =	sld [smem:$0x3FAC]  }
0x29: {  	s4 =	sld [smem:$0x3FAE]  }
0x2a: {  	p0 =	seq.s32 s5, $0x0;
	s5 =	sld [smem:$0x3FAF]  }
0x2b: {  	s6 =	sld [smem:$0x3FB0]  }
0x2c: {  	s7 =	sld [smem:$0x3FB1]  }
0x2d: {  	s3 =	simm.s32 $0x108;
	s8 =	sld [smem:$0x3FB2]  }
0x2e: {  	s3 =	simm.s32 @!p0 $0x1082;
	s9 =	sld [smem:$0x3FB3]  }
0x2f: {  	lr =	sadd.s32 s0, s3;
	s0 =	sld [smem:$0x3FAA]  }
0x30: {  	s3 =	sld [smem:$0x3FAD]  }
0x31: {  	[smem:$0x3FB6] =	sst s10  }
0x32: {  	s10 =	sld [smem:$0x3FB4];
	_ =	sdelay $0x3  }
0x33: {  	p0 =	seq.s32 s10, $0x1;
	s10 =	sld [smem:$0x3FB6];
	_ =	sdelay $0x3  }
0x34: {  	[smem:$0x3FB6] =	sst s10  }
0x35: {  	s10 =	sld [smem:$0x3FB5];
	_ =	sdelay $0x3  }
0x36: {  	p1 =	seq.s32 s10, $0x1;
	s10 =	sld [smem:$0x3FB6];
	_ =	sdelay $0x3  }
0x37: {  	[smem:$0x3FB6] =	sst s10  }
0x38: {  	s10 =	sld [smem:$0x3FB7]  }
0x39: {  	_ = 	snop;
	(pc) =	sbr.ind lr, $3  }
0x3a: {  	_ = 	snop  }
0x3b: {  	_ = 	snop  }
0x3c: {  	p2 =	seq.s32 s10, $0x1;
	s10 =	sld [smem:$0x3FB6]  }
0x3d: {  	_ =	shalt  }
0x3e: {  	_ =	shalt  }
0x3f: {  	_ =	shalt  }
0x40: {  	_ =	shalt  }
0x41: {  	_ =	shalt  }
0x42: {  	_ =	shalt  }
0x43: {  	_ =	shalt  }
0x44: {  	_ =	shalt  }
0x45: {  	_ =	shalt  }
0x46: {  	_ =	shalt  }
0x47: {  	_ =	shalt  }
0x48: {  	_ =	shalt  }
0x49: {  	_ =	shalt  }
0x4a: {  	_ =	shalt  }
0x4b: {  	_ =	shalt  }
0x4c: {  	_ =	shalt  }
0x4d: {  	_ =	shalt  }
0x4e: {  	_ =	shalt  }
0x4f: {  	_ =	shalt  }
0x50: {  	_ =	shalt  }
0x51: {  	_ =	shalt  }
0x52: {  	_ =	shalt  }
0x53: {  	_ =	shalt  }
0x54: {  	_ =	shalt  }
0x55: {  	_ =	shalt  }
0x56: {  	_ =	shalt  }
0x57: {  	_ =	shalt  }
0x58: {  	_ =	shalt  }
0x59: {  	_ =	shalt  }
0x5a: {  	_ =	shalt  }
0x5b: {  	_ =	shalt  }
0x5c: {  	_ =	shalt  }
0x5d: {  	_ =	shalt  }
0x5e: {  	_ =	shalt  }
0x5f: {  	_ =	shalt  }
0x60: {  	_ =	shalt  }
0x61: {  	_ =	shalt  }
0x62: {  	_ =	shalt  }
0x63: {  	_ =	shalt  }
0x64: {  	_ =	shalt  }
0x65: {  	_ =	shalt  }
0x66: {  	_ =	shalt  }
0x67: {  	_ =	shalt  }
0x68: {  	_ =	shalt  }
0x69: {  	_ =	shalt  }
0x6a: {  	_ =	shalt  }
0x6b: {  	_ =	shalt  }
0x6c: {  	_ =	shalt  }
0x6d: {  	_ =	shalt  }
0x6e: {  	_ =	shalt  }
0x6f: {  	_ =	shalt  }
0x70: {  	_ =	shalt  }
0x71: {  	_ =	shalt  }
0x72: {  	_ =	shalt  }
0x73: {  	_ =	shalt  }
0x74: {  	_ =	shalt  }
0x75: {  	_ =	shalt  }
0x76: {  	_ =	shalt  }
0x77: {  	_ =	shalt  }
0x78: {  	_ =	shalt  }
0x79: {  	_ =	shalt  }
0x7a: {  	_ =	shalt  }
0x7b: {  	_ =	shalt  }
0x7c: {  	_ =	shalt  }
0x7d: {  	_ =	shalt  }
0x7e: {  	_ =	shalt  }
0x7f: {  	_ =	shalt  }
0x80: {  	_ =	shalt  }
0x81: {  	_ =	shalt  }
0x82: {  	_ =	shalt  }
0x83: {  	_ =	shalt  }
0x84: {  	_ =	shalt  }
0x85: {  	_ =	shalt  }
0x86: {  	_ =	shalt  }
0x87: {  	_ =	shalt  }
.Lfunc_end0:
.L_simem_size_0:
called_computation_lowered:
.L_overlay_start_0:
0x88: {  	s2 =	sld [smem:$0x3FD9]  }
0x89: {  	s3 =	sld [smem:$0x3FFE];
	_ =	sdelay $0x1  }
0x8a: {  	s1 =	srdreg.scid  }
0x8b: {  	s0 =	sand.u32 $0x1, s1  }
0x8c: {  	s16 =	sshll.u32 s0, $0xA;
	s2 =	sadd.s32 s3, s2  }
0x8d: {  	s2 =	sadd.s32 s2, s16  }
0x8e: {  	[smem:$0x3FC2] =	sst s2  }
0x8f: {  	_ = 	snop  }
0x90: {  	(tm) =	ssettm $0x1  }
0x91: {  	s17 =	sld [smem:$0x3FFB];
	_ =	sdelay $0x3  }
0x92: {  	_ =	strace s17  }
0x93: {  	s2 =	sld [smem:$0x3FFC];
	_ =	sdelay $0x3  }
0x94: {  	_ =	strace s2  }
0x95: {  	s2 =	sld [smem:$0x3FFD];
	_ =	sdelay $0x3  }
0x96: {  	_ =	strace s2  }
0x97: {  	_ =	strace $0x8FFFFFFF  }
0x98: {  	s18 =	sld [smem:$0x3FDB];
	_ =	sdelay $0x1  }
0x99: {  	s19 =	simm.s32 $_scs_section_size  }
0x9a: {  	s4 =	simm.s32 $_size__tile_overlayer_lowered;
	s5 =	simm.s32 $_tile_overlayer_lowered  }
0x9b: {  	s22 =	simm.s32 $0x1BFF;
	s21 =	sshll.u32 s5, $0x1;
	s2 =	sadd.s32 s19, s18  }
0x9c: {  	s6 =	simm.s32 $0x0;
	s20 =	sshll.u32 s4, $0x1;
	s4 =	sadd.s32 s21, s2  }
0x9d: {  	[timem:s6], [sflag:s22] =	dma.local [hbm:s4], s20  }
0x9e: {  	_ =	swait.ge [sflag:s22], s20  }
0x9f: {  	s3 =	ssub.s32 $0x0, s20;
	[sflag:s22] =	ssyncset.done $0x0  }
0xa0: {  	[sflag:s22] =	ssyncadd.s32 s3;
	_ =	sdelay $0x1  }
0xa1: {  	s23 =	simm.s32 $0x1B8B  }
0xa2: {  	_ =	swait.ge [sflag:s23], $0x1  }
0xa3: {  	[sflag:s23] =	ssyncset.done $0x0  }
0xa4: {  	s25 =	simm.s32 $0x1B8E;
	s24 =	sld [smem:$0x3FFE];
	[sflag:s23] =	ssyncadd.s32 $0xFFFFFFFF  }
0xa5: {  	s26 =	simm.s32 $execute0_lowered;
	[smem:$0x3FD2] =	sst s25  }
0xa6: {  	s4 =	sshll.u32 s26, $0x1;
	_ =	strace $0x80000046;
	[dreg:$0x1] =	wrdreg $0xFFFFFFFF  }
0xa7: {  	s28 =	simm.s32 $_size_execute0_lowered;
	s2 =	sadd.s32 s2, s4;
	[dreg:$0x0] =	wrdreg $0x0  }
0xa8: {  	s4 =	sshll.u32 s28, $0x1;
	[dreg:$0x2] =	wrdreg s2  }
0xa9: {  	[dreg:$0x3] =	wrdreg s4  }
0xaa: {  	[dreg:$0x4] =	wrdreg $0xC0  }
0xab: {  	_ =	task [dreg:s6], $0x5FFFF  }
0xac: {  	[dreg:$0x1] =	wrdreg $0xFFFFFFFF  }
0xad: {  	[dreg:$0x0] =	wrdreg $0x60  }
0xae: {  	[dreg:$0x2] =	wrdreg s24  }
0xaf: {  	[dreg:$0x3] =	wrdreg $0x2E800  }
0xb0: {  	[dreg:$0x4] =	wrdreg $0x9  }
0xb1: {  	_ =	task.clear_ibuf [dreg:s6], $0x5FFFF;
	_ =	strace $0x90000046  }
0xb2: {  	s29 =	simm.s32 $0x9;
	_ =	strace $0x80000048  }
0xb3: {  	_ =	swait.ge [sflag:s29], $0x1  }
0xb4: {  	[sflag:s29] =	ssyncadd.s32 $0xFFFFFFFF  }
0xb5: {  	_ =	strace $0x90000048  }
0xb6: {  	_ =	sfence  }
0xb7: {  	s30 =	sld [smem:$0x0];
	_ =	sdelay $0x2  }
0xb8: {  	s31 =	sshll.u32 s1, $0xD;
	s1 =	sshrl.u32 s1, $0x2  }
0xb9: {  	s3 =	sand.u32 $0x4000, s31;
	s1 =	sadd.s32 s1, s30  }
0xba: {  	s0 =	sor.u32 s3, s0;
	s1 =	sshll.u32 s1, $0x11  }
0xbb: {  	s0 =	sor.u32 s1, s0  }
0xbc: {  	s0 =	sadd.s32 $0x8F2B, s0  }
0xbd: {  	[sflag:s0] =	ssyncadd.remote.s32 $0x1  }
0xbe: {  	_ =	sfence.sel $0xFFFF  }
0xbf: {  	[dreg:$0x0] =	wrdreg $0xFFFFFFFF;
	(pc) =	sbr.abs _section_cstart, $3  }
0xc0: {  	[dreg:$0x1] =	wrdreg $0xFFFFFFFF  }
0xc1: {  	_ =	task.clear_ibuf [dreg:s6], $0x2FFFF;
	_ =	strace $0x9FFFFFFF  }
0xc2: {  	(tm) =	ssettm $0x7FFFFFFF  }
0xc3: {  	_ =	shalt  }
tec
execute0_lowered:
.L_overlay_start_1:
0x0: {  	(tag) =	ssettag $0x1  }
0x1: {  	s4 =	rddreg [dreg:$0x0];
	s0 =	srdreg.scid  }
0x2: {  	s2 =	rddreg [dreg:$0x1];
	s1 =	stileid.u32  }
0x3: {  	s3 =	simm.s32 $0x0;
	s10 =	simm.s32 $0x400;
	s11 =	simm.s32 $0x2800  }
0x4: {  	s12 =	simm.s32 $0x800;
	s13 =	simm.s32 $0xC00;
	s14 =	simm.s32 $0x1000  }
0x5: {  	s15 =	simm.s32 $0x1400;
	s16 =	simm.s32 $0x1800;
	s17 =	simm.s32 $0x1C00  }
0x6: {  	s18 =	simm.s32 $0x2000;
	s5 =	sand.u32 $0x1, s0;
	s0 =	rddreg [dreg:$0x2]  }
0x7: {  	s19 =	simm.s32 $0x2400;
	s7 =	smul.u32 $0x280, s1;
	[smem:$0x7FF] =	sst s3  }
0x8: {  	s20 =	sshll.u32 s1, $0x6;
	s6 =	sshll.u32 s5, $0x4;
	s8 =	smul.u32 $0x2800, s5  }
0x9: {  	_ =	strace $0x80000047;
	s5 =	ssub.s32 $0x2, s5;
	s6 =	sor.u32 s1, s6  }
0xa: {  	s20 =	sor.u32 $0x1C01, s20;
	s9 =	sshrl.u32 s5, $0x1;
	s6 =	smul.u32 $0x500, s6  }
0xb: {  	s8 =	sadd.s32 s7, s8;
	s9 =	ssub.s32 s5, s9;
	s5 =	sadd.s32 s7, s2  }
0xc: {  	s8 =	sshrl.u32 s8, $0x3;
	s7 =	smax.u32 s9, $0x1;
	s9 =	simm.s32 $0x2C00  }
0xd: {  	s21 =	sshrl.u32 s5, $0x3;
	s6 =	sadd.s32 s6, s4;
	s8 =	sadd.s32 s8, s4  }
0xe: {  	v0 =	vimm.f32 $1.000000000e+00;
	v1 =	vimm.f32 $0.0e+00;
	s4 =	sadd.s32 $0x1600, s6;
	s6 =	sadd.s32 $0xB600, s8;
	s8 =	simm.s32 $0x1  }
.LBB2_1:
0xf: {  	[tilespmem:s3], [sflag:$0x1] =	stream.linear.gather [hbm4b:s4+s3], $0x2800, $0x38;
	[tilespmem:$0x3100] =	vst v63  }
0x10: {  	_ =	swait.ge [sflag:s8], $0x2800  }
0x11: {  	[sflag:s8] =	ssyncset.done $0x0  }
0x12: {  	[sflag:s8] =	ssyncadd.s32 $0xFFFFD800  }
0x13: {  	[tilespmem:$0x2800] =	vst v0  }
0x14: {  	[tilespmem:$0x2810] =	vst v0  }
0x15: {  	[tilespmem:$0x2820] =	vst v0  }
0x16: {  	[tilespmem:$0x2830] =	vst v0  }
0x17: {  	[tilespmem:$0x2840] =	vst v0  }
0x18: {  	[tilespmem:$0x2850] =	vst v0  }
0x19: {  	[tilespmem:$0x2860] =	vst v0  }
0x1a: {  	[tilespmem:$0x2870] =	vst v0  }
0x1b: {  	[tilespmem:$0x2880] =	vst v0  }
0x1c: {  	[tilespmem:$0x2890] =	vst v0  }
0x1d: {  	[tilespmem:$0x28A0] =	vst v0  }
0x1e: {  	[tilespmem:$0x28B0] =	vst v0  }
0x1f: {  	[tilespmem:$0x28C0] =	vst v0  }
0x20: {  	[tilespmem:$0x28D0] =	vst v0  }
0x21: {  	[tilespmem:$0x28E0] =	vst v0  }
0x22: {  	[tilespmem:$0x28F0] =	vst v0  }
0x23: {  	[tilespmem:$0x2900] =	vst v0  }
0x24: {  	[tilespmem:$0x2910] =	vst v0  }
0x25: {  	[tilespmem:$0x2920] =	vst v0  }
0x26: {  	[tilespmem:$0x2930] =	vst v0  }
0x27: {  	[tilespmem:$0x2940] =	vst v0  }
0x28: {  	[tilespmem:$0x2950] =	vst v0  }
0x29: {  	[tilespmem:$0x2960] =	vst v0  }
0x2a: {  	[tilespmem:$0x2970] =	vst v0  }
0x2b: {  	[tilespmem:$0x2980] =	vst v0  }
0x2c: {  	[tilespmem:$0x2990] =	vst v0  }
0x2d: {  	[tilespmem:$0x29A0] =	vst v0  }
0x2e: {  	[tilespmem:$0x29B0] =	vst v0  }
0x2f: {  	[tilespmem:$0x29C0] =	vst v0  }
0x30: {  	[tilespmem:$0x29D0] =	vst v0  }
0x31: {  	[tilespmem:$0x29E0] =	vst v0  }
0x32: {  	[tilespmem:$0x29F0] =	vst v0  }
0x33: {  	[tilespmem:$0x2A00] =	vst v0  }
0x34: {  	[tilespmem:$0x2A10] =	vst v0  }
0x35: {  	[tilespmem:$0x2A20] =	vst v0  }
0x36: {  	[tilespmem:$0x2A30] =	vst v0  }
0x37: {  	[tilespmem:$0x2A40] =	vst v0  }
0x38: {  	[tilespmem:$0x2A50] =	vst v0  }
0x39: {  	[tilespmem:$0x2A60] =	vst v0  }
0x3a: {  	[tilespmem:$0x2A70] =	vst v0  }
0x3b: {  	[tilespmem:$0x2A80] =	vst v0  }
0x3c: {  	[tilespmem:$0x2A90] =	vst v0  }
0x3d: {  	[tilespmem:$0x2AA0] =	vst v0  }
0x3e: {  	[tilespmem:$0x2AB0] =	vst v0  }
0x3f: {  	[tilespmem:$0x2AC0] =	vst v0  }
0x40: {  	[tilespmem:$0x2AD0] =	vst v0  }
0x41: {  	[tilespmem:$0x2AE0] =	vst v0  }
0x42: {  	[tilespmem:$0x2AF0] =	vst v0  }
0x43: {  	[tilespmem:$0x2B00] =	vst v0  }
0x44: {  	[tilespmem:$0x2B10] =	vst v0  }
0x45: {  	[tilespmem:$0x2B20] =	vst v0  }
0x46: {  	[tilespmem:$0x2B30] =	vst v0  }
0x47: {  	[tilespmem:$0x2B40] =	vst v0  }
0x48: {  	[tilespmem:$0x2B50] =	vst v0  }
0x49: {  	[tilespmem:$0x2B60] =	vst v0  }
0x4a: {  	[tilespmem:$0x2B70] =	vst v0  }
0x4b: {  	[tilespmem:$0x2B80] =	vst v0  }
0x4c: {  	[tilespmem:$0x2B90] =	vst v0  }
0x4d: {  	[tilespmem:$0x2BA0] =	vst v0  }
0x4e: {  	[tilespmem:$0x2BB0] =	vst v0  }
0x4f: {  	[tilespmem:$0x2BC0] =	vst v0  }
0x50: {  	[tilespmem:$0x2BD0] =	vst v0  }
0x51: {  	[tilespmem:$0x2BE0] =	vst v0  }
0x52: {  	[tilespmem:$0x2BF0] =	vst v0  }
0x53: {  	[tilespmem:$0x2C00] =	vst v1  }
0x54: {  	[tilespmem:$0x2C10] =	vst v1  }
0x55: {  	[tilespmem:$0x2C20] =	vst v1  }
0x56: {  	[tilespmem:$0x2C30] =	vst v1  }
0x57: {  	[tilespmem:$0x2C40] =	vst v1  }
0x58: {  	[tilespmem:$0x2C50] =	vst v1  }
0x59: {  	[tilespmem:$0x2C60] =	vst v1  }
0x5a: {  	[tilespmem:$0x2C70] =	vst v1  }
0x5b: {  	[tilespmem:$0x2C80] =	vst v1  }
0x5c: {  	[tilespmem:$0x2C90] =	vst v1  }
0x5d: {  	[tilespmem:$0x2CA0] =	vst v1  }
0x5e: {  	[tilespmem:$0x2CB0] =	vst v1  }
0x5f: {  	[tilespmem:$0x2CC0] =	vst v1  }
0x60: {  	[tilespmem:$0x2CD0] =	vst v1  }
0x61: {  	[tilespmem:$0x2CE0] =	vst v1  }
0x62: {  	[tilespmem:$0x2CF0] =	vst v1  }
0x63: {  	[tilespmem:$0x2D00] =	vst v1  }
0x64: {  	[tilespmem:$0x2D10] =	vst v1  }
0x65: {  	[tilespmem:$0x2D20] =	vst v1  }
0x66: {  	[tilespmem:$0x2D30] =	vst v1  }
0x67: {  	[tilespmem:$0x2D40] =	vst v1  }
0x68: {  	[tilespmem:$0x2D50] =	vst v1  }
0x69: {  	[tilespmem:$0x2D60] =	vst v1  }
0x6a: {  	[tilespmem:$0x2D70] =	vst v1  }
0x6b: {  	[tilespmem:$0x2D80] =	vst v1  }
0x6c: {  	[tilespmem:$0x2D90] =	vst v1  }
0x6d: {  	[tilespmem:$0x2DA0] =	vst v1  }
0x6e: {  	[tilespmem:$0x2DB0] =	vst v1  }
0x6f: {  	[tilespmem:$0x2DC0] =	vst v1  }
0x70: {  	[tilespmem:$0x2DD0] =	vst v1  }
0x71: {  	[tilespmem:$0x2DE0] =	vst v1  }
0x72: {  	[tilespmem:$0x2DF0] =	vst v1  }
0x73: {  	[tilespmem:$0x2E00] =	vst v1  }
0x74: {  	[tilespmem:$0x2E10] =	vst v1  }
0x75: {  	[tilespmem:$0x2E20] =	vst v1  }
0x76: {  	[tilespmem:$0x2E30] =	vst v1  }
0x77: {  	[tilespmem:$0x2E40] =	vst v1  }
0x78: {  	[tilespmem:$0x2E50] =	vst v1  }
0x79: {  	[tilespmem:$0x2E60] =	vst v1  }
0x7a: {  	[tilespmem:$0x2E70] =	vst v1  }
0x7b: {  	[spmem:s5] =	stream.linear.scatter [tilespmem:s9], [sflag:$0x1], $0x280, $0x38;
	[tilespmem:$0x3100] =	vst v63  }
0x7c: {  	_ =	swait.ge [sflag:s8], $0x280  }
0x7d: {  	[sflag:s8] =	ssyncset.done $0x0  }
0x7e: {  	[sflag:s8] =	ssyncadd.s32 $0xFFFFFD80  }
0x7f: {  	[bflag:$0x0] =	sbarrier.arrive $0xFFFF  }
0x80: {  	[spmem:s2] =	stream.indirect.scatter.add.f32 [tilespmem:s11], [sflag:$0x1], $0x1, s3, s10, $0xb8;
	[tilespmem:$0x3100] =	vst v63  }
0x81: {  	_ =	swait.ge [sflag:s8], $0x400  }
0x82: {  	[sflag:s8] =	ssyncset.done $0x0  }
0x83: {  	[sflag:s8] =	ssyncadd.s32 $0xFFFFFC00  }
0x84: {  	[spmem:s2] =	stream.indirect.scatter.add.f32 [tilespmem:s11], [sflag:$0x1], $0x1, s10, s10, $0xb8;
	[tilespmem:$0x3100] =	vst v63  }
0x85: {  	_ =	swait.ge [sflag:s8], $0x400  }
0x86: {  	[sflag:s8] =	ssyncset.done $0x0  }
0x87: {  	[sflag:s8] =	ssyncadd.s32 $0xFFFFFC00  }
0x88: {  	[spmem:s2] =	stream.indirect.scatter.add.f32 [tilespmem:s11], [sflag:$0x1], $0x1, s12, s10, $0xb8;
	[tilespmem:$0x3100] =	vst v63  }
0x89: {  	_ =	swait.ge [sflag:s8], $0x400  }
0x8a: {  	[sflag:s8] =	ssyncset.done $0x0  }
0x8b: {  	[sflag:s8] =	ssyncadd.s32 $0xFFFFFC00  }
0x8c: {  	[spmem:s2] =	stream.indirect.scatter.add.f32 [tilespmem:s11], [sflag:$0x1], $0x1, s13, s10, $0xb8;
	[tilespmem:$0x3100] =	vst v63  }
0x8d: {  	_ =	swait.ge [sflag:s8], $0x400  }
0x8e: {  	[sflag:s8] =	ssyncset.done $0x0  }
0x8f: {  	[sflag:s8] =	ssyncadd.s32 $0xFFFFFC00  }
0x90: {  	[spmem:s2] =	stream.indirect.scatter.add.f32 [tilespmem:s11], [sflag:$0x1], $0x1, s14, s10, $0xb8;
	[tilespmem:$0x3100] =	vst v63  }
0x91: {  	_ =	swait.ge [sflag:s8], $0x400  }
0x92: {  	[sflag:s8] =	ssyncset.done $0x0  }
0x93: {  	[sflag:s8] =	ssyncadd.s32 $0xFFFFFC00  }
0x94: {  	[spmem:s2] =	stream.indirect.scatter.add.f32 [tilespmem:s11], [sflag:$0x1], $0x1, s15, s10, $0xb8;
	[tilespmem:$0x3100] =	vst v63  }
0x95: {  	_ =	swait.ge [sflag:s8], $0x400  }
0x96: {  	[sflag:s8] =	ssyncset.done $0x0  }
0x97: {  	[sflag:s8] =	ssyncadd.s32 $0xFFFFFC00  }
0x98: {  	[spmem:s2] =	stream.indirect.scatter.add.f32 [tilespmem:s11], [sflag:$0x1], $0x1, s16, s10, $0xb8;
	[tilespmem:$0x3100] =	vst v63  }
0x99: {  	_ =	swait.ge [sflag:s8], $0x400  }
0x9a: {  	[sflag:s8] =	ssyncset.done $0x0  }
0x9b: {  	[sflag:s8] =	ssyncadd.s32 $0xFFFFFC00  }
0x9c: {  	[spmem:s2] =	stream.indirect.scatter.add.f32 [tilespmem:s11], [sflag:$0x1], $0x1, s17, s10, $0xb8;
	[tilespmem:$0x3100] =	vst v63  }
0x9d: {  	_ =	swait.ge [sflag:s8], $0x400  }
0x9e: {  	[sflag:s8] =	ssyncset.done $0x0  }
0x9f: {  	[sflag:s8] =	ssyncadd.s32 $0xFFFFFC00  }
0xa0: {  	[spmem:s2] =	stream.indirect.scatter.add.f32 [tilespmem:s11], [sflag:$0x1], $0x1, s18, s10, $0xb8;
	[tilespmem:$0x3100] =	vst v63  }
0xa1: {  	_ =	swait.ge [sflag:s8], $0x400  }
0xa2: {  	[sflag:s8] =	ssyncset.done $0x0  }
0xa3: {  	[sflag:s8] =	ssyncadd.s32 $0xFFFFFC00  }
0xa4: {  	[spmem:s2] =	stream.indirect.scatter.add.f32 [tilespmem:s11], [sflag:$0x1], $0x1, s19, s10, $0xb8;
	[tilespmem:$0x3100] =	vst v63  }
0xa5: {  	_ =	swait.ge [sflag:s8], $0x400  }
0xa6: {  	[sflag:s8] =	ssyncset.done $0x0  }
0xa7: {  	p0 =	sne.s32 s7, $0x1;
	[sflag:s8] =	ssyncadd.s32 $0xFFFFFC00  }
.Ltmp0:
0xa8: {  	[bflag:$0x0] =	sbarrier.arrive $0xFFFF;
	(pc) =	sbr.rel @p0 .LBB2_1-.Ltmp0, $4  }
0xa9: {  	[hbm:s6], [sflag:s20] =	dma.local [spmem:s21], $0x50  }
0xaa: {  	_ =	swait.ge [sflag:s8], $0x50  }
0xab: {  	[sflag:s8] =	ssyncset.done $0x0  }
0xac: {  	s7 =	sadd.s32 $0xFFFFFFFF, s7;
	[sflag:s8] =	ssyncadd.s32 $0xFFFFFFB0  }
0xad: {  	_ =	sfence.sel $0x180000  }
0xae: {  	[bflag:$0x0] =	sbarrier.arrive $0xFFFF  }
0xaf: {  	p0 =	sne.s32 s1, $0x0;
	_ =	strace $0x90000047  }
0xb0: {  	s0 =	sadd.s32 @!p0 $0x100000, s0;
	[bflag:$0x2] =	sbarrier.arrive $0xFFFF  }
0xb1: {  	[sflag:s0] =	ssyncadd.tile.s32 @!p0 $0x1;
	_ =	shalt  }
.Lfunc_end2:
_tile_overlayer_lowered:
.L_overlay_start_2:
0xb2: {  	(tag) =	ssettag $0x2  }
0xb3: {  	s0 =	rddreg [dreg:$0x0];
	s2 =	stileid.u32  }
0xb4: {  	s1 =	rddreg [dreg:$0x1];
	p0 =	sne.s32 s2, $0x0  }
0xb5: {  	s3 =	rddreg [dreg:$0x2];
	[bflag:$0x3] =	sbarrier.arrive $0xFFFF;
	s2 =	simm.s32 @!p0 $0x1C01  }
0xb6: {  	[timem:s3], [sflag:s2] =	dma.local @!p0 [hbm:s0], s1  }
0xb7: {  	s0 =	simm.s32 @!p0 $0x1  }
0xb8: {  	_ =	swait.ge @!p0 [sflag:s0], s1  }
0xb9: {  	s1 =	ssub.s32 @!p0 $0x0, s1;
	[sflag:s0] =	ssyncset.done @!p0 $0x0  }
0xba: {  	[sflag:s0] =	ssyncadd.s32 @!p0 s1  }
0xbb: {  	[bflag:$0x3] =	sbarrier.arrive $0xFFFF  }
0xbc: {  	_ =	shalt  }

</sc_bundles>
